<compile_context>
chip_gen: v7x
topology: tpu7x:2x2x1
jax: 0.10.2.dev20260603
libtpu: 0.0.44.dev20260713+nightly
codegen_flags: <defaults>
</compile_context>

<pallas_src>
import functools

import jax
import jax.numpy as jnp
from jax import lax
from jax.experimental import pallas as pl
from jax.experimental.pallas import tpu as pltpu
from jax.experimental.pallas import tpu_sc as plsc

N = 10000
E = 320000
D_IN = 128
D_H = 64
NG = 128
NCLS = 10
LANES = 128

NC = 2
NS = 16
NW = NC * NS
DC = D_H // NC
CH = 80
EPT = E // NS
RPT = EPT // CH
EPW = E // NW
RPW = EPW // CH
NPT = N // NS

CB = 1000
GB = N // CB

_mesh = plsc.VectorSubcoreMesh(core_axis_name="c", subcore_axis_name="s")
_sc_params = pltpu.CompilerParams(use_tc_tiling_on_sc=False)


def _sc_degree(dst, ones, zeros):

    @functools.partial(
        pl.kernel,
        out_type=jax.ShapeDtypeStruct((N, LANES), jnp.float32),
        mesh=_mesh,
        compiler_params=_sc_params,
        scratch_types=[
            pltpu.VMEM((EPW,), jnp.int32),
            pltpu.VMEM((CH, 16), jnp.float32),
            pltpu.VMEM_SHARED((N, 16), jnp.float32),
            pltpu.SemaphoreType.DMA,
            pltpu.SemaphoreType.DMA,
        ],
    )
    def k(dst_hbm, ones_hbm, zeros_hbm, out_hbm, idx_v, ones_v, cnt_s,
          sem, semp):
        c = lax.axis_index("c")
        s = lax.axis_index("s")
        wid = s * NC + c
        p0 = pltpu.async_copy(zeros_hbm.at[pl.ds(s * NPT, NPT), pl.ds(0, 16)],
                              cnt_s.at[pl.ds(s * NPT, NPT)], semp)
        p1 = pltpu.async_copy(ones_hbm, ones_v, semp)
        p2 = pltpu.async_copy(dst_hbm.at[pl.ds(wid * EPW, EPW)], idx_v, sem)
        p0.wait()
        p1.wait()
        p2.wait()
        plsc.subcore_barrier()

        K_FIRE = 25

        @pl.loop(0, RPW, step=K_FIRE)
        def _(g):
            for b in range(K_FIRE):
                pltpu.async_copy(
                    ones_v, cnt_s.at[idx_v.at[pl.ds((g + b) * CH, CH)]],
                    sem, add=True)
            for b in range(K_FIRE):
                pltpu.make_async_copy(
                    ones_v, cnt_s.at[idx_v.at[pl.ds((g + b) * CH, CH)]],
                    sem).wait()

        plsc.subcore_barrier()
        pltpu.sync_copy(cnt_s.at[pl.ds(s * NPT, NPT)],
                        out_hbm.at[pl.ds(s * NPT, NPT), pl.ds(c * 16, 16)])

    return k(dst, ones, zeros)


def _sc_scatter(h, src, dst, zeros):
    NBUF = 10

    @functools.partial(
        pl.kernel,
        out_type=jax.ShapeDtypeStruct((N, LANES), jnp.float32),
        mesh=_mesh,
        compiler_params=_sc_params,
        scratch_types=[
            pltpu.VMEM((EPT,), jnp.int32),
            pltpu.VMEM((EPT,), jnp.int32),
            [pltpu.VMEM((CH, DC), jnp.float32)] * NBUF,
            pltpu.VMEM_SHARED((N, DC), jnp.float32),
            pltpu.VMEM_SHARED((N, DC), jnp.float32),
            [pltpu.SemaphoreType.DMA] * NBUF,
            [pltpu.SemaphoreType.DMA] * NBUF,
        ],
    )
    def k(h_hbm, src_hbm, dst_hbm, zeros_hbm, out_hbm,
          src_v, dst_v, rows, hs, acc, semg, sems):
        c = lax.axis_index("c")
        s = lax.axis_index("s")
        p0 = pltpu.async_copy(
            h_hbm.at[pl.ds(s * NPT, NPT), pl.ds(c * DC, DC)],
            hs.at[pl.ds(s * NPT, NPT)], semg[0])
        p1 = pltpu.async_copy(
            zeros_hbm.at[pl.ds(s * NPT, NPT), pl.ds(0, DC)],
            acc.at[pl.ds(s * NPT, NPT)], semg[1])
        p2 = pltpu.async_copy(src_hbm.at[pl.ds(s * EPT, EPT)], src_v, semg[2])
        p3 = pltpu.async_copy(dst_hbm.at[pl.ds(s * EPT, EPT)], dst_v, semg[3])
        p0.wait()
        p1.wait()
        p2.wait()
        p3.wait()
        plsc.subcore_barrier()

        @pl.loop(0, RPT, step=NBUF)
        def _(g):
            for b in range(NBUF):
                @pl.when(g > 0)
                def _():
                    pltpu.make_async_copy(
                        rows[b],
                        acc.at[dst_v.at[pl.ds((g + b - NBUF) * CH, CH)]],
                        sems[b]).wait()
                pltpu.async_copy(
                    hs.at[src_v.at[pl.ds((g + b) * CH, CH)]], rows[b],
                    semg[b])
            for b in range(NBUF):
                pltpu.make_async_copy(
                    hs.at[src_v.at[pl.ds((g + b) * CH, CH)]], rows[b],
                    semg[b]).wait()
                pltpu.async_copy(
                    rows[b], acc.at[dst_v.at[pl.ds((g + b) * CH, CH)]],
                    sems[b], add=True)

        for b in range(NBUF):
            pltpu.make_async_copy(
                rows[b], acc.at[dst_v.at[pl.ds((RPT - NBUF + b) * CH, CH)]],
                sems[b]).wait()

        plsc.subcore_barrier()
        pltpu.sync_copy(acc.at[pl.ds(s * NPT, NPT)],
                        out_hbm.at[pl.ds(s * NPT, NPT), pl.ds(c * DC, DC)])

    return k(h, src, dst, zeros)


def _tc_mm(x, W1):

    def body(x_ref, w_ref, h_ref):
        h_ref[...] = jnp.dot(x_ref[...], w_ref[...],
                             preferred_element_type=jnp.float32)

    return pl.pallas_call(
        body,
        grid=(GB,),
        in_specs=[
            pl.BlockSpec((CB, D_IN), lambda i: (i, 0)),
            pl.BlockSpec((D_IN, D_H), lambda i: (0, 0)),
        ],
        out_specs=pl.BlockSpec((CB, D_H), lambda i: (i, 0)),
        out_shape=jax.ShapeDtypeStruct((N, D_H), jnp.float32),
    )(x, W1)


def _tc_scale(cnt, h1):

    def body(cnt_ref, h1_ref, h_ref, dinv_ref):
        deg = cnt_ref[:, 0:1] + cnt_ref[:, 16:17] + 1.0
        dinv = lax.rsqrt(deg)
        h = h1_ref[...] * dinv
        h_ref[...] = jnp.concatenate([h, jnp.zeros_like(h)], axis=1)
        dinv_ref[...] = dinv

    return pl.pallas_call(
        body,
        grid=(GB,),
        in_specs=[
            pl.BlockSpec((CB, LANES), lambda i: (i, 0)),
            pl.BlockSpec((CB, D_H), lambda i: (i, 0)),
        ],
        out_specs=[
            pl.BlockSpec((CB, LANES), lambda i: (i, 0)),
            pl.BlockSpec((CB, 1), lambda i: (i, 0)),
        ],
        out_shape=[
            jax.ShapeDtypeStruct((N, LANES), jnp.float32),
            jax.ShapeDtypeStruct((N, 1), jnp.float32),
        ],
    )(cnt, h1)


def _tc_mid(s1, h1p, dinv, b1, W2):

    def body(s_ref, h_ref, d_ref, b_ref, w_ref, o_ref):
        t = s_ref[:, :D_H] + h_ref[:, :D_H]
        out1 = jnp.maximum(t * d_ref[...] + b_ref[...], 0.0)
        h2 = jnp.dot(out1, w_ref[...],
                     preferred_element_type=jnp.float32) * d_ref[...]
        o_ref[...] = jnp.concatenate([h2, jnp.zeros_like(h2)], axis=1)

    return pl.pallas_call(
        body,
        grid=(GB,),
        in_specs=[
            pl.BlockSpec((CB, LANES), lambda i: (i, 0)),
            pl.BlockSpec((CB, LANES), lambda i: (i, 0)),
            pl.BlockSpec((CB, 1), lambda i: (i, 0)),
            pl.BlockSpec((1, D_H), lambda i: (0, 0)),
            pl.BlockSpec((D_H, D_H), lambda i: (0, 0)),
        ],
        out_specs=pl.BlockSpec((CB, LANES), lambda i: (i, 0)),
        out_shape=jax.ShapeDtypeStruct((N, LANES), jnp.float32),
    )(s1, h1p, dinv, b1, W2)


def _tc_final(s2, h2p, dinv, b2, batch3, fc_W, fc_b):

    def body(s_ref, h_ref, d_ref, b_ref, bt_ref, w_ref, fb_ref, o_ref, acc):
        i = pl.program_id(0)

        @pl.when(i == 0)
        def _():
            acc[...] = jnp.zeros_like(acc)

        t = s_ref[:, :D_H] + h_ref[:, :D_H]
        out2 = t * d_ref[...] + b_ref[...]
        bt = bt_ref[0]
        gids = lax.broadcasted_iota(jnp.int32, (NG, CB), 0)
        onehot = (gids == bt).astype(jnp.float32)
        acc[...] += jnp.dot(onehot, out2, preferred_element_type=jnp.float32)

        @pl.when(i == GB - 1)
        def _():
            logits = jnp.dot(acc[...], w_ref[...],
                             preferred_element_type=jnp.float32) + fb_ref[...]
            m = jnp.max(logits, axis=1, keepdims=True)
            lse = jnp.log(jnp.sum(jnp.exp(logits - m), axis=1,
                                  keepdims=True)) + m
            o_ref[...] = logits - lse

    return pl.pallas_call(
        body,
        grid=(GB,),
        in_specs=[
            pl.BlockSpec((CB, LANES), lambda i: (i, 0)),
            pl.BlockSpec((CB, LANES), lambda i: (i, 0)),
            pl.BlockSpec((CB, 1), lambda i: (i, 0)),
            pl.BlockSpec((1, D_H), lambda i: (0, 0)),
            pl.BlockSpec((1, 1, CB), lambda i: (i, 0, 0)),
            pl.BlockSpec((D_H, NCLS), lambda i: (0, 0)),
            pl.BlockSpec((1, NCLS), lambda i: (0, 0)),
        ],
        out_specs=pl.BlockSpec((NG, NCLS), lambda i: (0, 0)),
        out_shape=jax.ShapeDtypeStruct((NG, NCLS), jnp.float32),
        scratch_shapes=[pltpu.VMEM((NG, D_H), jnp.float32)],
    )(s2, h2p, dinv, b2, batch3, fc_W, fc_b)


def kernel(x, edge_index, batch, W1, b1, W2, b2, fc_W, fc_b):
    src = edge_index[0].astype(jnp.int32)
    dst = edge_index[1].astype(jnp.int32)
    ones = jnp.ones((CH, 16), jnp.float32)
    zeros = jnp.zeros((N, LANES), jnp.float32)

    h1 = _tc_mm(x, W1)
    cnt = _sc_degree(dst, ones, zeros)
    h1p, dinv = _tc_scale(cnt, h1)
    s1 = _sc_scatter(h1p, src, dst, zeros)
    h2p = _tc_mid(s1, h1p, dinv, b1.reshape(1, D_H), W2)
    s2 = _sc_scatter(h2p, src, dst, zeros)
    return _tc_final(s2, h2p, dinv, b2.reshape(1, D_H),
                     batch.reshape(GB, 1, CB).astype(jnp.int32),
                     fc_W, fc_b.reshape(1, NCLS))

# --- scband reference (transcript-rebuilt; emitter-appended) ---
"""Pipeline reference for scband-gcngraph-classifier-39848706573595 (READ-ONLY COPY).

The authoritative reference and input builder live on the scoring server;
editing this copy changes nothing except your own understanding.
"""

import jax, jax.numpy as jnp
import numpy as np

N = 10000
E = 320000
D_IN = 128
D_H = 64
N_CLASSES = 10
N_GRAPHS = 128


def gcn_conv(x, edge_index, W, b):
    n = x.shape[0]
    loop = jnp.arange(n, dtype=edge_index.dtype)
    src = jnp.concatenate([edge_index[0], loop])
    dst = jnp.concatenate([edge_index[1], loop])
    deg = jnp.zeros((n,), x.dtype).at[dst].add(1.0)
    dinv = jnp.where(deg > 0, jax.lax.rsqrt(jnp.maximum(deg, 1e-12)), 0.0)
    norm = dinv[src] * dinv[dst]
    h = x @ W
    out = jnp.zeros((n, W.shape[1]), x.dtype).at[dst].add(h[src] * norm[:, None])
    return out + b


def setup_inputs(seed: int = 0):
    key = jax.random.key(seed)
    ks = jax.random.split(key, 8)
    x = jax.random.normal(ks[0], (N, D_IN), dtype=jnp.float32)
    edge_index = jax.random.randint(ks[1], (2, E), 0, N)
    batch = jnp.sort(jax.random.randint(ks[2], (N,), 0, N_GRAPHS))
    W1 = jax.random.normal(ks[3], (D_IN, D_H), dtype=jnp.float32) * 0.05
    b1 = jnp.zeros((D_H,), dtype=jnp.float32)
    W2 = jax.random.normal(ks[4], (D_H, D_H), dtype=jnp.float32) * 0.05
    b2 = jnp.zeros((D_H,), dtype=jnp.float32)
    fc_W = jax.random.normal(ks[5], (D_H, N_CLASSES), dtype=jnp.float32) * 0.05
    fc_b = jnp.zeros((N_CLASSES,), dtype=jnp.float32)
    return {"x": x, "edge_index": edge_index, "batch": batch, "W1": W1, "b1": b1, "W2": W2, "b2": b2, "fc_W": fc_W, "fc_b": fc_b}


def reference(x, edge_index, batch, W1, b1, W2, b2, fc_W, fc_b):
    h = gcn_conv(x, edge_index, W1, b1)
    h = jax.nn.relu(h)
    h = gcn_conv(h, edge_index, W2, b2)
    pooled = jax.ops.segment_sum(h, batch, num_segments=N_GRAPHS)
    logits = pooled @ fc_W + fc_b
    return jax.nn.log_softmax(logits, axis=1)

if __name__ == "__main__":
    import jax
    _d = setup_inputs()
    print(jax.jit(kernel)(*tuple(_d.values())))

</pallas_src>

<mosaic_0001>
#map = affine_map<(d0, d1) -> (0, 0)>
#map1 = affine_map<(d0, d1) -> (0)>
module attributes {stable_mosaic.version = 14 : i64} {
  func.func @k(%arg0: i32, %arg1: i32, %arg2: memref<10000x128xf32, #tpu.memory_space<hbm>>, %arg3: memref<320000xi32, #tpu.memory_space<hbm>>, %arg4: memref<320000xi32, #tpu.memory_space<hbm>>, %arg5: memref<10000x128xf32, #tpu.memory_space<hbm>>, %arg6: memref<10000x128xf32, #tpu.memory_space<hbm>>, %arg7: memref<20000xi32, #tpu.memory_space<vmem>>, %arg8: memref<20000xi32, #tpu.memory_space<vmem>>, %arg9: memref<80x32xf32, #tpu.memory_space<vmem>>, %arg10: memref<80x32xf32, #tpu.memory_space<vmem>>, %arg11: memref<80x32xf32, #tpu.memory_space<vmem>>, %arg12: memref<80x32xf32, #tpu.memory_space<vmem>>, %arg13: memref<80x32xf32, #tpu.memory_space<vmem>>, %arg14: memref<80x32xf32, #tpu.memory_space<vmem>>, %arg15: memref<80x32xf32, #tpu.memory_space<vmem>>, %arg16: memref<80x32xf32, #tpu.memory_space<vmem>>, %arg17: memref<80x32xf32, #tpu.memory_space<vmem>>, %arg18: memref<80x32xf32, #tpu.memory_space<vmem>>, %arg19: memref<10000x32xf32, #tpu.memory_space<vmem_shared>>, %arg20: memref<10000x32xf32, #tpu.memory_space<vmem_shared>>, %arg21: memref<!tpu.dma_semaphore, #tpu.memory_space<semaphore_mem>>, %arg22: memref<!tpu.dma_semaphore, #tpu.memory_space<semaphore_mem>>, %arg23: memref<!tpu.dma_semaphore, #tpu.memory_space<semaphore_mem>>, %arg24: memref<!tpu.dma_semaphore, #tpu.memory_space<semaphore_mem>>, %arg25: memref<!tpu.dma_semaphore, #tpu.memory_space<semaphore_mem>>, %arg26: memref<!tpu.dma_semaphore, #tpu.memory_space<semaphore_mem>>, %arg27: memref<!tpu.dma_semaphore, #tpu.memory_space<semaphore_mem>>, %arg28: memref<!tpu.dma_semaphore, #tpu.memory_space<semaphore_mem>>, %arg29: memref<!tpu.dma_semaphore, #tpu.memory_space<semaphore_mem>>, %arg30: memref<!tpu.dma_semaphore, #tpu.memory_space<semaphore_mem>>, %arg31: memref<!tpu.dma_semaphore, #tpu.memory_space<semaphore_mem>>, %arg32: memref<!tpu.dma_semaphore, #tpu.memory_space<semaphore_mem>>, %arg33: memref<!tpu.dma_semaphore, #tpu.memory_space<semaphore_mem>>, %arg34: memref<!tpu.dma_semaphore, #tpu.memory_space<semaphore_mem>>, %arg35: memref<!tpu.dma_semaphore, #tpu.memory_space<semaphore_mem>>, %arg36: memref<!tpu.dma_semaphore, #tpu.memory_space<semaphore_mem>>, %arg37: memref<!tpu.dma_semaphore, #tpu.memory_space<semaphore_mem>>, %arg38: memref<!tpu.dma_semaphore, #tpu.memory_space<semaphore_mem>>, %arg39: memref<!tpu.dma_semaphore, #tpu.memory_space<semaphore_mem>>, %arg40: memref<!tpu.dma_semaphore, #tpu.memory_space<semaphore_mem>>) attributes {dimension_semantics = [#tpu.dimension_semantics<core_parallel>, #tpu.dimension_semantics<subcore_parallel>], iteration_bounds = array<i64: 2, 16>, scalar_prefetch = 0 : i64, scratch_operands = 34 : i64, tpu.core_type = #tpu.core_type<sc_vector_subcore>, window_params = [{transform_indices = #map}, {transform_indices = #map1}, {transform_indices = #map1}, {transform_indices = #map}, {transform_indices = #map}]} {
    %mul3A = arith.constant 625 : i32
    %mul3A_0 = arith.muli %arg1, %mul3A : i32
    %mul3A_1 = arith.constant 32 : i32
    %mul3A_2 = arith.muli %arg0, %mul3A_1 : i32
    %mul3A_3 = arith.constant 625 : i32
    %mul3A_4 = arith.muli %arg1, %mul3A_3 : i32
    %dma_start3A = arith.constant 0 : i32
    %dma_start3A_5 = tpu.memref_slice %arg19[%mul3A_4, %dma_start3A] : memref<10000x32xf32, #tpu.memory_space<vmem_shared>> -> memref<625x32xf32, #tpu.memory_space<vmem_shared>>
    %dma_start3A_6 = tpu.memref_slice %arg2[%mul3A_0, %mul3A_2] : memref<10000x128xf32, #tpu.memory_space<hbm>> -> memref<625x32xf32, #tpu.memory_space<hbm>>
    tpu.enqueue_dma source(%dma_start3A_6 : memref<625x32xf32, #tpu.memory_space<hbm>>) target(%dma_start3A_5 : memref<625x32xf32, #tpu.memory_space<vmem_shared>>) target_semaphore(%arg21 : memref<!tpu.dma_semaphore, #tpu.memory_space<semaphore_mem>>)
    %mul3A_7 = arith.constant 625 : i32
    %mul3A_8 = arith.muli %arg1, %mul3A_7 : i32
    %mul3A_9 = arith.constant 625 : i32
    %mul3A_10 = arith.muli %arg1, %mul3A_9 : i32
    %dma_start3A_11 = arith.constant 0 : i32
    %dma_start3A_12 = tpu.memref_slice %arg20[%mul3A_10, %dma_start3A_11] : memref<10000x32xf32, #tpu.memory_space<vmem_shared>> -> memref<625x32xf32, #tpu.memory_space<vmem_shared>>
    %dma_start3A_13 = arith.constant 0 : i32
    %dma_start3A_14 = tpu.memref_slice %arg5[%mul3A_8, %dma_start3A_13] : memref<10000x128xf32, #tpu.memory_space<hbm>> -> memref<625x32xf32, #tpu.memory_space<hbm>>
    tpu.enqueue_dma source(%dma_start3A_14 : memref<625x32xf32, #tpu.memory_space<hbm>>) target(%dma_start3A_12 : memref<625x32xf32, #tpu.memory_space<vmem_shared>>) target_semaphore(%arg22 : memref<!tpu.dma_semaphore, #tpu.memory_space<semaphore_mem>>)
    %mul3A_15 = arith.constant 20000 : i32
    %mul3A_16 = arith.muli %arg1, %mul3A_15 : i32
    %dma_start3A_17 = tpu.memref_slice %arg3[%mul3A_16] : memref<320000xi32, #tpu.memory_space<hbm>> -> memref<20000xi32, #tpu.memory_space<hbm>>
    %dma_start3A_18 = tpu.memref_slice %arg3[%mul3A_16] : memref<320000xi32, #tpu.memory_space<hbm>> -> memref<20000xi32, #tpu.memory_space<hbm>>
    tpu.enqueue_dma source(%dma_start3A_18 : memref<20000xi32, #tpu.memory_space<hbm>>) target(%arg7 : memref<20000xi32, #tpu.memory_space<vmem>>) target_semaphore(%arg23 : memref<!tpu.dma_semaphore, #tpu.memory_space<semaphore_mem>>)
    %mul3A_19 = arith.constant 20000 : i32
    %mul3A_20 = arith.muli %arg1, %mul3A_19 : i32
    %dma_start3A_21 = tpu.memref_slice %arg4[%mul3A_20] : memref<320000xi32, #tpu.memory_space<hbm>> -> memref<20000xi32, #tpu.memory_space<hbm>>
    %dma_start3A_22 = tpu.memref_slice %arg4[%mul3A_20] : memref<320000xi32, #tpu.memory_space<hbm>> -> memref<20000xi32, #tpu.memory_space<hbm>>
    tpu.enqueue_dma source(%dma_start3A_22 : memref<20000xi32, #tpu.memory_space<hbm>>) target(%arg8 : memref<20000xi32, #tpu.memory_space<vmem>>) target_semaphore(%arg24 : memref<!tpu.dma_semaphore, #tpu.memory_space<semaphore_mem>>)
    %dma_wait3A = arith.constant 0 : i32
    %dma_wait3A_23 = tpu.memref_slice %arg19[%mul3A_4, %dma_wait3A] : memref<10000x32xf32, #tpu.memory_space<vmem_shared>> -> memref<625x32xf32, #tpu.memory_space<vmem_shared>>
    %dma_wait3A_24 = tpu.memref_slice %arg2[%mul3A_0, %mul3A_2] : memref<10000x128xf32, #tpu.memory_space<hbm>> -> memref<625x32xf32, #tpu.memory_space<hbm>>
    tpu.wait_dma2 semaphore(%arg21 : memref<!tpu.dma_semaphore, #tpu.memory_space<semaphore_mem>>) src(%dma_wait3A_24 : memref<625x32xf32, #tpu.memory_space<hbm>>) dst(%dma_wait3A_23 : memref<625x32xf32, #tpu.memory_space<vmem_shared>>)
    %dma_wait3A_25 = arith.constant 0 : i32
    %dma_wait3A_26 = tpu.memref_slice %arg20[%mul3A_10, %dma_wait3A_25] : memref<10000x32xf32, #tpu.memory_space<vmem_shared>> -> memref<625x32xf32, #tpu.memory_space<vmem_shared>>
    %dma_wait3A_27 = arith.constant 0 : i32
    %dma_wait3A_28 = tpu.memref_slice %arg5[%mul3A_8, %dma_wait3A_27] : memref<10000x128xf32, #tpu.memory_space<hbm>> -> memref<625x32xf32, #tpu.memory_space<hbm>>
    tpu.wait_dma2 semaphore(%arg22 : memref<!tpu.dma_semaphore, #tpu.memory_space<semaphore_mem>>) src(%dma_wait3A_28 : memref<625x32xf32, #tpu.memory_space<hbm>>) dst(%dma_wait3A_26 : memref<625x32xf32, #tpu.memory_space<vmem_shared>>)
    %dma_wait3A_29 = tpu.memref_slice %arg3[%mul3A_16] : memref<320000xi32, #tpu.memory_space<hbm>> -> memref<20000xi32, #tpu.memory_space<hbm>>
    %dma_wait3A_30 = tpu.memref_slice %arg3[%mul3A_16] : memref<320000xi32, #tpu.memory_space<hbm>> -> memref<20000xi32, #tpu.memory_space<hbm>>
    tpu.wait_dma2 semaphore(%arg23 : memref<!tpu.dma_semaphore, #tpu.memory_space<semaphore_mem>>) src(%dma_wait3A_30 : memref<20000xi32, #tpu.memory_space<hbm>>) dst(%arg7 : memref<20000xi32, #tpu.memory_space<vmem>>)
    %dma_wait3A_31 = tpu.memref_slice %arg4[%mul3A_20] : memref<320000xi32, #tpu.memory_space<hbm>> -> memref<20000xi32, #tpu.memory_space<hbm>>
    %dma_wait3A_32 = tpu.memref_slice %arg4[%mul3A_20] : memref<320000xi32, #tpu.memory_space<hbm>> -> memref<20000xi32, #tpu.memory_space<hbm>>
    tpu.wait_dma2 semaphore(%arg24 : memref<!tpu.dma_semaphore, #tpu.memory_space<semaphore_mem>>) src(%dma_wait3A_32 : memref<20000xi32, #tpu.memory_space<hbm>>) dst(%arg8 : memref<20000xi32, #tpu.memory_space<vmem>>)
    %barrier3A = arith.constant 0 : index
    tpu.barrier barrier_id(%barrier3A)
    %scan3A = arith.constant 0 : i32
    %scan3A_33 = arith.constant 25 : i32
    %scan3A_34 = arith.addi %scan3A, %scan3A_33 : i32
    %scan3A_35 = arith.constant 1 : i32
    scf.for %scan3A_94 = %scan3A to %scan3A_34 step %scan3A_35  : i32 {
      %mul3A_95 = arith.constant 10 : i32
      %mul3A_96 = arith.muli %scan3A_94, %mul3A_95 : i32
      %add3A = arith.constant 0 : i32
      %add3A_97 = arith.addi %add3A, %mul3A_96 : i32
      %gt3A = arith.constant 0 : i32
      %gt3A_98 = arith.cmpi sgt, %add3A_97, %gt3A : i32
      %convert_element_type3A = arith.extui %gt3A_98 : i1 to i32
      %cond3A = arith.constant 0 : i32
      %cond3A_99 = arith.cmpi ne, %convert_element_type3A, %cond3A : i32
      scf.if %cond3A_99 {
        %add3A_385 = arith.constant 0 : i32
        %add3A_386 = arith.addi %add3A_97, %add3A_385 : i32
        %sub3A = arith.constant 10 : i32
        %sub3A_387 = arith.subi %add3A_386, %sub3A : i32
        %mul3A_388 = arith.constant 80 : i32
        %mul3A_389 = arith.muli %sub3A_387, %mul3A_388 : i32
        %dma_wait3A_390 = tpu.memref_slice %arg8[%mul3A_389] : memref<20000xi32, #tpu.memory_space<vmem>> -> memref<80xi32, #tpu.memory_space<vmem>>
        %dma_wait3A_391 = arith.constant 0 : i32
        %dma_wait3A_392 = arith.constant 0 : i32
        %dma_wait3A_393 = tpu.memref_slice %arg20[%dma_wait3A_391, %dma_wait3A_392] : memref<10000x32xf32, #tpu.memory_space<vmem_shared>> -> memref<10000x32xf32, #tpu.memory_space<vmem_shared>>
        tpu.wait_indirect_dma semaphore(%arg31 : memref<!tpu.dma_semaphore, #tpu.memory_space<semaphore_mem>>) src(%arg9 : memref<80x32xf32, #tpu.memory_space<vmem>>) dst(%dma_wait3A_393 : memref<10000x32xf32, #tpu.memory_space<vmem_shared>>)
      } else {
      }
      %add3A_100 = arith.constant 0 : i32
      %add3A_101 = arith.addi %add3A_97, %add3A_100 : i32
      %mul3A_102 = arith.constant 80 : i32
      %mul3A_103 = arith.muli %add3A_101, %mul3A_102 : i32
      %dma_start3A_104 = tpu.memref_slice %arg7[%mul3A_103] : memref<20000xi32, #tpu.memory_space<vmem>> -> memref<80xi32, #tpu.memory_space<vmem>>
      %dma_start3A_105 = arith.constant 0 : i32
      %dma_start3A_106 = arith.constant 0 : i32
      %dma_start3A_107 = tpu.memref_slice %arg19[%dma_start3A_105, %dma_start3A_106] : memref<10000x32xf32, #tpu.memory_space<vmem_shared>> -> memref<10000x32xf32, #tpu.memory_space<vmem_shared>>
      tpu.enqueue_indirect_dma source(%dma_start3A_107 : memref<10000x32xf32, #tpu.memory_space<vmem_shared>>) target(%arg9 : memref<80x32xf32, #tpu.memory_space<vmem>>) offsets(%dma_start3A_104 : memref<80xi32, #tpu.memory_space<vmem>>) semaphore(%arg21 : memref<!tpu.dma_semaphore, #tpu.memory_space<semaphore_mem>>)
      %gt3A_108 = arith.constant 0 : i32
      %gt3A_109 = arith.cmpi sgt, %add3A_97, %gt3A_108 : i32
      %convert_element_type3A_110 = arith.extui %gt3A_109 : i1 to i32
      %cond3A_111 = arith.constant 0 : i32
      %cond3A_112 = arith.cmpi ne, %convert_element_type3A_110, %cond3A_111 : i32
      scf.if %cond3A_112 {
        %add3A_385 = arith.constant 1 : i32
        %add3A_386 = arith.addi %add3A_97, %add3A_385 : i32
        %sub3A = arith.constant 10 : i32
        %sub3A_387 = arith.subi %add3A_386, %sub3A : i32
        %mul3A_388 = arith.constant 80 : i32
        %mul3A_389 = arith.muli %sub3A_387, %mul3A_388 : i32
        %dma_wait3A_390 = tpu.memref_slice %arg8[%mul3A_389] : memref<20000xi32, #tpu.memory_space<vmem>> -> memref<80xi32, #tpu.memory_space<vmem>>
        %dma_wait3A_391 = arith.constant 0 : i32
        %dma_wait3A_392 = arith.constant 0 : i32
        %dma_wait3A_393 = tpu.memref_slice %arg20[%dma_wait3A_391, %dma_wait3A_392] : memref<10000x32xf32, #tpu.memory_space<vmem_shared>> -> memref<10000x32xf32, #tpu.memory_space<vmem_shared>>
        tpu.wait_indirect_dma semaphore(%arg32 : memref<!tpu.dma_semaphore, #tpu.memory_space<semaphore_mem>>) src(%arg10 : memref<80x32xf32, #tpu.memory_space<vmem>>) dst(%dma_wait3A_393 : memref<10000x32xf32, #tpu.memory_space<vmem_shared>>)
      } else {
      }
      %add3A_113 = arith.constant 1 : i32
      %add3A_114 = arith.addi %add3A_97, %add3A_113 : i32
      %mul3A_115 = arith.constant 80 : i32
      %mul3A_116 = arith.muli %add3A_114, %mul3A_115 : i32
      %dma_start3A_117 = tpu.memref_slice %arg7[%mul3A_116] : memref<20000xi32, #tpu.memory_space<vmem>> -> memref<80xi32, #tpu.memory_space<vmem>>
      %dma_start3A_118 = arith.constant 0 : i32
      %dma_start3A_119 = arith.constant 0 : i32
      %dma_start3A_120 = tpu.memref_slice %arg19[%dma_start3A_118, %dma_start3A_119] : memref<10000x32xf32, #tpu.memory_space<vmem_shared>> -> memref<10000x32xf32, #tpu.memory_space<vmem_shared>>
      tpu.enqueue_indirect_dma source(%dma_start3A_120 : memref<10000x32xf32, #tpu.memory_space<vmem_shared>>) target(%arg10 : memref<80x32xf32, #tpu.memory_space<vmem>>) offsets(%dma_start3A_117 : memref<80xi32, #tpu.memory_space<vmem>>) semaphore(%arg22 : memref<!tpu.dma_semaphore, #tpu.memory_space<semaphore_mem>>)
      %gt3A_121 = arith.constant 0 : i32
      %gt3A_122 = arith.cmpi sgt, %add3A_97, %gt3A_121 : i32
      %convert_element_type3A_123 = arith.extui %gt3A_122 : i1 to i32
      %cond3A_124 = arith.constant 0 : i32
      %cond3A_125 = arith.cmpi ne, %convert_element_type3A_123, %cond3A_124 : i32
      scf.if %cond3A_125 {
        %add3A_385 = arith.constant 2 : i32
        %add3A_386 = arith.addi %add3A_97, %add3A_385 : i32
        %sub3A = arith.constant 10 : i32
        %sub3A_387 = arith.subi %add3A_386, %sub3A : i32
        %mul3A_388 = arith.constant 80 : i32
        %mul3A_389 = arith.muli %sub3A_387, %mul3A_388 : i32
        %dma_wait3A_390 = tpu.memref_slice %arg8[%mul3A_389] : memref<20000xi32, #tpu.memory_space<vmem>> -> memref<80xi32, #tpu.memory_space<vmem>>
        %dma_wait3A_391 = arith.constant 0 : i32
        %dma_wait3A_392 = arith.constant 0 : i32
        %dma_wait3A_393 = tpu.memref_slice %arg20[%dma_wait3A_391, %dma_wait3A_392] : memref<10000x32xf32, #tpu.memory_space<vmem_shared>> -> memref<10000x32xf32, #tpu.memory_space<vmem_shared>>
        tpu.wait_indirect_dma semaphore(%arg33 : memref<!tpu.dma_semaphore, #tpu.memory_space<semaphore_mem>>) src(%arg11 : memref<80x32xf32, #tpu.memory_space<vmem>>) dst(%dma_wait3A_393 : memref<10000x32xf32, #tpu.memory_space<vmem_shared>>)
      } else {
      }
      %add3A_126 = arith.constant 2 : i32
      %add3A_127 = arith.addi %add3A_97, %add3A_126 : i32
      %mul3A_128 = arith.constant 80 : i32
      %mul3A_129 = arith.muli %add3A_127, %mul3A_128 : i32
      %dma_start3A_130 = tpu.memref_slice %arg7[%mul3A_129] : memref<20000xi32, #tpu.memory_space<vmem>> -> memref<80xi32, #tpu.memory_space<vmem>>
      %dma_start3A_131 = arith.constant 0 : i32
      %dma_start3A_132 = arith.constant 0 : i32
      %dma_start3A_133 = tpu.memref_slice %arg19[%dma_start3A_131, %dma_start3A_132] : memref<10000x32xf32, #tpu.memory_space<vmem_shared>> -> memref<10000x32xf32, #tpu.memory_space<vmem_shared>>
      tpu.enqueue_indirect_dma source(%dma_start3A_133 : memref<10000x32xf32, #tpu.memory_space<vmem_shared>>) target(%arg11 : memref<80x32xf32, #tpu.memory_space<vmem>>) offsets(%dma_start3A_130 : memref<80xi32, #tpu.memory_space<vmem>>) semaphore(%arg23 : memref<!tpu.dma_semaphore, #tpu.memory_space<semaphore_mem>>)
      %gt3A_134 = arith.constant 0 : i32
      %gt3A_135 = arith.cmpi sgt, %add3A_97, %gt3A_134 : i32
      %convert_element_type3A_136 = arith.extui %gt3A_135 : i1 to i32
      %cond3A_137 = arith.constant 0 : i32
      %cond3A_138 = arith.cmpi ne, %convert_element_type3A_136, %cond3A_137 : i32
      scf.if %cond3A_138 {
        %add3A_385 = arith.constant 3 : i32
        %add3A_386 = arith.addi %add3A_97, %add3A_385 : i32
        %sub3A = arith.constant 10 : i32
        %sub3A_387 = arith.subi %add3A_386, %sub3A : i32
        %mul3A_388 = arith.constant 80 : i32
        %mul3A_389 = arith.muli %sub3A_387, %mul3A_388 : i32
        %dma_wait3A_390 = tpu.memref_slice %arg8[%mul3A_389] : memref<20000xi32, #tpu.memory_space<vmem>> -> memref<80xi32, #tpu.memory_space<vmem>>
        %dma_wait3A_391 = arith.constant 0 : i32
        %dma_wait3A_392 = arith.constant 0 : i32
        %dma_wait3A_393 = tpu.memref_slice %arg20[%dma_wait3A_391, %dma_wait3A_392] : memref<10000x32xf32, #tpu.memory_space<vmem_shared>> -> memref<10000x32xf32, #tpu.memory_space<vmem_shared>>
        tpu.wait_indirect_dma semaphore(%arg34 : memref<!tpu.dma_semaphore, #tpu.memory_space<semaphore_mem>>) src(%arg12 : memref<80x32xf32, #tpu.memory_space<vmem>>) dst(%dma_wait3A_393 : memref<10000x32xf32, #tpu.memory_space<vmem_shared>>)
      } else {
      }
      %add3A_139 = arith.constant 3 : i32
      %add3A_140 = arith.addi %add3A_97, %add3A_139 : i32
      %mul3A_141 = arith.constant 80 : i32
      %mul3A_142 = arith.muli %add3A_140, %mul3A_141 : i32
      %dma_start3A_143 = tpu.memref_slice %arg7[%mul3A_142] : memref<20000xi32, #tpu.memory_space<vmem>> -> memref<80xi32, #tpu.memory_space<vmem>>
      %dma_start3A_144 = arith.constant 0 : i32
      %dma_start3A_145 = arith.constant 0 : i32
      %dma_start3A_146 = tpu.memref_slice %arg19[%dma_start3A_144, %dma_start3A_145] : memref<10000x32xf32, #tpu.memory_space<vmem_shared>> -> memref<10000x32xf32, #tpu.memory_space<vmem_shared>>
      tpu.enqueue_indirect_dma source(%dma_start3A_146 : memref<10000x32xf32, #tpu.memory_space<vmem_shared>>) target(%arg12 : memref<80x32xf32, #tpu.memory_space<vmem>>) offsets(%dma_start3A_143 : memref<80xi32, #tpu.memory_space<vmem>>) semaphore(%arg24 : memref<!tpu.dma_semaphore, #tpu.memory_space<semaphore_mem>>)
      %gt3A_147 = arith.constant 0 : i32
      %gt3A_148 = arith.cmpi sgt, %add3A_97, %gt3A_147 : i32
      %convert_element_type3A_149 = arith.extui %gt3A_148 : i1 to i32
      %cond3A_150 = arith.constant 0 : i32
      %cond3A_151 = arith.cmpi ne, %convert_element_type3A_149, %cond3A_150 : i32
      scf.if %cond3A_151 {
        %add3A_385 = arith.constant 4 : i32
        %add3A_386 = arith.addi %add3A_97, %add3A_385 : i32
        %sub3A = arith.constant 10 : i32
        %sub3A_387 = arith.subi %add3A_386, %sub3A : i32
        %mul3A_388 = arith.constant 80 : i32
        %mul3A_389 = arith.muli %sub3A_387, %mul3A_388 : i32
        %dma_wait3A_390 = tpu.memref_slice %arg8[%mul3A_389] : memref<20000xi32, #tpu.memory_space<vmem>> -> memref<80xi32, #tpu.memory_space<vmem>>
        %dma_wait3A_391 = arith.constant 0 : i32
        %dma_wait3A_392 = arith.constant 0 : i32
        %dma_wait3A_393 = tpu.memref_slice %arg20[%dma_wait3A_391, %dma_wait3A_392] : memref<10000x32xf32, #tpu.memory_space<vmem_shared>> -> memref<10000x32xf32, #tpu.memory_space<vmem_shared>>
        tpu.wait_indirect_dma semaphore(%arg35 : memref<!tpu.dma_semaphore, #tpu.memory_space<semaphore_mem>>) src(%arg13 : memref<80x32xf32, #tpu.memory_space<vmem>>) dst(%dma_wait3A_393 : memref<10000x32xf32, #tpu.memory_space<vmem_shared>>)
      } else {
      }
      %add3A_152 = arith.constant 4 : i32
      %add3A_153 = arith.addi %add3A_97, %add3A_152 : i32
      %mul3A_154 = arith.constant 80 : i32
      %mul3A_155 = arith.muli %add3A_153, %mul3A_154 : i32
      %dma_start3A_156 = tpu.memref_slice %arg7[%mul3A_155] : memref<20000xi32, #tpu.memory_space<vmem>> -> memref<80xi32, #tpu.memory_space<vmem>>
      %dma_start3A_157 = arith.constant 0 : i32
      %dma_start3A_158 = arith.constant 0 : i32
      %dma_start3A_159 = tpu.memref_slice %arg19[%dma_start3A_157, %dma_start3A_158] : memref<10000x32xf32, #tpu.memory_space<vmem_shared>> -> memref<10000x32xf32, #tpu.memory_space<vmem_shared>>
      tpu.enqueue_indirect_dma source(%dma_start3A_159 : memref<10000x32xf32, #tpu.memory_space<vmem_shared>>) target(%arg13 : memref<80x32xf32, #tpu.memory_space<vmem>>) offsets(%dma_start3A_156 : memref<80xi32, #tpu.memory_space<vmem>>) semaphore(%arg25 : memref<!tpu.dma_semaphore, #tpu.memory_space<semaphore_mem>>)
      %gt3A_160 = arith.constant 0 : i32
      %gt3A_161 = arith.cmpi sgt, %add3A_97, %gt3A_160 : i32
      %convert_element_type3A_162 = arith.extui %gt3A_161 : i1 to i32
      %cond3A_163 = arith.constant 0 : i32
      %cond3A_164 = arith.cmpi ne, %convert_element_type3A_162, %cond3A_163 : i32
      scf.if %cond3A_164 {
        %add3A_385 = arith.constant 5 : i32
        %add3A_386 = arith.addi %add3A_97, %add3A_385 : i32
        %sub3A = arith.constant 10 : i32
        %sub3A_387 = arith.subi %add3A_386, %sub3A : i32
        %mul3A_388 = arith.constant 80 : i32
        %mul3A_389 = arith.muli %sub3A_387, %mul3A_388 : i32
        %dma_wait3A_390 = tpu.memref_slice %arg8[%mul3A_389] : memref<20000xi32, #tpu.memory_space<vmem>> -> memref<80xi32, #tpu.memory_space<vmem>>
        %dma_wait3A_391 = arith.constant 0 : i32
        %dma_wait3A_392 = arith.constant 0 : i32
        %dma_wait3A_393 = tpu.memref_slice %arg20[%dma_wait3A_391, %dma_wait3A_392] : memref<10000x32xf32, #tpu.memory_space<vmem_shared>> -> memref<10000x32xf32, #tpu.memory_space<vmem_shared>>
        tpu.wait_indirect_dma semaphore(%arg36 : memref<!tpu.dma_semaphore, #tpu.memory_space<semaphore_mem>>) src(%arg14 : memref<80x32xf32, #tpu.memory_space<vmem>>) dst(%dma_wait3A_393 : memref<10000x32xf32, #tpu.memory_space<vmem_shared>>)
      } else {
      }
      %add3A_165 = arith.constant 5 : i32
      %add3A_166 = arith.addi %add3A_97, %add3A_165 : i32
      %mul3A_167 = arith.constant 80 : i32
      %mul3A_168 = arith.muli %add3A_166, %mul3A_167 : i32
      %dma_start3A_169 = tpu.memref_slice %arg7[%mul3A_168] : memref<20000xi32, #tpu.memory_space<vmem>> -> memref<80xi32, #tpu.memory_space<vmem>>
      %dma_start3A_170 = arith.constant 0 : i32
      %dma_start3A_171 = arith.constant 0 : i32
      %dma_start3A_172 = tpu.memref_slice %arg19[%dma_start3A_170, %dma_start3A_171] : memref<10000x32xf32, #tpu.memory_space<vmem_shared>> -> memref<10000x32xf32, #tpu.memory_space<vmem_shared>>
      tpu.enqueue_indirect_dma source(%dma_start3A_172 : memref<10000x32xf32, #tpu.memory_space<vmem_shared>>) target(%arg14 : memref<80x32xf32, #tpu.memory_space<vmem>>) offsets(%dma_start3A_169 : memref<80xi32, #tpu.memory_space<vmem>>) semaphore(%arg26 : memref<!tpu.dma_semaphore, #tpu.memory_space<semaphore_mem>>)
      %gt3A_173 = arith.constant 0 : i32
      %gt3A_174 = arith.cmpi sgt, %add3A_97, %gt3A_173 : i32
      %convert_element_type3A_175 = arith.extui %gt3A_174 : i1 to i32
      %cond3A_176 = arith.constant 0 : i32
      %cond3A_177 = arith.cmpi ne, %convert_element_type3A_175, %cond3A_176 : i32
      scf.if %cond3A_177 {
        %add3A_385 = arith.constant 6 : i32
        %add3A_386 = arith.addi %add3A_97, %add3A_385 : i32
        %sub3A = arith.constant 10 : i32
        %sub3A_387 = arith.subi %add3A_386, %sub3A : i32
        %mul3A_388 = arith.constant 80 : i32
        %mul3A_389 = arith.muli %sub3A_387, %mul3A_388 : i32
        %dma_wait3A_390 = tpu.memref_slice %arg8[%mul3A_389] : memref<20000xi32, #tpu.memory_space<vmem>> -> memref<80xi32, #tpu.memory_space<vmem>>
        %dma_wait3A_391 = arith.constant 0 : i32
        %dma_wait3A_392 = arith.constant 0 : i32
        %dma_wait3A_393 = tpu.memref_slice %arg20[%dma_wait3A_391, %dma_wait3A_392] : memref<10000x32xf32, #tpu.memory_space<vmem_shared>> -> memref<10000x32xf32, #tpu.memory_space<vmem_shared>>
        tpu.wait_indirect_dma semaphore(%arg37 : memref<!tpu.dma_semaphore, #tpu.memory_space<semaphore_mem>>) src(%arg15 : memref<80x32xf32, #tpu.memory_space<vmem>>) dst(%dma_wait3A_393 : memref<10000x32xf32, #tpu.memory_space<vmem_shared>>)
      } else {
      }
      %add3A_178 = arith.constant 6 : i32
      %add3A_179 = arith.addi %add3A_97, %add3A_178 : i32
      %mul3A_180 = arith.constant 80 : i32
      %mul3A_181 = arith.muli %add3A_179, %mul3A_180 : i32
      %dma_start3A_182 = tpu.memref_slice %arg7[%mul3A_181] : memref<20000xi32, #tpu.memory_space<vmem>> -> memref<80xi32, #tpu.memory_space<vmem>>
      %dma_start3A_183 = arith.constant 0 : i32
      %dma_start3A_184 = arith.constant 0 : i32
      %dma_start3A_185 = tpu.memref_slice %arg19[%dma_start3A_183, %dma_start3A_184] : memref<10000x32xf32, #tpu.memory_space<vmem_shared>> -> memref<10000x32xf32, #tpu.memory_space<vmem_shared>>
      tpu.enqueue_indirect_dma source(%dma_start3A_185 : memref<10000x32xf32, #tpu.memory_space<vmem_shared>>) target(%arg15 : memref<80x32xf32, #tpu.memory_space<vmem>>) offsets(%dma_start3A_182 : memref<80xi32, #tpu.memory_space<vmem>>) semaphore(%arg27 : memref<!tpu.dma_semaphore, #tpu.memory_space<semaphore_mem>>)
      %gt3A_186 = arith.constant 0 : i32
      %gt3A_187 = arith.cmpi sgt, %add3A_97, %gt3A_186 : i32
      %convert_element_type3A_188 = arith.extui %gt3A_187 : i1 to i32
      %cond3A_189 = arith.constant 0 : i32
      %cond3A_190 = arith.cmpi ne, %convert_element_type3A_188, %cond3A_189 : i32
      scf.if %cond3A_190 {
        %add3A_385 = arith.constant 7 : i32
        %add3A_386 = arith.addi %add3A_97, %add3A_385 : i32
        %sub3A = arith.constant 10 : i32
        %sub3A_387 = arith.subi %add3A_386, %sub3A : i32
        %mul3A_388 = arith.constant 80 : i32
        %mul3A_389 = arith.muli %sub3A_387, %mul3A_388 : i32
        %dma_wait3A_390 = tpu.memref_slice %arg8[%mul3A_389] : memref<20000xi32, #tpu.memory_space<vmem>> -> memref<80xi32, #tpu.memory_space<vmem>>
        %dma_wait3A_391 = arith.constant 0 : i32
        %dma_wait3A_392 = arith.constant 0 : i32
        %dma_wait3A_393 = tpu.memref_slice %arg20[%dma_wait3A_391, %dma_wait3A_392] : memref<10000x32xf32, #tpu.memory_space<vmem_shared>> -> memref<10000x32xf32, #tpu.memory_space<vmem_shared>>
        tpu.wait_indirect_dma semaphore(%arg38 : memref<!tpu.dma_semaphore, #tpu.memory_space<semaphore_mem>>) src(%arg16 : memref<80x32xf32, #tpu.memory_space<vmem>>) dst(%dma_wait3A_393 : memref<10000x32xf32, #tpu.memory_space<vmem_shared>>)
      } else {
      }
      %add3A_191 = arith.constant 7 : i32
      %add3A_192 = arith.addi %add3A_97, %add3A_191 : i32
      %mul3A_193 = arith.constant 80 : i32
      %mul3A_194 = arith.muli %add3A_192, %mul3A_193 : i32
      %dma_start3A_195 = tpu.memref_slice %arg7[%mul3A_194] : memref<20000xi32, #tpu.memory_space<vmem>> -> memref<80xi32, #tpu.memory_space<vmem>>
      %dma_start3A_196 = arith.constant 0 : i32
      %dma_start3A_197 = arith.constant 0 : i32
      %dma_start3A_198 = tpu.memref_slice %arg19[%dma_start3A_196, %dma_start3A_197] : memref<10000x32xf32, #tpu.memory_space<vmem_shared>> -> memref<10000x32xf32, #tpu.memory_space<vmem_shared>>
      tpu.enqueue_indirect_dma source(%dma_start3A_198 : memref<10000x32xf32, #tpu.memory_space<vmem_shared>>) target(%arg16 : memref<80x32xf32, #tpu.memory_space<vmem>>) offsets(%dma_start3A_195 : memref<80xi32, #tpu.memory_space<vmem>>) semaphore(%arg28 : memref<!tpu.dma_semaphore, #tpu.memory_space<semaphore_mem>>)
      %gt3A_199 = arith.constant 0 : i32
      %gt3A_200 = arith.cmpi sgt, %add3A_97, %gt3A_199 : i32
      %convert_element_type3A_201 = arith.extui %gt3A_200 : i1 to i32
      %cond3A_202 = arith.constant 0 : i32
      %cond3A_203 = arith.cmpi ne, %convert_element_type3A_201, %cond3A_202 : i32
      scf.if %cond3A_203 {
        %add3A_385 = arith.constant 8 : i32
        %add3A_386 = arith.addi %add3A_97, %add3A_385 : i32
        %sub3A = arith.constant 10 : i32
        %sub3A_387 = arith.subi %add3A_386, %sub3A : i32
        %mul3A_388 = arith.constant 80 : i32
        %mul3A_389 = arith.muli %sub3A_387, %mul3A_388 : i32
        %dma_wait3A_390 = tpu.memref_slice %arg8[%mul3A_389] : memref<20000xi32, #tpu.memory_space<vmem>> -> memref<80xi32, #tpu.memory_space<vmem>>
        %dma_wait3A_391 = arith.constant 0 : i32
        %dma_wait3A_392 = arith.constant 0 : i32
        %dma_wait3A_393 = tpu.memref_slice %arg20[%dma_wait3A_391, %dma_wait3A_392] : memref<10000x32xf32, #tpu.memory_space<vmem_shared>> -> memref<10000x32xf32, #tpu.memory_space<vmem_shared>>
        tpu.wait_indirect_dma semaphore(%arg39 : memref<!tpu.dma_semaphore, #tpu.memory_space<semaphore_mem>>) src(%arg17 : memref<80x32xf32, #tpu.memory_space<vmem>>) dst(%dma_wait3A_393 : memref<10000x32xf32, #tpu.memory_space<vmem_shared>>)
      } else {
      }
      %add3A_204 = arith.constant 8 : i32
      %add3A_205 = arith.addi %add3A_97, %add3A_204 : i32
      %mul3A_206 = arith.constant 80 : i32
      %mul3A_207 = arith.muli %add3A_205, %mul3A_206 : i32
      %dma_start3A_208 = tpu.memref_slice %arg7[%mul3A_207] : memref<20000xi32, #tpu.memory_space<vmem>> -> memref<80xi32, #tpu.memory_space<vmem>>
      %dma_start3A_209 = arith.constant 0 : i32
      %dma_start3A_210 = arith.constant 0 : i32
      %dma_start3A_211 = tpu.memref_slice %arg19[%dma_start3A_209, %dma_start3A_210] : memref<10000x32xf32, #tpu.memory_space<vmem_shared>> -> memref<10000x32xf32, #tpu.memory_space<vmem_shared>>
      tpu.enqueue_indirect_dma source(%dma_start3A_211 : memref<10000x32xf32, #tpu.memory_space<vmem_shared>>) target(%arg17 : memref<80x32xf32, #tpu.memory_space<vmem>>) offsets(%dma_start3A_208 : memref<80xi32, #tpu.memory_space<vmem>>) semaphore(%arg29 : memref<!tpu.dma_semaphore, #tpu.memory_space<semaphore_mem>>)
      %gt3A_212 = arith.constant 0 : i32
      %gt3A_213 = arith.cmpi sgt, %add3A_97, %gt3A_212 : i32
      %convert_element_type3A_214 = arith.extui %gt3A_213 : i1 to i32
      %cond3A_215 = arith.constant 0 : i32
      %cond3A_216 = arith.cmpi ne, %convert_element_type3A_214, %cond3A_215 : i32
      scf.if %cond3A_216 {
        %add3A_385 = arith.constant 9 : i32
        %add3A_386 = arith.addi %add3A_97, %add3A_385 : i32
        %sub3A = arith.constant 10 : i32
        %sub3A_387 = arith.subi %add3A_386, %sub3A : i32
        %mul3A_388 = arith.constant 80 : i32
        %mul3A_389 = arith.muli %sub3A_387, %mul3A_388 : i32
        %dma_wait3A_390 = tpu.memref_slice %arg8[%mul3A_389] : memref<20000xi32, #tpu.memory_space<vmem>> -> memref<80xi32, #tpu.memory_space<vmem>>
        %dma_wait3A_391 = arith.constant 0 : i32
        %dma_wait3A_392 = arith.constant 0 : i32
        %dma_wait3A_393 = tpu.memref_slice %arg20[%dma_wait3A_391, %dma_wait3A_392] : memref<10000x32xf32, #tpu.memory_space<vmem_shared>> -> memref<10000x32xf32, #tpu.memory_space<vmem_shared>>
        tpu.wait_indirect_dma semaphore(%arg40 : memref<!tpu.dma_semaphore, #tpu.memory_space<semaphore_mem>>) src(%arg18 : memref<80x32xf32, #tpu.memory_space<vmem>>) dst(%dma_wait3A_393 : memref<10000x32xf32, #tpu.memory_space<vmem_shared>>)
      } else {
      }
      %add3A_217 = arith.constant 9 : i32
      %add3A_218 = arith.addi %add3A_97, %add3A_217 : i32
      %mul3A_219 = arith.constant 80 : i32
      %mul3A_220 = arith.muli %add3A_218, %mul3A_219 : i32
      %dma_start3A_221 = tpu.memref_slice %arg7[%mul3A_220] : memref<20000xi32, #tpu.memory_space<vmem>> -> memref<80xi32, #tpu.memory_space<vmem>>
      %dma_start3A_222 = arith.constant 0 : i32
      %dma_start3A_223 = arith.constant 0 : i32
      %dma_start3A_224 = tpu.memref_slice %arg19[%dma_start3A_222, %dma_start3A_223] : memref<10000x32xf32, #tpu.memory_space<vmem_shared>> -> memref<10000x32xf32, #tpu.memory_space<vmem_shared>>
      tpu.enqueue_indirect_dma source(%dma_start3A_224 : memref<10000x32xf32, #tpu.memory_space<vmem_shared>>) target(%arg18 : memref<80x32xf32, #tpu.memory_space<vmem>>) offsets(%dma_start3A_221 : memref<80xi32, #tpu.memory_space<vmem>>) semaphore(%arg30 : memref<!tpu.dma_semaphore, #tpu.memory_space<semaphore_mem>>)
      %add3A_225 = arith.constant 0 : i32
      %add3A_226 = arith.addi %add3A_97, %add3A_225 : i32
      %mul3A_227 = arith.constant 80 : i32
      %mul3A_228 = arith.muli %add3A_226, %mul3A_227 : i32
      %dma_wait3A_229 = tpu.memref_slice %arg7[%mul3A_228] : memref<20000xi32, #tpu.memory_space<vmem>> -> memref<80xi32, #tpu.memory_space<vmem>>
      %dma_wait3A_230 = arith.constant 0 : i32
      %dma_wait3A_231 = arith.constant 0 : i32
      %dma_wait3A_232 = tpu.memref_slice %arg19[%dma_wait3A_230, %dma_wait3A_231] : memref<10000x32xf32, #tpu.memory_space<vmem_shared>> -> memref<10000x32xf32, #tpu.memory_space<vmem_shared>>
      tpu.wait_indirect_dma semaphore(%arg21 : memref<!tpu.dma_semaphore, #tpu.memory_space<semaphore_mem>>) src(%dma_wait3A_232 : memref<10000x32xf32, #tpu.memory_space<vmem_shared>>) dst(%arg9 : memref<80x32xf32, #tpu.memory_space<vmem>>)
      %add3A_233 = arith.constant 0 : i32
      %add3A_234 = arith.addi %add3A_97, %add3A_233 : i32
      %mul3A_235 = arith.constant 80 : i32
      %mul3A_236 = arith.muli %add3A_234, %mul3A_235 : i32
      %dma_start3A_237 = tpu.memref_slice %arg8[%mul3A_236] : memref<20000xi32, #tpu.memory_space<vmem>> -> memref<80xi32, #tpu.memory_space<vmem>>
      %dma_start3A_238 = arith.constant 0 : i32
      %dma_start3A_239 = arith.constant 0 : i32
      %dma_start3A_240 = tpu.memref_slice %arg20[%dma_start3A_238, %dma_start3A_239] : memref<10000x32xf32, #tpu.memory_space<vmem_shared>> -> memref<10000x32xf32, #tpu.memory_space<vmem_shared>>
      tpu.enqueue_indirect_dma source(%arg9 : memref<80x32xf32, #tpu.memory_space<vmem>>) target(%dma_start3A_240 : memref<10000x32xf32, #tpu.memory_space<vmem_shared>>) offsets(%dma_start3A_237 : memref<80xi32, #tpu.memory_space<vmem>>) semaphore(%arg31 : memref<!tpu.dma_semaphore, #tpu.memory_space<semaphore_mem>>) {add = true}
      %add3A_241 = arith.constant 1 : i32
      %add3A_242 = arith.addi %add3A_97, %add3A_241 : i32
      %mul3A_243 = arith.constant 80 : i32
      %mul3A_244 = arith.muli %add3A_242, %mul3A_243 : i32
      %dma_wait3A_245 = tpu.memref_slice %arg7[%mul3A_244] : memref<20000xi32, #tpu.memory_space<vmem>> -> memref<80xi32, #tpu.memory_space<vmem>>
      %dma_wait3A_246 = arith.constant 0 : i32
      %dma_wait3A_247 = arith.constant 0 : i32
      %dma_wait3A_248 = tpu.memref_slice %arg19[%dma_wait3A_246, %dma_wait3A_247] : memref<10000x32xf32, #tpu.memory_space<vmem_shared>> -> memref<10000x32xf32, #tpu.memory_space<vmem_shared>>
      tpu.wait_indirect_dma semaphore(%arg22 : memref<!tpu.dma_semaphore, #tpu.memory_space<semaphore_mem>>) src(%dma_wait3A_248 : memref<10000x32xf32, #tpu.memory_space<vmem_shared>>) dst(%arg10 : memref<80x32xf32, #tpu.memory_space<vmem>>)
      %add3A_249 = arith.constant 1 : i32
      %add3A_250 = arith.addi %add3A_97, %add3A_249 : i32
      %mul3A_251 = arith.constant 80 : i32
      %mul3A_252 = arith.muli %add3A_250, %mul3A_251 : i32
      %dma_start3A_253 = tpu.memref_slice %arg8[%mul3A_252] : memref<20000xi32, #tpu.memory_space<vmem>> -> memref<80xi32, #tpu.memory_space<vmem>>
      %dma_start3A_254 = arith.constant 0 : i32
      %dma_start3A_255 = arith.constant 0 : i32
      %dma_start3A_256 = tpu.memref_slice %arg20[%dma_start3A_254, %dma_start3A_255] : memref<10000x32xf32, #tpu.memory_space<vmem_shared>> -> memref<10000x32xf32, #tpu.memory_space<vmem_shared>>
      tpu.enqueue_indirect_dma source(%arg10 : memref<80x32xf32, #tpu.memory_space<vmem>>) target(%dma_start3A_256 : memref<10000x32xf32, #tpu.memory_space<vmem_shared>>) offsets(%dma_start3A_253 : memref<80xi32, #tpu.memory_space<vmem>>) semaphore(%arg32 : memref<!tpu.dma_semaphore, #tpu.memory_space<semaphore_mem>>) {add = true}
      %add3A_257 = arith.constant 2 : i32
      %add3A_258 = arith.addi %add3A_97, %add3A_257 : i32
      %mul3A_259 = arith.constant 80 : i32
      %mul3A_260 = arith.muli %add3A_258, %mul3A_259 : i32
      %dma_wait3A_261 = tpu.memref_slice %arg7[%mul3A_260] : memref<20000xi32, #tpu.memory_space<vmem>> -> memref<80xi32, #tpu.memory_space<vmem>>
      %dma_wait3A_262 = arith.constant 0 : i32
      %dma_wait3A_263 = arith.constant 0 : i32
      %dma_wait3A_264 = tpu.memref_slice %arg19[%dma_wait3A_262, %dma_wait3A_263] : memref<10000x32xf32, #tpu.memory_space<vmem_shared>> -> memref<10000x32xf32, #tpu.memory_space<vmem_shared>>
      tpu.wait_indirect_dma semaphore(%arg23 : memref<!tpu.dma_semaphore, #tpu.memory_space<semaphore_mem>>) src(%dma_wait3A_264 : memref<10000x32xf32, #tpu.memory_space<vmem_shared>>) dst(%arg11 : memref<80x32xf32, #tpu.memory_space<vmem>>)
      %add3A_265 = arith.constant 2 : i32
      %add3A_266 = arith.addi %add3A_97, %add3A_265 : i32
      %mul3A_267 = arith.constant 80 : i32
      %mul3A_268 = arith.muli %add3A_266, %mul3A_267 : i32
      %dma_start3A_269 = tpu.memref_slice %arg8[%mul3A_268] : memref<20000xi32, #tpu.memory_space<vmem>> -> memref<80xi32, #tpu.memory_space<vmem>>
      %dma_start3A_270 = arith.constant 0 : i32
      %dma_start3A_271 = arith.constant 0 : i32
      %dma_start3A_272 = tpu.memref_slice %arg20[%dma_start3A_270, %dma_start3A_271] : memref<10000x32xf32, #tpu.memory_space<vmem_shared>> -> memref<10000x32xf32, #tpu.memory_space<vmem_shared>>
      tpu.enqueue_indirect_dma source(%arg11 : memref<80x32xf32, #tpu.memory_space<vmem>>) target(%dma_start3A_272 : memref<10000x32xf32, #tpu.memory_space<vmem_shared>>) offsets(%dma_start3A_269 : memref<80xi32, #tpu.memory_space<vmem>>) semaphore(%arg33 : memref<!tpu.dma_semaphore, #tpu.memory_space<semaphore_mem>>) {add = true}
      %add3A_273 = arith.constant 3 : i32
      %add3A_274 = arith.addi %add3A_97, %add3A_273 : i32
      %mul3A_275 = arith.constant 80 : i32
      %mul3A_276 = arith.muli %add3A_274, %mul3A_275 : i32
      %dma_wait3A_277 = tpu.memref_slice %arg7[%mul3A_276] : memref<20000xi32, #tpu.memory_space<vmem>> -> memref<80xi32, #tpu.memory_space<vmem>>
      %dma_wait3A_278 = arith.constant 0 : i32
      %dma_wait3A_279 = arith.constant 0 : i32
      %dma_wait3A_280 = tpu.memref_slice %arg19[%dma_wait3A_278, %dma_wait3A_279] : memref<10000x32xf32, #tpu.memory_space<vmem_shared>> -> memref<10000x32xf32, #tpu.memory_space<vmem_shared>>
      tpu.wait_indirect_dma semaphore(%arg24 : memref<!tpu.dma_semaphore, #tpu.memory_space<semaphore_mem>>) src(%dma_wait3A_280 : memref<10000x32xf32, #tpu.memory_space<vmem_shared>>) dst(%arg12 : memref<80x32xf32, #tpu.memory_space<vmem>>)
      %add3A_281 = arith.constant 3 : i32
      %add3A_282 = arith.addi %add3A_97, %add3A_281 : i32
      %mul3A_283 = arith.constant 80 : i32
      %mul3A_284 = arith.muli %add3A_282, %mul3A_283 : i32
      %dma_start3A_285 = tpu.memref_slice %arg8[%mul3A_284] : memref<20000xi32, #tpu.memory_space<vmem>> -> memref<80xi32, #tpu.memory_space<vmem>>
      %dma_start3A_286 = arith.constant 0 : i32
      %dma_start3A_287 = arith.constant 0 : i32
      %dma_start3A_288 = tpu.memref_slice %arg20[%dma_start3A_286, %dma_start3A_287] : memref<10000x32xf32, #tpu.memory_space<vmem_shared>> -> memref<10000x32xf32, #tpu.memory_space<vmem_shared>>
      tpu.enqueue_indirect_dma source(%arg12 : memref<80x32xf32, #tpu.memory_space<vmem>>) target(%dma_start3A_288 : memref<10000x32xf32, #tpu.memory_space<vmem_shared>>) offsets(%dma_start3A_285 : memref<80xi32, #tpu.memory_space<vmem>>) semaphore(%arg34 : memref<!tpu.dma_semaphore, #tpu.memory_space<semaphore_mem>>) {add = true}
      %add3A_289 = arith.constant 4 : i32
      %add3A_290 = arith.addi %add3A_97, %add3A_289 : i32
      %mul3A_291 = arith.constant 80 : i32
      %mul3A_292 = arith.muli %add3A_290, %mul3A_291 : i32
      %dma_wait3A_293 = tpu.memref_slice %arg7[%mul3A_292] : memref<20000xi32, #tpu.memory_space<vmem>> -> memref<80xi32, #tpu.memory_space<vmem>>
      %dma_wait3A_294 = arith.constant 0 : i32
      %dma_wait3A_295 = arith.constant 0 : i32
      %dma_wait3A_296 = tpu.memref_slice %arg19[%dma_wait3A_294, %dma_wait3A_295] : memref<10000x32xf32, #tpu.memory_space<vmem_shared>> -> memref<10000x32xf32, #tpu.memory_space<vmem_shared>>
      tpu.wait_indirect_dma semaphore(%arg25 : memref<!tpu.dma_semaphore, #tpu.memory_space<semaphore_mem>>) src(%dma_wait3A_296 : memref<10000x32xf32, #tpu.memory_space<vmem_shared>>) dst(%arg13 : memref<80x32xf32, #tpu.memory_space<vmem>>)
      %add3A_297 = arith.constant 4 : i32
      %add3A_298 = arith.addi %add3A_97, %add3A_297 : i32
      %mul3A_299 = arith.constant 80 : i32
      %mul3A_300 = arith.muli %add3A_298, %mul3A_299 : i32
      %dma_start3A_301 = tpu.memref_slice %arg8[%mul3A_300] : memref<20000xi32, #tpu.memory_space<vmem>> -> memref<80xi32, #tpu.memory_space<vmem>>
      %dma_start3A_302 = arith.constant 0 : i32
      %dma_start3A_303 = arith.constant 0 : i32
      %dma_start3A_304 = tpu.memref_slice %arg20[%dma_start3A_302, %dma_start3A_303] : memref<10000x32xf32, #tpu.memory_space<vmem_shared>> -> memref<10000x32xf32, #tpu.memory_space<vmem_shared>>
      tpu.enqueue_indirect_dma source(%arg13 : memref<80x32xf32, #tpu.memory_space<vmem>>) target(%dma_start3A_304 : memref<10000x32xf32, #tpu.memory_space<vmem_shared>>) offsets(%dma_start3A_301 : memref<80xi32, #tpu.memory_space<vmem>>) semaphore(%arg35 : memref<!tpu.dma_semaphore, #tpu.memory_space<semaphore_mem>>) {add = true}
      %add3A_305 = arith.constant 5 : i32
      %add3A_306 = arith.addi %add3A_97, %add3A_305 : i32
      %mul3A_307 = arith.constant 80 : i32
      %mul3A_308 = arith.muli %add3A_306, %mul3A_307 : i32
      %dma_wait3A_309 = tpu.memref_slice %arg7[%mul3A_308] : memref<20000xi32, #tpu.memory_space<vmem>> -> memref<80xi32, #tpu.memory_space<vmem>>
      %dma_wait3A_310 = arith.constant 0 : i32
      %dma_wait3A_311 = arith.constant 0 : i32
      %dma_wait3A_312 = tpu.memref_slice %arg19[%dma_wait3A_310, %dma_wait3A_311] : memref<10000x32xf32, #tpu.memory_space<vmem_shared>> -> memref<10000x32xf32, #tpu.memory_space<vmem_shared>>
      tpu.wait_indirect_dma semaphore(%arg26 : memref<!tpu.dma_semaphore, #tpu.memory_space<semaphore_mem>>) src(%dma_wait3A_312 : memref<10000x32xf32, #tpu.memory_space<vmem_shared>>) dst(%arg14 : memref<80x32xf32, #tpu.memory_space<vmem>>)
      %add3A_313 = arith.constant 5 : i32
      %add3A_314 = arith.addi %add3A_97, %add3A_313 : i32
      %mul3A_315 = arith.constant 80 : i32
      %mul3A_316 = arith.muli %add3A_314, %mul3A_315 : i32
      %dma_start3A_317 = tpu.memref_slice %arg8[%mul3A_316] : memref<20000xi32, #tpu.memory_space<vmem>> -> memref<80xi32, #tpu.memory_space<vmem>>
      %dma_start3A_318 = arith.constant 0 : i32
      %dma_start3A_319 = arith.constant 0 : i32
      %dma_start3A_320 = tpu.memref_slice %arg20[%dma_start3A_318, %dma_start3A_319] : memref<10000x32xf32, #tpu.memory_space<vmem_shared>> -> memref<10000x32xf32, #tpu.memory_space<vmem_shared>>
      tpu.enqueue_indirect_dma source(%arg14 : memref<80x32xf32, #tpu.memory_space<vmem>>) target(%dma_start3A_320 : memref<10000x32xf32, #tpu.memory_space<vmem_shared>>) offsets(%dma_start3A_317 : memref<80xi32, #tpu.memory_space<vmem>>) semaphore(%arg36 : memref<!tpu.dma_semaphore, #tpu.memory_space<semaphore_mem>>) {add = true}
      %add3A_321 = arith.constant 6 : i32
      %add3A_322 = arith.addi %add3A_97, %add3A_321 : i32
      %mul3A_323 = arith.constant 80 : i32
      %mul3A_324 = arith.muli %add3A_322, %mul3A_323 : i32
      %dma_wait3A_325 = tpu.memref_slice %arg7[%mul3A_324] : memref<20000xi32, #tpu.memory_space<vmem>> -> memref<80xi32, #tpu.memory_space<vmem>>
      %dma_wait3A_326 = arith.constant 0 : i32
      %dma_wait3A_327 = arith.constant 0 : i32
      %dma_wait3A_328 = tpu.memref_slice %arg19[%dma_wait3A_326, %dma_wait3A_327] : memref<10000x32xf32, #tpu.memory_space<vmem_shared>> -> memref<10000x32xf32, #tpu.memory_space<vmem_shared>>
      tpu.wait_indirect_dma semaphore(%arg27 : memref<!tpu.dma_semaphore, #tpu.memory_space<semaphore_mem>>) src(%dma_wait3A_328 : memref<10000x32xf32, #tpu.memory_space<vmem_shared>>) dst(%arg15 : memref<80x32xf32, #tpu.memory_space<vmem>>)
      %add3A_329 = arith.constant 6 : i32
      %add3A_330 = arith.addi %add3A_97, %add3A_329 : i32
      %mul3A_331 = arith.constant 80 : i32
      %mul3A_332 = arith.muli %add3A_330, %mul3A_331 : i32
      %dma_start3A_333 = tpu.memref_slice %arg8[%mul3A_332] : memref<20000xi32, #tpu.memory_space<vmem>> -> memref<80xi32, #tpu.memory_space<vmem>>
      %dma_start3A_334 = arith.constant 0 : i32
      %dma_start3A_335 = arith.constant 0 : i32
      %dma_start3A_336 = tpu.memref_slice %arg20[%dma_start3A_334, %dma_start3A_335] : memref<10000x32xf32, #tpu.memory_space<vmem_shared>> -> memref<10000x32xf32, #tpu.memory_space<vmem_shared>>
      tpu.enqueue_indirect_dma source(%arg15 : memref<80x32xf32, #tpu.memory_space<vmem>>) target(%dma_start3A_336 : memref<10000x32xf32, #tpu.memory_space<vmem_shared>>) offsets(%dma_start3A_333 : memref<80xi32, #tpu.memory_space<vmem>>) semaphore(%arg37 : memref<!tpu.dma_semaphore, #tpu.memory_space<semaphore_mem>>) {add = true}
      %add3A_337 = arith.constant 7 : i32
      %add3A_338 = arith.addi %add3A_97, %add3A_337 : i32
      %mul3A_339 = arith.constant 80 : i32
      %mul3A_340 = arith.muli %add3A_338, %mul3A_339 : i32
      %dma_wait3A_341 = tpu.memref_slice %arg7[%mul3A_340] : memref<20000xi32, #tpu.memory_space<vmem>> -> memref<80xi32, #tpu.memory_space<vmem>>
      %dma_wait3A_342 = arith.constant 0 : i32
      %dma_wait3A_343 = arith.constant 0 : i32
      %dma_wait3A_344 = tpu.memref_slice %arg19[%dma_wait3A_342, %dma_wait3A_343] : memref<10000x32xf32, #tpu.memory_space<vmem_shared>> -> memref<10000x32xf32, #tpu.memory_space<vmem_shared>>
      tpu.wait_indirect_dma semaphore(%arg28 : memref<!tpu.dma_semaphore, #tpu.memory_space<semaphore_mem>>) src(%dma_wait3A_344 : memref<10000x32xf32, #tpu.memory_space<vmem_shared>>) dst(%arg16 : memref<80x32xf32, #tpu.memory_space<vmem>>)
      %add3A_345 = arith.constant 7 : i32
      %add3A_346 = arith.addi %add3A_97, %add3A_345 : i32
      %mul3A_347 = arith.constant 80 : i32
      %mul3A_348 = arith.muli %add3A_346, %mul3A_347 : i32
      %dma_start3A_349 = tpu.memref_slice %arg8[%mul3A_348] : memref<20000xi32, #tpu.memory_space<vmem>> -> memref<80xi32, #tpu.memory_space<vmem>>
      %dma_start3A_350 = arith.constant 0 : i32
      %dma_start3A_351 = arith.constant 0 : i32
      %dma_start3A_352 = tpu.memref_slice %arg20[%dma_start3A_350, %dma_start3A_351] : memref<10000x32xf32, #tpu.memory_space<vmem_shared>> -> memref<10000x32xf32, #tpu.memory_space<vmem_shared>>
      tpu.enqueue_indirect_dma source(%arg16 : memref<80x32xf32, #tpu.memory_space<vmem>>) target(%dma_start3A_352 : memref<10000x32xf32, #tpu.memory_space<vmem_shared>>) offsets(%dma_start3A_349 : memref<80xi32, #tpu.memory_space<vmem>>) semaphore(%arg38 : memref<!tpu.dma_semaphore, #tpu.memory_space<semaphore_mem>>) {add = true}
      %add3A_353 = arith.constant 8 : i32
      %add3A_354 = arith.addi %add3A_97, %add3A_353 : i32
      %mul3A_355 = arith.constant 80 : i32
      %mul3A_356 = arith.muli %add3A_354, %mul3A_355 : i32
      %dma_wait3A_357 = tpu.memref_slice %arg7[%mul3A_356] : memref<20000xi32, #tpu.memory_space<vmem>> -> memref<80xi32, #tpu.memory_space<vmem>>
      %dma_wait3A_358 = arith.constant 0 : i32
      %dma_wait3A_359 = arith.constant 0 : i32
      %dma_wait3A_360 = tpu.memref_slice %arg19[%dma_wait3A_358, %dma_wait3A_359] : memref<10000x32xf32, #tpu.memory_space<vmem_shared>> -> memref<10000x32xf32, #tpu.memory_space<vmem_shared>>
      tpu.wait_indirect_dma semaphore(%arg29 : memref<!tpu.dma_semaphore, #tpu.memory_space<semaphore_mem>>) src(%dma_wait3A_360 : memref<10000x32xf32, #tpu.memory_space<vmem_shared>>) dst(%arg17 : memref<80x32xf32, #tpu.memory_space<vmem>>)
      %add3A_361 = arith.constant 8 : i32
      %add3A_362 = arith.addi %add3A_97, %add3A_361 : i32
      %mul3A_363 = arith.constant 80 : i32
      %mul3A_364 = arith.muli %add3A_362, %mul3A_363 : i32
      %dma_start3A_365 = tpu.memref_slice %arg8[%mul3A_364] : memref<20000xi32, #tpu.memory_space<vmem>> -> memref<80xi32, #tpu.memory_space<vmem>>
      %dma_start3A_366 = arith.constant 0 : i32
      %dma_start3A_367 = arith.constant 0 : i32
      %dma_start3A_368 = tpu.memref_slice %arg20[%dma_start3A_366, %dma_start3A_367] : memref<10000x32xf32, #tpu.memory_space<vmem_shared>> -> memref<10000x32xf32, #tpu.memory_space<vmem_shared>>
      tpu.enqueue_indirect_dma source(%arg17 : memref<80x32xf32, #tpu.memory_space<vmem>>) target(%dma_start3A_368 : memref<10000x32xf32, #tpu.memory_space<vmem_shared>>) offsets(%dma_start3A_365 : memref<80xi32, #tpu.memory_space<vmem>>) semaphore(%arg39 : memref<!tpu.dma_semaphore, #tpu.memory_space<semaphore_mem>>) {add = true}
      %add3A_369 = arith.constant 9 : i32
      %add3A_370 = arith.addi %add3A_97, %add3A_369 : i32
      %mul3A_371 = arith.constant 80 : i32
      %mul3A_372 = arith.muli %add3A_370, %mul3A_371 : i32
      %dma_wait3A_373 = tpu.memref_slice %arg7[%mul3A_372] : memref<20000xi32, #tpu.memory_space<vmem>> -> memref<80xi32, #tpu.memory_space<vmem>>
      %dma_wait3A_374 = arith.constant 0 : i32
      %dma_wait3A_375 = arith.constant 0 : i32
      %dma_wait3A_376 = tpu.memref_slice %arg19[%dma_wait3A_374, %dma_wait3A_375] : memref<10000x32xf32, #tpu.memory_space<vmem_shared>> -> memref<10000x32xf32, #tpu.memory_space<vmem_shared>>
      tpu.wait_indirect_dma semaphore(%arg30 : memref<!tpu.dma_semaphore, #tpu.memory_space<semaphore_mem>>) src(%dma_wait3A_376 : memref<10000x32xf32, #tpu.memory_space<vmem_shared>>) dst(%arg18 : memref<80x32xf32, #tpu.memory_space<vmem>>)
      %add3A_377 = arith.constant 9 : i32
      %add3A_378 = arith.addi %add3A_97, %add3A_377 : i32
      %mul3A_379 = arith.constant 80 : i32
      %mul3A_380 = arith.muli %add3A_378, %mul3A_379 : i32
      %dma_start3A_381 = tpu.memref_slice %arg8[%mul3A_380] : memref<20000xi32, #tpu.memory_space<vmem>> -> memref<80xi32, #tpu.memory_space<vmem>>
      %dma_start3A_382 = arith.constant 0 : i32
      %dma_start3A_383 = arith.constant 0 : i32
      %dma_start3A_384 = tpu.memref_slice %arg20[%dma_start3A_382, %dma_start3A_383] : memref<10000x32xf32, #tpu.memory_space<vmem_shared>> -> memref<10000x32xf32, #tpu.memory_space<vmem_shared>>
      tpu.enqueue_indirect_dma source(%arg18 : memref<80x32xf32, #tpu.memory_space<vmem>>) target(%dma_start3A_384 : memref<10000x32xf32, #tpu.memory_space<vmem_shared>>) offsets(%dma_start3A_381 : memref<80xi32, #tpu.memory_space<vmem>>) semaphore(%arg40 : memref<!tpu.dma_semaphore, #tpu.memory_space<semaphore_mem>>) {add = true}
    }
    %scan3A_36 = arith.constant 25 : i32
    %dma_wait3A_37 = arith.constant 19200 : i32
    %dma_wait3A_38 = tpu.memref_slice %arg8[%dma_wait3A_37] : memref<20000xi32, #tpu.memory_space<vmem>> -> memref<80xi32, #tpu.memory_space<vmem>>
    %dma_wait3A_39 = arith.constant 0 : i32
    %dma_wait3A_40 = arith.constant 0 : i32
    %dma_wait3A_41 = tpu.memref_slice %arg20[%dma_wait3A_39, %dma_wait3A_40] : memref<10000x32xf32, #tpu.memory_space<vmem_shared>> -> memref<10000x32xf32, #tpu.memory_space<vmem_shared>>
    tpu.wait_indirect_dma semaphore(%arg31 : memref<!tpu.dma_semaphore, #tpu.memory_space<semaphore_mem>>) src(%arg9 : memref<80x32xf32, #tpu.memory_space<vmem>>) dst(%dma_wait3A_41 : memref<10000x32xf32, #tpu.memory_space<vmem_shared>>)
    %dma_wait3A_42 = arith.constant 19280 : i32
    %dma_wait3A_43 = tpu.memref_slice %arg8[%dma_wait3A_42] : memref<20000xi32, #tpu.memory_space<vmem>> -> memref<80xi32, #tpu.memory_space<vmem>>
    %dma_wait3A_44 = arith.constant 0 : i32
    %dma_wait3A_45 = arith.constant 0 : i32
    %dma_wait3A_46 = tpu.memref_slice %arg20[%dma_wait3A_44, %dma_wait3A_45] : memref<10000x32xf32, #tpu.memory_space<vmem_shared>> -> memref<10000x32xf32, #tpu.memory_space<vmem_shared>>
    tpu.wait_indirect_dma semaphore(%arg32 : memref<!tpu.dma_semaphore, #tpu.memory_space<semaphore_mem>>) src(%arg10 : memref<80x32xf32, #tpu.memory_space<vmem>>) dst(%dma_wait3A_46 : memref<10000x32xf32, #tpu.memory_space<vmem_shared>>)
    %dma_wait3A_47 = arith.constant 19360 : i32
    %dma_wait3A_48 = tpu.memref_slice %arg8[%dma_wait3A_47] : memref<20000xi32, #tpu.memory_space<vmem>> -> memref<80xi32, #tpu.memory_space<vmem>>
    %dma_wait3A_49 = arith.constant 0 : i32
    %dma_wait3A_50 = arith.constant 0 : i32
    %dma_wait3A_51 = tpu.memref_slice %arg20[%dma_wait3A_49, %dma_wait3A_50] : memref<10000x32xf32, #tpu.memory_space<vmem_shared>> -> memref<10000x32xf32, #tpu.memory_space<vmem_shared>>
    tpu.wait_indirect_dma semaphore(%arg33 : memref<!tpu.dma_semaphore, #tpu.memory_space<semaphore_mem>>) src(%arg11 : memref<80x32xf32, #tpu.memory_space<vmem>>) dst(%dma_wait3A_51 : memref<10000x32xf32, #tpu.memory_space<vmem_shared>>)
    %dma_wait3A_52 = arith.constant 19440 : i32
    %dma_wait3A_53 = tpu.memref_slice %arg8[%dma_wait3A_52] : memref<20000xi32, #tpu.memory_space<vmem>> -> memref<80xi32, #tpu.memory_space<vmem>>
    %dma_wait3A_54 = arith.constant 0 : i32
    %dma_wait3A_55 = arith.constant 0 : i32
    %dma_wait3A_56 = tpu.memref_slice %arg20[%dma_wait3A_54, %dma_wait3A_55] : memref<10000x32xf32, #tpu.memory_space<vmem_shared>> -> memref<10000x32xf32, #tpu.memory_space<vmem_shared>>
    tpu.wait_indirect_dma semaphore(%arg34 : memref<!tpu.dma_semaphore, #tpu.memory_space<semaphore_mem>>) src(%arg12 : memref<80x32xf32, #tpu.memory_space<vmem>>) dst(%dma_wait3A_56 : memref<10000x32xf32, #tpu.memory_space<vmem_shared>>)
    %dma_wait3A_57 = arith.constant 19520 : i32
    %dma_wait3A_58 = tpu.memref_slice %arg8[%dma_wait3A_57] : memref<20000xi32, #tpu.memory_space<vmem>> -> memref<80xi32, #tpu.memory_space<vmem>>
    %dma_wait3A_59 = arith.constant 0 : i32
    %dma_wait3A_60 = arith.constant 0 : i32
    %dma_wait3A_61 = tpu.memref_slice %arg20[%dma_wait3A_59, %dma_wait3A_60] : memref<10000x32xf32, #tpu.memory_space<vmem_shared>> -> memref<10000x32xf32, #tpu.memory_space<vmem_shared>>
    tpu.wait_indirect_dma semaphore(%arg35 : memref<!tpu.dma_semaphore, #tpu.memory_space<semaphore_mem>>) src(%arg13 : memref<80x32xf32, #tpu.memory_space<vmem>>) dst(%dma_wait3A_61 : memref<10000x32xf32, #tpu.memory_space<vmem_shared>>)
    %dma_wait3A_62 = arith.constant 19600 : i32
    %dma_wait3A_63 = tpu.memref_slice %arg8[%dma_wait3A_62] : memref<20000xi32, #tpu.memory_space<vmem>> -> memref<80xi32, #tpu.memory_space<vmem>>
    %dma_wait3A_64 = arith.constant 0 : i32
    %dma_wait3A_65 = arith.constant 0 : i32
    %dma_wait3A_66 = tpu.memref_slice %arg20[%dma_wait3A_64, %dma_wait3A_65] : memref<10000x32xf32, #tpu.memory_space<vmem_shared>> -> memref<10000x32xf32, #tpu.memory_space<vmem_shared>>
    tpu.wait_indirect_dma semaphore(%arg36 : memref<!tpu.dma_semaphore, #tpu.memory_space<semaphore_mem>>) src(%arg14 : memref<80x32xf32, #tpu.memory_space<vmem>>) dst(%dma_wait3A_66 : memref<10000x32xf32, #tpu.memory_space<vmem_shared>>)
    %dma_wait3A_67 = arith.constant 19680 : i32
    %dma_wait3A_68 = tpu.memref_slice %arg8[%dma_wait3A_67] : memref<20000xi32, #tpu.memory_space<vmem>> -> memref<80xi32, #tpu.memory_space<vmem>>
    %dma_wait3A_69 = arith.constant 0 : i32
    %dma_wait3A_70 = arith.constant 0 : i32
    %dma_wait3A_71 = tpu.memref_slice %arg20[%dma_wait3A_69, %dma_wait3A_70] : memref<10000x32xf32, #tpu.memory_space<vmem_shared>> -> memref<10000x32xf32, #tpu.memory_space<vmem_shared>>
    tpu.wait_indirect_dma semaphore(%arg37 : memref<!tpu.dma_semaphore, #tpu.memory_space<semaphore_mem>>) src(%arg15 : memref<80x32xf32, #tpu.memory_space<vmem>>) dst(%dma_wait3A_71 : memref<10000x32xf32, #tpu.memory_space<vmem_shared>>)
    %dma_wait3A_72 = arith.constant 19760 : i32
    %dma_wait3A_73 = tpu.memref_slice %arg8[%dma_wait3A_72] : memref<20000xi32, #tpu.memory_space<vmem>> -> memref<80xi32, #tpu.memory_space<vmem>>
    %dma_wait3A_74 = arith.constant 0 : i32
    %dma_wait3A_75 = arith.constant 0 : i32
    %dma_wait3A_76 = tpu.memref_slice %arg20[%dma_wait3A_74, %dma_wait3A_75] : memref<10000x32xf32, #tpu.memory_space<vmem_shared>> -> memref<10000x32xf32, #tpu.memory_space<vmem_shared>>
    tpu.wait_indirect_dma semaphore(%arg38 : memref<!tpu.dma_semaphore, #tpu.memory_space<semaphore_mem>>) src(%arg16 : memref<80x32xf32, #tpu.memory_space<vmem>>) dst(%dma_wait3A_76 : memref<10000x32xf32, #tpu.memory_space<vmem_shared>>)
    %dma_wait3A_77 = arith.constant 19840 : i32
    %dma_wait3A_78 = tpu.memref_slice %arg8[%dma_wait3A_77] : memref<20000xi32, #tpu.memory_space<vmem>> -> memref<80xi32, #tpu.memory_space<vmem>>
    %dma_wait3A_79 = arith.constant 0 : i32
    %dma_wait3A_80 = arith.constant 0 : i32
    %dma_wait3A_81 = tpu.memref_slice %arg20[%dma_wait3A_79, %dma_wait3A_80] : memref<10000x32xf32, #tpu.memory_space<vmem_shared>> -> memref<10000x32xf32, #tpu.memory_space<vmem_shared>>
    tpu.wait_indirect_dma semaphore(%arg39 : memref<!tpu.dma_semaphore, #tpu.memory_space<semaphore_mem>>) src(%arg17 : memref<80x32xf32, #tpu.memory_space<vmem>>) dst(%dma_wait3A_81 : memref<10000x32xf32, #tpu.memory_space<vmem_shared>>)
    %dma_wait3A_82 = arith.constant 19920 : i32
    %dma_wait3A_83 = tpu.memref_slice %arg8[%dma_wait3A_82] : memref<20000xi32, #tpu.memory_space<vmem>> -> memref<80xi32, #tpu.memory_space<vmem>>
    %dma_wait3A_84 = arith.constant 0 : i32
    %dma_wait3A_85 = arith.constant 0 : i32
    %dma_wait3A_86 = tpu.memref_slice %arg20[%dma_wait3A_84, %dma_wait3A_85] : memref<10000x32xf32, #tpu.memory_space<vmem_shared>> -> memref<10000x32xf32, #tpu.memory_space<vmem_shared>>
    tpu.wait_indirect_dma semaphore(%arg40 : memref<!tpu.dma_semaphore, #tpu.memory_space<semaphore_mem>>) src(%arg18 : memref<80x32xf32, #tpu.memory_space<vmem>>) dst(%dma_wait3A_86 : memref<10000x32xf32, #tpu.memory_space<vmem_shared>>)
    %barrier3A_87 = arith.constant 0 : index
    tpu.barrier barrier_id(%barrier3A_87)
    %mul3A_88 = arith.constant 625 : i32
    %mul3A_89 = arith.muli %arg1, %mul3A_88 : i32
    %mul3A_90 = arith.constant 625 : i32
    %mul3A_91 = arith.muli %arg1, %mul3A_90 : i32
    %mul3A_92 = arith.constant 32 : i32
    %mul3A_93 = arith.muli %arg0, %mul3A_92 : i32
    "tpu.region"() ({
      %run_scoped3A = tpu.sem_alloc : memref<!tpu.dma_semaphore, #tpu.memory_space<semaphore_mem>>
      %dma_start3A_94 = tpu.memref_slice %arg6[%mul3A_91, %mul3A_93] : memref<10000x128xf32, #tpu.memory_space<hbm>> -> memref<625x32xf32, #tpu.memory_space<hbm>>
      %dma_start3A_95 = arith.constant 0 : i32
      %dma_start3A_96 = tpu.memref_slice %arg20[%mul3A_89, %dma_start3A_95] : memref<10000x32xf32, #tpu.memory_space<vmem_shared>> -> memref<625x32xf32, #tpu.memory_space<vmem_shared>>
      tpu.enqueue_dma source(%dma_start3A_96 : memref<625x32xf32, #tpu.memory_space<vmem_shared>>) target(%dma_start3A_94 : memref<625x32xf32, #tpu.memory_space<hbm>>) target_semaphore(%run_scoped3A : memref<!tpu.dma_semaphore, #tpu.memory_space<semaphore_mem>>)
      %dma_wait3A_97 = tpu.memref_slice %arg6[%mul3A_91, %mul3A_93] : memref<10000x128xf32, #tpu.memory_space<hbm>> -> memref<625x32xf32, #tpu.memory_space<hbm>>
      %dma_wait3A_98 = arith.constant 0 : i32
      %dma_wait3A_99 = tpu.memref_slice %arg20[%mul3A_89, %dma_wait3A_98] : memref<10000x32xf32, #tpu.memory_space<vmem_shared>> -> memref<625x32xf32, #tpu.memory_space<vmem_shared>>
      tpu.wait_dma2 semaphore(%run_scoped3A : memref<!tpu.dma_semaphore, #tpu.memory_space<semaphore_mem>>) src(%dma_wait3A_99 : memref<625x32xf32, #tpu.memory_space<vmem_shared>>) dst(%dma_wait3A_97 : memref<625x32xf32, #tpu.memory_space<hbm>>)
      tpu.yield
    }) : () -> ()
    return
  }
}

#map = affine_map<(d0, d1) -> (0)>
#map1 = affine_map<(d0, d1) -> (0, 0)>
module attributes {stable_mosaic.version = 14 : i64} {
  func.func @k(%arg0: i32, %arg1: i32, %arg2: memref<320000xi32, #tpu.memory_space<hbm>>, %arg3: memref<80x16xf32, #tpu.memory_space<hbm>>, %arg4: memref<10000x128xf32, #tpu.memory_space<hbm>>, %arg5: memref<10000x128xf32, #tpu.memory_space<hbm>>, %arg6: memref<10000xi32, #tpu.memory_space<vmem>>, %arg7: memref<80x16xf32, #tpu.memory_space<vmem>>, %arg8: memref<10000x16xf32, #tpu.memory_space<vmem_shared>>, %arg9: memref<!tpu.dma_semaphore, #tpu.memory_space<semaphore_mem>>, %arg10: memref<!tpu.dma_semaphore, #tpu.memory_space<semaphore_mem>>) attributes {dimension_semantics = [#tpu.dimension_semantics<core_parallel>, #tpu.dimension_semantics<subcore_parallel>], iteration_bounds = array<i64: 2, 16>, scalar_prefetch = 0 : i64, scratch_operands = 5 : i64, tpu.core_type = #tpu.core_type<sc_vector_subcore>, window_params = [{transform_indices = #map}, {transform_indices = #map1}, {transform_indices = #map1}, {transform_indices = #map1}]} {
    %mul3A = arith.constant 2 : i32
    %mul3A_0 = arith.muli %arg1, %mul3A : i32
    %add3A = arith.addi %mul3A_0, %arg0 : i32
    %mul3A_1 = arith.constant 625 : i32
    %mul3A_2 = arith.muli %arg1, %mul3A_1 : i32
    %mul3A_3 = arith.constant 625 : i32
    %mul3A_4 = arith.muli %arg1, %mul3A_3 : i32
    %dma_start3A = arith.constant 0 : i32
    %dma_start3A_5 = tpu.memref_slice %arg8[%mul3A_4, %dma_start3A] : memref<10000x16xf32, #tpu.memory_space<vmem_shared>> -> memref<625x16xf32, #tpu.memory_space<vmem_shared>>
    %dma_start3A_6 = arith.constant 0 : i32
    %dma_start3A_7 = tpu.memref_slice %arg4[%mul3A_2, %dma_start3A_6] : memref<10000x128xf32, #tpu.memory_space<hbm>> -> memref<625x16xf32, #tpu.memory_space<hbm>>
    tpu.enqueue_dma source(%dma_start3A_7 : memref<625x16xf32, #tpu.memory_space<hbm>>) target(%dma_start3A_5 : memref<625x16xf32, #tpu.memory_space<vmem_shared>>) target_semaphore(%arg10 : memref<!tpu.dma_semaphore, #tpu.memory_space<semaphore_mem>>)
    tpu.enqueue_dma source(%arg3 : memref<80x16xf32, #tpu.memory_space<hbm>>) target(%arg7 : memref<80x16xf32, #tpu.memory_space<vmem>>) target_semaphore(%arg10 : memref<!tpu.dma_semaphore, #tpu.memory_space<semaphore_mem>>)
    %mul3A_8 = arith.constant 10000 : i32
    %mul3A_9 = arith.muli %add3A, %mul3A_8 : i32
    %dma_start3A_10 = tpu.memref_slice %arg2[%mul3A_9] : memref<320000xi32, #tpu.memory_space<hbm>> -> memref<10000xi32, #tpu.memory_space<hbm>>
    %dma_start3A_11 = tpu.memref_slice %arg2[%mul3A_9] : memref<320000xi32, #tpu.memory_space<hbm>> -> memref<10000xi32, #tpu.memory_space<hbm>>
    tpu.enqueue_dma source(%dma_start3A_11 : memref<10000xi32, #tpu.memory_space<hbm>>) target(%arg6 : memref<10000xi32, #tpu.memory_space<vmem>>) target_semaphore(%arg9 : memref<!tpu.dma_semaphore, #tpu.memory_space<semaphore_mem>>)
    %dma_wait3A = arith.constant 0 : i32
    %dma_wait3A_12 = tpu.memref_slice %arg8[%mul3A_4, %dma_wait3A] : memref<10000x16xf32, #tpu.memory_space<vmem_shared>> -> memref<625x16xf32, #tpu.memory_space<vmem_shared>>
    %dma_wait3A_13 = arith.constant 0 : i32
    %dma_wait3A_14 = tpu.memref_slice %arg4[%mul3A_2, %dma_wait3A_13] : memref<10000x128xf32, #tpu.memory_space<hbm>> -> memref<625x16xf32, #tpu.memory_space<hbm>>
    tpu.wait_dma2 semaphore(%arg10 : memref<!tpu.dma_semaphore, #tpu.memory_space<semaphore_mem>>) src(%dma_wait3A_14 : memref<625x16xf32, #tpu.memory_space<hbm>>) dst(%dma_wait3A_12 : memref<625x16xf32, #tpu.memory_space<vmem_shared>>)
    tpu.wait_dma2 semaphore(%arg10 : memref<!tpu.dma_semaphore, #tpu.memory_space<semaphore_mem>>) src(%arg3 : memref<80x16xf32, #tpu.memory_space<hbm>>) dst(%arg7 : memref<80x16xf32, #tpu.memory_space<vmem>>)
    %dma_wait3A_15 = tpu.memref_slice %arg2[%mul3A_9] : memref<320000xi32, #tpu.memory_space<hbm>> -> memref<10000xi32, #tpu.memory_space<hbm>>
    %dma_wait3A_16 = tpu.memref_slice %arg2[%mul3A_9] : memref<320000xi32, #tpu.memory_space<hbm>> -> memref<10000xi32, #tpu.memory_space<hbm>>
    tpu.wait_dma2 semaphore(%arg9 : memref<!tpu.dma_semaphore, #tpu.memory_space<semaphore_mem>>) src(%dma_wait3A_16 : memref<10000xi32, #tpu.memory_space<hbm>>) dst(%arg6 : memref<10000xi32, #tpu.memory_space<vmem>>)
    %barrier3A = arith.constant 0 : index
    tpu.barrier barrier_id(%barrier3A)
    %scan3A = arith.constant 0 : i32
    %scan3A_17 = arith.constant 5 : i32
    %scan3A_18 = arith.addi %scan3A, %scan3A_17 : i32
    %scan3A_19 = arith.constant 1 : i32
    scf.for %scan3A_28 = %scan3A to %scan3A_18 step %scan3A_19  : i32 {
      %mul3A_29 = arith.constant 25 : i32
      %mul3A_30 = arith.muli %scan3A_28, %mul3A_29 : i32
      %add3A_31 = arith.constant 0 : i32
      %add3A_32 = arith.addi %add3A_31, %mul3A_30 : i32
      %add3A_33 = arith.constant 0 : i32
      %add3A_34 = arith.addi %add3A_32, %add3A_33 : i32
      %mul3A_35 = arith.constant 80 : i32
      %mul3A_36 = arith.muli %add3A_34, %mul3A_35 : i32
      %dma_start3A_37 = tpu.memref_slice %arg6[%mul3A_36] : memref<10000xi32, #tpu.memory_space<vmem>> -> memref<80xi32, #tpu.memory_space<vmem>>
      %dma_start3A_38 = arith.constant 0 : i32
      %dma_start3A_39 = arith.constant 0 : i32
      %dma_start3A_40 = tpu.memref_slice %arg8[%dma_start3A_38, %dma_start3A_39] : memref<10000x16xf32, #tpu.memory_space<vmem_shared>> -> memref<10000x16xf32, #tpu.memory_space<vmem_shared>>
      tpu.enqueue_indirect_dma source(%arg7 : memref<80x16xf32, #tpu.memory_space<vmem>>) target(%dma_start3A_40 : memref<10000x16xf32, #tpu.memory_space<vmem_shared>>) offsets(%dma_start3A_37 : memref<80xi32, #tpu.memory_space<vmem>>) semaphore(%arg9 : memref<!tpu.dma_semaphore, #tpu.memory_space<semaphore_mem>>) {add = true}
      %add3A_41 = arith.constant 1 : i32
      %add3A_42 = arith.addi %add3A_32, %add3A_41 : i32
      %mul3A_43 = arith.constant 80 : i32
      %mul3A_44 = arith.muli %add3A_42, %mul3A_43 : i32
      %dma_start3A_45 = tpu.memref_slice %arg6[%mul3A_44] : memref<10000xi32, #tpu.memory_space<vmem>> -> memref<80xi32, #tpu.memory_space<vmem>>
      %dma_start3A_46 = arith.constant 0 : i32
      %dma_start3A_47 = arith.constant 0 : i32
      %dma_start3A_48 = tpu.memref_slice %arg8[%dma_start3A_46, %dma_start3A_47] : memref<10000x16xf32, #tpu.memory_space<vmem_shared>> -> memref<10000x16xf32, #tpu.memory_space<vmem_shared>>
      tpu.enqueue_indirect_dma source(%arg7 : memref<80x16xf32, #tpu.memory_space<vmem>>) target(%dma_start3A_48 : memref<10000x16xf32, #tpu.memory_space<vmem_shared>>) offsets(%dma_start3A_45 : memref<80xi32, #tpu.memory_space<vmem>>) semaphore(%arg9 : memref<!tpu.dma_semaphore, #tpu.memory_space<semaphore_mem>>) {add = true}
      %add3A_49 = arith.constant 2 : i32
      %add3A_50 = arith.addi %add3A_32, %add3A_49 : i32
      %mul3A_51 = arith.constant 80 : i32
      %mul3A_52 = arith.muli %add3A_50, %mul3A_51 : i32
      %dma_start3A_53 = tpu.memref_slice %arg6[%mul3A_52] : memref<10000xi32, #tpu.memory_space<vmem>> -> memref<80xi32, #tpu.memory_space<vmem>>
      %dma_start3A_54 = arith.constant 0 : i32
      %dma_start3A_55 = arith.constant 0 : i32
      %dma_start3A_56 = tpu.memref_slice %arg8[%dma_start3A_54, %dma_start3A_55] : memref<10000x16xf32, #tpu.memory_space<vmem_shared>> -> memref<10000x16xf32, #tpu.memory_space<vmem_shared>>
      tpu.enqueue_indirect_dma source(%arg7 : memref<80x16xf32, #tpu.memory_space<vmem>>) target(%dma_start3A_56 : memref<10000x16xf32, #tpu.memory_space<vmem_shared>>) offsets(%dma_start3A_53 : memref<80xi32, #tpu.memory_space<vmem>>) semaphore(%arg9 : memref<!tpu.dma_semaphore, #tpu.memory_space<semaphore_mem>>) {add = true}
      %add3A_57 = arith.constant 3 : i32
      %add3A_58 = arith.addi %add3A_32, %add3A_57 : i32
      %mul3A_59 = arith.constant 80 : i32
      %mul3A_60 = arith.muli %add3A_58, %mul3A_59 : i32
      %dma_start3A_61 = tpu.memref_slice %arg6[%mul3A_60] : memref<10000xi32, #tpu.memory_space<vmem>> -> memref<80xi32, #tpu.memory_space<vmem>>
      %dma_start3A_62 = arith.constant 0 : i32
      %dma_start3A_63 = arith.constant 0 : i32
      %dma_start3A_64 = tpu.memref_slice %arg8[%dma_start3A_62, %dma_start3A_63] : memref<10000x16xf32, #tpu.memory_space<vmem_shared>> -> memref<10000x16xf32, #tpu.memory_space<vmem_shared>>
      tpu.enqueue_indirect_dma source(%arg7 : memref<80x16xf32, #tpu.memory_space<vmem>>) target(%dma_start3A_64 : memref<10000x16xf32, #tpu.memory_space<vmem_shared>>) offsets(%dma_start3A_61 : memref<80xi32, #tpu.memory_space<vmem>>) semaphore(%arg9 : memref<!tpu.dma_semaphore, #tpu.memory_space<semaphore_mem>>) {add = true}
      %add3A_65 = arith.constant 4 : i32
      %add3A_66 = arith.addi %add3A_32, %add3A_65 : i32
      %mul3A_67 = arith.constant 80 : i32
      %mul3A_68 = arith.muli %add3A_66, %mul3A_67 : i32
      %dma_start3A_69 = tpu.memref_slice %arg6[%mul3A_68] : memref<10000xi32, #tpu.memory_space<vmem>> -> memref<80xi32, #tpu.memory_space<vmem>>
      %dma_start3A_70 = arith.constant 0 : i32
      %dma_start3A_71 = arith.constant 0 : i32
      %dma_start3A_72 = tpu.memref_slice %arg8[%dma_start3A_70, %dma_start3A_71] : memref<10000x16xf32, #tpu.memory_space<vmem_shared>> -> memref<10000x16xf32, #tpu.memory_space<vmem_shared>>
      tpu.enqueue_indirect_dma source(%arg7 : memref<80x16xf32, #tpu.memory_space<vmem>>) target(%dma_start3A_72 : memref<10000x16xf32, #tpu.memory_space<vmem_shared>>) offsets(%dma_start3A_69 : memref<80xi32, #tpu.memory_space<vmem>>) semaphore(%arg9 : memref<!tpu.dma_semaphore, #tpu.memory_space<semaphore_mem>>) {add = true}
      %add3A_73 = arith.constant 5 : i32
      %add3A_74 = arith.addi %add3A_32, %add3A_73 : i32
      %mul3A_75 = arith.constant 80 : i32
      %mul3A_76 = arith.muli %add3A_74, %mul3A_75 : i32
      %dma_start3A_77 = tpu.memref_slice %arg6[%mul3A_76] : memref<10000xi32, #tpu.memory_space<vmem>> -> memref<80xi32, #tpu.memory_space<vmem>>
      %dma_start3A_78 = arith.constant 0 : i32
      %dma_start3A_79 = arith.constant 0 : i32
      %dma_start3A_80 = tpu.memref_slice %arg8[%dma_start3A_78, %dma_start3A_79] : memref<10000x16xf32, #tpu.memory_space<vmem_shared>> -> memref<10000x16xf32, #tpu.memory_space<vmem_shared>>
      tpu.enqueue_indirect_dma source(%arg7 : memref<80x16xf32, #tpu.memory_space<vmem>>) target(%dma_start3A_80 : memref<10000x16xf32, #tpu.memory_space<vmem_shared>>) offsets(%dma_start3A_77 : memref<80xi32, #tpu.memory_space<vmem>>) semaphore(%arg9 : memref<!tpu.dma_semaphore, #tpu.memory_space<semaphore_mem>>) {add = true}
      %add3A_81 = arith.constant 6 : i32
      %add3A_82 = arith.addi %add3A_32, %add3A_81 : i32
      %mul3A_83 = arith.constant 80 : i32
      %mul3A_84 = arith.muli %add3A_82, %mul3A_83 : i32
      %dma_start3A_85 = tpu.memref_slice %arg6[%mul3A_84] : memref<10000xi32, #tpu.memory_space<vmem>> -> memref<80xi32, #tpu.memory_space<vmem>>
      %dma_start3A_86 = arith.constant 0 : i32
      %dma_start3A_87 = arith.constant 0 : i32
      %dma_start3A_88 = tpu.memref_slice %arg8[%dma_start3A_86, %dma_start3A_87] : memref<10000x16xf32, #tpu.memory_space<vmem_shared>> -> memref<10000x16xf32, #tpu.memory_space<vmem_shared>>
      tpu.enqueue_indirect_dma source(%arg7 : memref<80x16xf32, #tpu.memory_space<vmem>>) target(%dma_start3A_88 : memref<10000x16xf32, #tpu.memory_space<vmem_shared>>) offsets(%dma_start3A_85 : memref<80xi32, #tpu.memory_space<vmem>>) semaphore(%arg9 : memref<!tpu.dma_semaphore, #tpu.memory_space<semaphore_mem>>) {add = true}
      %add3A_89 = arith.constant 7 : i32
      %add3A_90 = arith.addi %add3A_32, %add3A_89 : i32
      %mul3A_91 = arith.constant 80 : i32
      %mul3A_92 = arith.muli %add3A_90, %mul3A_91 : i32
      %dma_start3A_93 = tpu.memref_slice %arg6[%mul3A_92] : memref<10000xi32, #tpu.memory_space<vmem>> -> memref<80xi32, #tpu.memory_space<vmem>>
      %dma_start3A_94 = arith.constant 0 : i32
      %dma_start3A_95 = arith.constant 0 : i32
      %dma_start3A_96 = tpu.memref_slice %arg8[%dma_start3A_94, %dma_start3A_95] : memref<10000x16xf32, #tpu.memory_space<vmem_shared>> -> memref<10000x16xf32, #tpu.memory_space<vmem_shared>>
      tpu.enqueue_indirect_dma source(%arg7 : memref<80x16xf32, #tpu.memory_space<vmem>>) target(%dma_start3A_96 : memref<10000x16xf32, #tpu.memory_space<vmem_shared>>) offsets(%dma_start3A_93 : memref<80xi32, #tpu.memory_space<vmem>>) semaphore(%arg9 : memref<!tpu.dma_semaphore, #tpu.memory_space<semaphore_mem>>) {add = true}
      %add3A_97 = arith.constant 8 : i32
      %add3A_98 = arith.addi %add3A_32, %add3A_97 : i32
      %mul3A_99 = arith.constant 80 : i32
      %mul3A_100 = arith.muli %add3A_98, %mul3A_99 : i32
      %dma_start3A_101 = tpu.memref_slice %arg6[%mul3A_100] : memref<10000xi32, #tpu.memory_space<vmem>> -> memref<80xi32, #tpu.memory_space<vmem>>
      %dma_start3A_102 = arith.constant 0 : i32
      %dma_start3A_103 = arith.constant 0 : i32
      %dma_start3A_104 = tpu.memref_slice %arg8[%dma_start3A_102, %dma_start3A_103] : memref<10000x16xf32, #tpu.memory_space<vmem_shared>> -> memref<10000x16xf32, #tpu.memory_space<vmem_shared>>
      tpu.enqueue_indirect_dma source(%arg7 : memref<80x16xf32, #tpu.memory_space<vmem>>) target(%dma_start3A_104 : memref<10000x16xf32, #tpu.memory_space<vmem_shared>>) offsets(%dma_start3A_101 : memref<80xi32, #tpu.memory_space<vmem>>) semaphore(%arg9 : memref<!tpu.dma_semaphore, #tpu.memory_space<semaphore_mem>>) {add = true}
      %add3A_105 = arith.constant 9 : i32
      %add3A_106 = arith.addi %add3A_32, %add3A_105 : i32
      %mul3A_107 = arith.constant 80 : i32
      %mul3A_108 = arith.muli %add3A_106, %mul3A_107 : i32
      %dma_start3A_109 = tpu.memref_slice %arg6[%mul3A_108] : memref<10000xi32, #tpu.memory_space<vmem>> -> memref<80xi32, #tpu.memory_space<vmem>>
      %dma_start3A_110 = arith.constant 0 : i32
      %dma_start3A_111 = arith.constant 0 : i32
      %dma_start3A_112 = tpu.memref_slice %arg8[%dma_start3A_110, %dma_start3A_111] : memref<10000x16xf32, #tpu.memory_space<vmem_shared>> -> memref<10000x16xf32, #tpu.memory_space<vmem_shared>>
      tpu.enqueue_indirect_dma source(%arg7 : memref<80x16xf32, #tpu.memory_space<vmem>>) target(%dma_start3A_112 : memref<10000x16xf32, #tpu.memory_space<vmem_shared>>) offsets(%dma_start3A_109 : memref<80xi32, #tpu.memory_space<vmem>>) semaphore(%arg9 : memref<!tpu.dma_semaphore, #tpu.memory_space<semaphore_mem>>) {add = true}
      %add3A_113 = arith.constant 10 : i32
      %add3A_114 = arith.addi %add3A_32, %add3A_113 : i32
      %mul3A_115 = arith.constant 80 : i32
      %mul3A_116 = arith.muli %add3A_114, %mul3A_115 : i32
      %dma_start3A_117 = tpu.memref_slice %arg6[%mul3A_116] : memref<10000xi32, #tpu.memory_space<vmem>> -> memref<80xi32, #tpu.memory_space<vmem>>
      %dma_start3A_118 = arith.constant 0 : i32
      %dma_start3A_119 = arith.constant 0 : i32
      %dma_start3A_120 = tpu.memref_slice %arg8[%dma_start3A_118, %dma_start3A_119] : memref<10000x16xf32, #tpu.memory_space<vmem_shared>> -> memref<10000x16xf32, #tpu.memory_space<vmem_shared>>
      tpu.enqueue_indirect_dma source(%arg7 : memref<80x16xf32, #tpu.memory_space<vmem>>) target(%dma_start3A_120 : memref<10000x16xf32, #tpu.memory_space<vmem_shared>>) offsets(%dma_start3A_117 : memref<80xi32, #tpu.memory_space<vmem>>) semaphore(%arg9 : memref<!tpu.dma_semaphore, #tpu.memory_space<semaphore_mem>>) {add = true}
      %add3A_121 = arith.constant 11 : i32
      %add3A_122 = arith.addi %add3A_32, %add3A_121 : i32
      %mul3A_123 = arith.constant 80 : i32
      %mul3A_124 = arith.muli %add3A_122, %mul3A_123 : i32
      %dma_start3A_125 = tpu.memref_slice %arg6[%mul3A_124] : memref<10000xi32, #tpu.memory_space<vmem>> -> memref<80xi32, #tpu.memory_space<vmem>>
      %dma_start3A_126 = arith.constant 0 : i32
      %dma_start3A_127 = arith.constant 0 : i32
      %dma_start3A_128 = tpu.memref_slice %arg8[%dma_start3A_126, %dma_start3A_127] : memref<10000x16xf32, #tpu.memory_space<vmem_shared>> -> memref<10000x16xf32, #tpu.memory_space<vmem_shared>>
      tpu.enqueue_indirect_dma source(%arg7 : memref<80x16xf32, #tpu.memory_space<vmem>>) target(%dma_start3A_128 : memref<10000x16xf32, #tpu.memory_space<vmem_shared>>) offsets(%dma_start3A_125 : memref<80xi32, #tpu.memory_space<vmem>>) semaphore(%arg9 : memref<!tpu.dma_semaphore, #tpu.memory_space<semaphore_mem>>) {add = true}
      %add3A_129 = arith.constant 12 : i32
      %add3A_130 = arith.addi %add3A_32, %add3A_129 : i32
      %mul3A_131 = arith.constant 80 : i32
      %mul3A_132 = arith.muli %add3A_130, %mul3A_131 : i32
      %dma_start3A_133 = tpu.memref_slice %arg6[%mul3A_132] : memref<10000xi32, #tpu.memory_space<vmem>> -> memref<80xi32, #tpu.memory_space<vmem>>
      %dma_start3A_134 = arith.constant 0 : i32
      %dma_start3A_135 = arith.constant 0 : i32
      %dma_start3A_136 = tpu.memref_slice %arg8[%dma_start3A_134, %dma_start3A_135] : memref<10000x16xf32, #tpu.memory_space<vmem_shared>> -> memref<10000x16xf32, #tpu.memory_space<vmem_shared>>
      tpu.enqueue_indirect_dma source(%arg7 : memref<80x16xf32, #tpu.memory_space<vmem>>) target(%dma_start3A_136 : memref<10000x16xf32, #tpu.memory_space<vmem_shared>>) offsets(%dma_start3A_133 : memref<80xi32, #tpu.memory_space<vmem>>) semaphore(%arg9 : memref<!tpu.dma_semaphore, #tpu.memory_space<semaphore_mem>>) {add = true}
      %add3A_137 = arith.constant 13 : i32
      %add3A_138 = arith.addi %add3A_32, %add3A_137 : i32
      %mul3A_139 = arith.constant 80 : i32
      %mul3A_140 = arith.muli %add3A_138, %mul3A_139 : i32
      %dma_start3A_141 = tpu.memref_slice %arg6[%mul3A_140] : memref<10000xi32, #tpu.memory_space<vmem>> -> memref<80xi32, #tpu.memory_space<vmem>>
      %dma_start3A_142 = arith.constant 0 : i32
      %dma_start3A_143 = arith.constant 0 : i32
      %dma_start3A_144 = tpu.memref_slice %arg8[%dma_start3A_142, %dma_start3A_143] : memref<10000x16xf32, #tpu.memory_space<vmem_shared>> -> memref<10000x16xf32, #tpu.memory_space<vmem_shared>>
      tpu.enqueue_indirect_dma source(%arg7 : memref<80x16xf32, #tpu.memory_space<vmem>>) target(%dma_start3A_144 : memref<10000x16xf32, #tpu.memory_space<vmem_shared>>) offsets(%dma_start3A_141 : memref<80xi32, #tpu.memory_space<vmem>>) semaphore(%arg9 : memref<!tpu.dma_semaphore, #tpu.memory_space<semaphore_mem>>) {add = true}
      %add3A_145 = arith.constant 14 : i32
      %add3A_146 = arith.addi %add3A_32, %add3A_145 : i32
      %mul3A_147 = arith.constant 80 : i32
      %mul3A_148 = arith.muli %add3A_146, %mul3A_147 : i32
      %dma_start3A_149 = tpu.memref_slice %arg6[%mul3A_148] : memref<10000xi32, #tpu.memory_space<vmem>> -> memref<80xi32, #tpu.memory_space<vmem>>
      %dma_start3A_150 = arith.constant 0 : i32
      %dma_start3A_151 = arith.constant 0 : i32
      %dma_start3A_152 = tpu.memref_slice %arg8[%dma_start3A_150, %dma_start3A_151] : memref<10000x16xf32, #tpu.memory_space<vmem_shared>> -> memref<10000x16xf32, #tpu.memory_space<vmem_shared>>
      tpu.enqueue_indirect_dma source(%arg7 : memref<80x16xf32, #tpu.memory_space<vmem>>) target(%dma_start3A_152 : memref<10000x16xf32, #tpu.memory_space<vmem_shared>>) offsets(%dma_start3A_149 : memref<80xi32, #tpu.memory_space<vmem>>) semaphore(%arg9 : memref<!tpu.dma_semaphore, #tpu.memory_space<semaphore_mem>>) {add = true}
      %add3A_153 = arith.constant 15 : i32
      %add3A_154 = arith.addi %add3A_32, %add3A_153 : i32
      %mul3A_155 = arith.constant 80 : i32
      %mul3A_156 = arith.muli %add3A_154, %mul3A_155 : i32
      %dma_start3A_157 = tpu.memref_slice %arg6[%mul3A_156] : memref<10000xi32, #tpu.memory_space<vmem>> -> memref<80xi32, #tpu.memory_space<vmem>>
      %dma_start3A_158 = arith.constant 0 : i32
      %dma_start3A_159 = arith.constant 0 : i32
      %dma_start3A_160 = tpu.memref_slice %arg8[%dma_start3A_158, %dma_start3A_159] : memref<10000x16xf32, #tpu.memory_space<vmem_shared>> -> memref<10000x16xf32, #tpu.memory_space<vmem_shared>>
      tpu.enqueue_indirect_dma source(%arg7 : memref<80x16xf32, #tpu.memory_space<vmem>>) target(%dma_start3A_160 : memref<10000x16xf32, #tpu.memory_space<vmem_shared>>) offsets(%dma_start3A_157 : memref<80xi32, #tpu.memory_space<vmem>>) semaphore(%arg9 : memref<!tpu.dma_semaphore, #tpu.memory_space<semaphore_mem>>) {add = true}
      %add3A_161 = arith.constant 16 : i32
      %add3A_162 = arith.addi %add3A_32, %add3A_161 : i32
      %mul3A_163 = arith.constant 80 : i32
      %mul3A_164 = arith.muli %add3A_162, %mul3A_163 : i32
      %dma_start3A_165 = tpu.memref_slice %arg6[%mul3A_164] : memref<10000xi32, #tpu.memory_space<vmem>> -> memref<80xi32, #tpu.memory_space<vmem>>
      %dma_start3A_166 = arith.constant 0 : i32
      %dma_start3A_167 = arith.constant 0 : i32
      %dma_start3A_168 = tpu.memref_slice %arg8[%dma_start3A_166, %dma_start3A_167] : memref<10000x16xf32, #tpu.memory_space<vmem_shared>> -> memref<10000x16xf32, #tpu.memory_space<vmem_shared>>
      tpu.enqueue_indirect_dma source(%arg7 : memref<80x16xf32, #tpu.memory_space<vmem>>) target(%dma_start3A_168 : memref<10000x16xf32, #tpu.memory_space<vmem_shared>>) offsets(%dma_start3A_165 : memref<80xi32, #tpu.memory_space<vmem>>) semaphore(%arg9 : memref<!tpu.dma_semaphore, #tpu.memory_space<semaphore_mem>>) {add = true}
      %add3A_169 = arith.constant 17 : i32
      %add3A_170 = arith.addi %add3A_32, %add3A_169 : i32
      %mul3A_171 = arith.constant 80 : i32
      %mul3A_172 = arith.muli %add3A_170, %mul3A_171 : i32
      %dma_start3A_173 = tpu.memref_slice %arg6[%mul3A_172] : memref<10000xi32, #tpu.memory_space<vmem>> -> memref<80xi32, #tpu.memory_space<vmem>>
      %dma_start3A_174 = arith.constant 0 : i32
      %dma_start3A_175 = arith.constant 0 : i32
      %dma_start3A_176 = tpu.memref_slice %arg8[%dma_start3A_174, %dma_start3A_175] : memref<10000x16xf32, #tpu.memory_space<vmem_shared>> -> memref<10000x16xf32, #tpu.memory_space<vmem_shared>>
      tpu.enqueue_indirect_dma source(%arg7 : memref<80x16xf32, #tpu.memory_space<vmem>>) target(%dma_start3A_176 : memref<10000x16xf32, #tpu.memory_space<vmem_shared>>) offsets(%dma_start3A_173 : memref<80xi32, #tpu.memory_space<vmem>>) semaphore(%arg9 : memref<!tpu.dma_semaphore, #tpu.memory_space<semaphore_mem>>) {add = true}
      %add3A_177 = arith.constant 18 : i32
      %add3A_178 = arith.addi %add3A_32, %add3A_177 : i32
      %mul3A_179 = arith.constant 80 : i32
      %mul3A_180 = arith.muli %add3A_178, %mul3A_179 : i32
      %dma_start3A_181 = tpu.memref_slice %arg6[%mul3A_180] : memref<10000xi32, #tpu.memory_space<vmem>> -> memref<80xi32, #tpu.memory_space<vmem>>
      %dma_start3A_182 = arith.constant 0 : i32
      %dma_start3A_183 = arith.constant 0 : i32
      %dma_start3A_184 = tpu.memref_slice %arg8[%dma_start3A_182, %dma_start3A_183] : memref<10000x16xf32, #tpu.memory_space<vmem_shared>> -> memref<10000x16xf32, #tpu.memory_space<vmem_shared>>
      tpu.enqueue_indirect_dma source(%arg7 : memref<80x16xf32, #tpu.memory_space<vmem>>) target(%dma_start3A_184 : memref<10000x16xf32, #tpu.memory_space<vmem_shared>>) offsets(%dma_start3A_181 : memref<80xi32, #tpu.memory_space<vmem>>) semaphore(%arg9 : memref<!tpu.dma_semaphore, #tpu.memory_space<semaphore_mem>>) {add = true}
      %add3A_185 = arith.constant 19 : i32
      %add3A_186 = arith.addi %add3A_32, %add3A_185 : i32
      %mul3A_187 = arith.constant 80 : i32
      %mul3A_188 = arith.muli %add3A_186, %mul3A_187 : i32
      %dma_start3A_189 = tpu.memref_slice %arg6[%mul3A_188] : memref<10000xi32, #tpu.memory_space<vmem>> -> memref<80xi32, #tpu.memory_space<vmem>>
      %dma_start3A_190 = arith.constant 0 : i32
      %dma_start3A_191 = arith.constant 0 : i32
      %dma_start3A_192 = tpu.memref_slice %arg8[%dma_start3A_190, %dma_start3A_191] : memref<10000x16xf32, #tpu.memory_space<vmem_shared>> -> memref<10000x16xf32, #tpu.memory_space<vmem_shared>>
      tpu.enqueue_indirect_dma source(%arg7 : memref<80x16xf32, #tpu.memory_space<vmem>>) target(%dma_start3A_192 : memref<10000x16xf32, #tpu.memory_space<vmem_shared>>) offsets(%dma_start3A_189 : memref<80xi32, #tpu.memory_space<vmem>>) semaphore(%arg9 : memref<!tpu.dma_semaphore, #tpu.memory_space<semaphore_mem>>) {add = true}
      %add3A_193 = arith.constant 20 : i32
      %add3A_194 = arith.addi %add3A_32, %add3A_193 : i32
      %mul3A_195 = arith.constant 80 : i32
      %mul3A_196 = arith.muli %add3A_194, %mul3A_195 : i32
      %dma_start3A_197 = tpu.memref_slice %arg6[%mul3A_196] : memref<10000xi32, #tpu.memory_space<vmem>> -> memref<80xi32, #tpu.memory_space<vmem>>
      %dma_start3A_198 = arith.constant 0 : i32
      %dma_start3A_199 = arith.constant 0 : i32
      %dma_start3A_200 = tpu.memref_slice %arg8[%dma_start3A_198, %dma_start3A_199] : memref<10000x16xf32, #tpu.memory_space<vmem_shared>> -> memref<10000x16xf32, #tpu.memory_space<vmem_shared>>
      tpu.enqueue_indirect_dma source(%arg7 : memref<80x16xf32, #tpu.memory_space<vmem>>) target(%dma_start3A_200 : memref<10000x16xf32, #tpu.memory_space<vmem_shared>>) offsets(%dma_start3A_197 : memref<80xi32, #tpu.memory_space<vmem>>) semaphore(%arg9 : memref<!tpu.dma_semaphore, #tpu.memory_space<semaphore_mem>>) {add = true}
      %add3A_201 = arith.constant 21 : i32
      %add3A_202 = arith.addi %add3A_32, %add3A_201 : i32
      %mul3A_203 = arith.constant 80 : i32
      %mul3A_204 = arith.muli %add3A_202, %mul3A_203 : i32
      %dma_start3A_205 = tpu.memref_slice %arg6[%mul3A_204] : memref<10000xi32, #tpu.memory_space<vmem>> -> memref<80xi32, #tpu.memory_space<vmem>>
      %dma_start3A_206 = arith.constant 0 : i32
      %dma_start3A_207 = arith.constant 0 : i32
      %dma_start3A_208 = tpu.memref_slice %arg8[%dma_start3A_206, %dma_start3A_207] : memref<10000x16xf32, #tpu.memory_space<vmem_shared>> -> memref<10000x16xf32, #tpu.memory_space<vmem_shared>>
      tpu.enqueue_indirect_dma source(%arg7 : memref<80x16xf32, #tpu.memory_space<vmem>>) target(%dma_start3A_208 : memref<10000x16xf32, #tpu.memory_space<vmem_shared>>) offsets(%dma_start3A_205 : memref<80xi32, #tpu.memory_space<vmem>>) semaphore(%arg9 : memref<!tpu.dma_semaphore, #tpu.memory_space<semaphore_mem>>) {add = true}
      %add3A_209 = arith.constant 22 : i32
      %add3A_210 = arith.addi %add3A_32, %add3A_209 : i32
      %mul3A_211 = arith.constant 80 : i32
      %mul3A_212 = arith.muli %add3A_210, %mul3A_211 : i32
      %dma_start3A_213 = tpu.memref_slice %arg6[%mul3A_212] : memref<10000xi32, #tpu.memory_space<vmem>> -> memref<80xi32, #tpu.memory_space<vmem>>
      %dma_start3A_214 = arith.constant 0 : i32
      %dma_start3A_215 = arith.constant 0 : i32
      %dma_start3A_216 = tpu.memref_slice %arg8[%dma_start3A_214, %dma_start3A_215] : memref<10000x16xf32, #tpu.memory_space<vmem_shared>> -> memref<10000x16xf32, #tpu.memory_space<vmem_shared>>
      tpu.enqueue_indirect_dma source(%arg7 : memref<80x16xf32, #tpu.memory_space<vmem>>) target(%dma_start3A_216 : memref<10000x16xf32, #tpu.memory_space<vmem_shared>>) offsets(%dma_start3A_213 : memref<80xi32, #tpu.memory_space<vmem>>) semaphore(%arg9 : memref<!tpu.dma_semaphore, #tpu.memory_space<semaphore_mem>>) {add = true}
      %add3A_217 = arith.constant 23 : i32
      %add3A_218 = arith.addi %add3A_32, %add3A_217 : i32
      %mul3A_219 = arith.constant 80 : i32
      %mul3A_220 = arith.muli %add3A_218, %mul3A_219 : i32
      %dma_start3A_221 = tpu.memref_slice %arg6[%mul3A_220] : memref<10000xi32, #tpu.memory_space<vmem>> -> memref<80xi32, #tpu.memory_space<vmem>>
      %dma_start3A_222 = arith.constant 0 : i32
      %dma_start3A_223 = arith.constant 0 : i32
      %dma_start3A_224 = tpu.memref_slice %arg8[%dma_start3A_222, %dma_start3A_223] : memref<10000x16xf32, #tpu.memory_space<vmem_shared>> -> memref<10000x16xf32, #tpu.memory_space<vmem_shared>>
      tpu.enqueue_indirect_dma source(%arg7 : memref<80x16xf32, #tpu.memory_space<vmem>>) target(%dma_start3A_224 : memref<10000x16xf32, #tpu.memory_space<vmem_shared>>) offsets(%dma_start3A_221 : memref<80xi32, #tpu.memory_space<vmem>>) semaphore(%arg9 : memref<!tpu.dma_semaphore, #tpu.memory_space<semaphore_mem>>) {add = true}
      %add3A_225 = arith.constant 24 : i32
      %add3A_226 = arith.addi %add3A_32, %add3A_225 : i32
      %mul3A_227 = arith.constant 80 : i32
      %mul3A_228 = arith.muli %add3A_226, %mul3A_227 : i32
      %dma_start3A_229 = tpu.memref_slice %arg6[%mul3A_228] : memref<10000xi32, #tpu.memory_space<vmem>> -> memref<80xi32, #tpu.memory_space<vmem>>
      %dma_start3A_230 = arith.constant 0 : i32
      %dma_start3A_231 = arith.constant 0 : i32
      %dma_start3A_232 = tpu.memref_slice %arg8[%dma_start3A_230, %dma_start3A_231] : memref<10000x16xf32, #tpu.memory_space<vmem_shared>> -> memref<10000x16xf32, #tpu.memory_space<vmem_shared>>
      tpu.enqueue_indirect_dma source(%arg7 : memref<80x16xf32, #tpu.memory_space<vmem>>) target(%dma_start3A_232 : memref<10000x16xf32, #tpu.memory_space<vmem_shared>>) offsets(%dma_start3A_229 : memref<80xi32, #tpu.memory_space<vmem>>) semaphore(%arg9 : memref<!tpu.dma_semaphore, #tpu.memory_space<semaphore_mem>>) {add = true}
      %add3A_233 = arith.constant 0 : i32
      %add3A_234 = arith.addi %add3A_32, %add3A_233 : i32
      %mul3A_235 = arith.constant 80 : i32
      %mul3A_236 = arith.muli %add3A_234, %mul3A_235 : i32
      %dma_wait3A_237 = tpu.memref_slice %arg6[%mul3A_236] : memref<10000xi32, #tpu.memory_space<vmem>> -> memref<80xi32, #tpu.memory_space<vmem>>
      %dma_wait3A_238 = arith.constant 0 : i32
      %dma_wait3A_239 = arith.constant 0 : i32
      %dma_wait3A_240 = tpu.memref_slice %arg8[%dma_wait3A_238, %dma_wait3A_239] : memref<10000x16xf32, #tpu.memory_space<vmem_shared>> -> memref<10000x16xf32, #tpu.memory_space<vmem_shared>>
      tpu.wait_indirect_dma semaphore(%arg9 : memref<!tpu.dma_semaphore, #tpu.memory_space<semaphore_mem>>) src(%arg7 : memref<80x16xf32, #tpu.memory_space<vmem>>) dst(%dma_wait3A_240 : memref<10000x16xf32, #tpu.memory_space<vmem_shared>>)
      %add3A_241 = arith.constant 1 : i32
      %add3A_242 = arith.addi %add3A_32, %add3A_241 : i32
      %mul3A_243 = arith.constant 80 : i32
      %mul3A_244 = arith.muli %add3A_242, %mul3A_243 : i32
      %dma_wait3A_245 = tpu.memref_slice %arg6[%mul3A_244] : memref<10000xi32, #tpu.memory_space<vmem>> -> memref<80xi32, #tpu.memory_space<vmem>>
      %dma_wait3A_246 = arith.constant 0 : i32
      %dma_wait3A_247 = arith.constant 0 : i32
      %dma_wait3A_248 = tpu.memref_slice %arg8[%dma_wait3A_246, %dma_wait3A_247] : memref<10000x16xf32, #tpu.memory_space<vmem_shared>> -> memref<10000x16xf32, #tpu.memory_space<vmem_shared>>
      tpu.wait_indirect_dma semaphore(%arg9 : memref<!tpu.dma_semaphore, #tpu.memory_space<semaphore_mem>>) src(%arg7 : memref<80x16xf32, #tpu.memory_space<vmem>>) dst(%dma_wait3A_248 : memref<10000x16xf32, #tpu.memory_space<vmem_shared>>)
      %add3A_249 = arith.constant 2 : i32
      %add3A_250 = arith.addi %add3A_32, %add3A_249 : i32
      %mul3A_251 = arith.constant 80 : i32
      %mul3A_252 = arith.muli %add3A_250, %mul3A_251 : i32
      %dma_wait3A_253 = tpu.memref_slice %arg6[%mul3A_252] : memref<10000xi32, #tpu.memory_space<vmem>> -> memref<80xi32, #tpu.memory_space<vmem>>
      %dma_wait3A_254 = arith.constant 0 : i32
      %dma_wait3A_255 = arith.constant 0 : i32
      %dma_wait3A_256 = tpu.memref_slice %arg8[%dma_wait3A_254, %dma_wait3A_255] : memref<10000x16xf32, #tpu.memory_space<vmem_shared>> -> memref<10000x16xf32, #tpu.memory_space<vmem_shared>>
      tpu.wait_indirect_dma semaphore(%arg9 : memref<!tpu.dma_semaphore, #tpu.memory_space<semaphore_mem>>) src(%arg7 : memref<80x16xf32, #tpu.memory_space<vmem>>) dst(%dma_wait3A_256 : memref<10000x16xf32, #tpu.memory_space<vmem_shared>>)
      %add3A_257 = arith.constant 3 : i32
      %add3A_258 = arith.addi %add3A_32, %add3A_257 : i32
      %mul3A_259 = arith.constant 80 : i32
      %mul3A_260 = arith.muli %add3A_258, %mul3A_259 : i32
      %dma_wait3A_261 = tpu.memref_slice %arg6[%mul3A_260] : memref<10000xi32, #tpu.memory_space<vmem>> -> memref<80xi32, #tpu.memory_space<vmem>>
      %dma_wait3A_262 = arith.constant 0 : i32
      %dma_wait3A_263 = arith.constant 0 : i32
      %dma_wait3A_264 = tpu.memref_slice %arg8[%dma_wait3A_262, %dma_wait3A_263] : memref<10000x16xf32, #tpu.memory_space<vmem_shared>> -> memref<10000x16xf32, #tpu.memory_space<vmem_shared>>
      tpu.wait_indirect_dma semaphore(%arg9 : memref<!tpu.dma_semaphore, #tpu.memory_space<semaphore_mem>>) src(%arg7 : memref<80x16xf32, #tpu.memory_space<vmem>>) dst(%dma_wait3A_264 : memref<10000x16xf32, #tpu.memory_space<vmem_shared>>)
      %add3A_265 = arith.constant 4 : i32
      %add3A_266 = arith.addi %add3A_32, %add3A_265 : i32
      %mul3A_267 = arith.constant 80 : i32
      %mul3A_268 = arith.muli %add3A_266, %mul3A_267 : i32
      %dma_wait3A_269 = tpu.memref_slice %arg6[%mul3A_268] : memref<10000xi32, #tpu.memory_space<vmem>> -> memref<80xi32, #tpu.memory_space<vmem>>
      %dma_wait3A_270 = arith.constant 0 : i32
      %dma_wait3A_271 = arith.constant 0 : i32
      %dma_wait3A_272 = tpu.memref_slice %arg8[%dma_wait3A_270, %dma_wait3A_271] : memref<10000x16xf32, #tpu.memory_space<vmem_shared>> -> memref<10000x16xf32, #tpu.memory_space<vmem_shared>>
      tpu.wait_indirect_dma semaphore(%arg9 : memref<!tpu.dma_semaphore, #tpu.memory_space<semaphore_mem>>) src(%arg7 : memref<80x16xf32, #tpu.memory_space<vmem>>) dst(%dma_wait3A_272 : memref<10000x16xf32, #tpu.memory_space<vmem_shared>>)
      %add3A_273 = arith.constant 5 : i32
      %add3A_274 = arith.addi %add3A_32, %add3A_273 : i32
      %mul3A_275 = arith.constant 80 : i32
      %mul3A_276 = arith.muli %add3A_274, %mul3A_275 : i32
      %dma_wait3A_277 = tpu.memref_slice %arg6[%mul3A_276] : memref<10000xi32, #tpu.memory_space<vmem>> -> memref<80xi32, #tpu.memory_space<vmem>>
      %dma_wait3A_278 = arith.constant 0 : i32
      %dma_wait3A_279 = arith.constant 0 : i32
      %dma_wait3A_280 = tpu.memref_slice %arg8[%dma_wait3A_278, %dma_wait3A_279] : memref<10000x16xf32, #tpu.memory_space<vmem_shared>> -> memref<10000x16xf32, #tpu.memory_space<vmem_shared>>
      tpu.wait_indirect_dma semaphore(%arg9 : memref<!tpu.dma_semaphore, #tpu.memory_space<semaphore_mem>>) src(%arg7 : memref<80x16xf32, #tpu.memory_space<vmem>>) dst(%dma_wait3A_280 : memref<10000x16xf32, #tpu.memory_space<vmem_shared>>)
      %add3A_281 = arith.constant 6 : i32
      %add3A_282 = arith.addi %add3A_32, %add3A_281 : i32
      %mul3A_283 = arith.constant 80 : i32
      %mul3A_284 = arith.muli %add3A_282, %mul3A_283 : i32
      %dma_wait3A_285 = tpu.memref_slice %arg6[%mul3A_284] : memref<10000xi32, #tpu.memory_space<vmem>> -> memref<80xi32, #tpu.memory_space<vmem>>
      %dma_wait3A_286 = arith.constant 0 : i32
      %dma_wait3A_287 = arith.constant 0 : i32
      %dma_wait3A_288 = tpu.memref_slice %arg8[%dma_wait3A_286, %dma_wait3A_287] : memref<10000x16xf32, #tpu.memory_space<vmem_shared>> -> memref<10000x16xf32, #tpu.memory_space<vmem_shared>>
      tpu.wait_indirect_dma semaphore(%arg9 : memref<!tpu.dma_semaphore, #tpu.memory_space<semaphore_mem>>) src(%arg7 : memref<80x16xf32, #tpu.memory_space<vmem>>) dst(%dma_wait3A_288 : memref<10000x16xf32, #tpu.memory_space<vmem_shared>>)
      %add3A_289 = arith.constant 7 : i32
      %add3A_290 = arith.addi %add3A_32, %add3A_289 : i32
      %mul3A_291 = arith.constant 80 : i32
      %mul3A_292 = arith.muli %add3A_290, %mul3A_291 : i32
      %dma_wait3A_293 = tpu.memref_slice %arg6[%mul3A_292] : memref<10000xi32, #tpu.memory_space<vmem>> -> memref<80xi32, #tpu.memory_space<vmem>>
      %dma_wait3A_294 = arith.constant 0 : i32
      %dma_wait3A_295 = arith.constant 0 : i32
      %dma_wait3A_296 = tpu.memref_slice %arg8[%dma_wait3A_294, %dma_wait3A_295] : memref<10000x16xf32, #tpu.memory_space<vmem_shared>> -> memref<10000x16xf32, #tpu.memory_space<vmem_shared>>
      tpu.wait_indirect_dma semaphore(%arg9 : memref<!tpu.dma_semaphore, #tpu.memory_space<semaphore_mem>>) src(%arg7 : memref<80x16xf32, #tpu.memory_space<vmem>>) dst(%dma_wait3A_296 : memref<10000x16xf32, #tpu.memory_space<vmem_shared>>)
      %add3A_297 = arith.constant 8 : i32
      %add3A_298 = arith.addi %add3A_32, %add3A_297 : i32
      %mul3A_299 = arith.constant 80 : i32
      %mul3A_300 = arith.muli %add3A_298, %mul3A_299 : i32
      %dma_wait3A_301 = tpu.memref_slice %arg6[%mul3A_300] : memref<10000xi32, #tpu.memory_space<vmem>> -> memref<80xi32, #tpu.memory_space<vmem>>
      %dma_wait3A_302 = arith.constant 0 : i32
      %dma_wait3A_303 = arith.constant 0 : i32
      %dma_wait3A_304 = tpu.memref_slice %arg8[%dma_wait3A_302, %dma_wait3A_303] : memref<10000x16xf32, #tpu.memory_space<vmem_shared>> -> memref<10000x16xf32, #tpu.memory_space<vmem_shared>>
      tpu.wait_indirect_dma semaphore(%arg9 : memref<!tpu.dma_semaphore, #tpu.memory_space<semaphore_mem>>) src(%arg7 : memref<80x16xf32, #tpu.memory_space<vmem>>) dst(%dma_wait3A_304 : memref<10000x16xf32, #tpu.memory_space<vmem_shared>>)
      %add3A_305 = arith.constant 9 : i32
      %add3A_306 = arith.addi %add3A_32, %add3A_305 : i32
      %mul3A_307 = arith.constant 80 : i32
      %mul3A_308 = arith.muli %add3A_306, %mul3A_307 : i32
      %dma_wait3A_309 = tpu.memref_slice %arg6[%mul3A_308] : memref<10000xi32, #tpu.memory_space<vmem>> -> memref<80xi32, #tpu.memory_space<vmem>>
      %dma_wait3A_310 = arith.constant 0 : i32
      %dma_wait3A_311 = arith.constant 0 : i32
      %dma_wait3A_312 = tpu.memref_slice %arg8[%dma_wait3A_310, %dma_wait3A_311] : memref<10000x16xf32, #tpu.memory_space<vmem_shared>> -> memref<10000x16xf32, #tpu.memory_space<vmem_shared>>
      tpu.wait_indirect_dma semaphore(%arg9 : memref<!tpu.dma_semaphore, #tpu.memory_space<semaphore_mem>>) src(%arg7 : memref<80x16xf32, #tpu.memory_space<vmem>>) dst(%dma_wait3A_312 : memref<10000x16xf32, #tpu.memory_space<vmem_shared>>)
      %add3A_313 = arith.constant 10 : i32
      %add3A_314 = arith.addi %add3A_32, %add3A_313 : i32
      %mul3A_315 = arith.constant 80 : i32
      %mul3A_316 = arith.muli %add3A_314, %mul3A_315 : i32
      %dma_wait3A_317 = tpu.memref_slice %arg6[%mul3A_316] : memref<10000xi32, #tpu.memory_space<vmem>> -> memref<80xi32, #tpu.memory_space<vmem>>
      %dma_wait3A_318 = arith.constant 0 : i32
      %dma_wait3A_319 = arith.constant 0 : i32
      %dma_wait3A_320 = tpu.memref_slice %arg8[%dma_wait3A_318, %dma_wait3A_319] : memref<10000x16xf32, #tpu.memory_space<vmem_shared>> -> memref<10000x16xf32, #tpu.memory_space<vmem_shared>>
      tpu.wait_indirect_dma semaphore(%arg9 : memref<!tpu.dma_semaphore, #tpu.memory_space<semaphore_mem>>) src(%arg7 : memref<80x16xf32, #tpu.memory_space<vmem>>) dst(%dma_wait3A_320 : memref<10000x16xf32, #tpu.memory_space<vmem_shared>>)
      %add3A_321 = arith.constant 11 : i32
      %add3A_322 = arith.addi %add3A_32, %add3A_321 : i32
      %mul3A_323 = arith.constant 80 : i32
      %mul3A_324 = arith.muli %add3A_322, %mul3A_323 : i32
      %dma_wait3A_325 = tpu.memref_slice %arg6[%mul3A_324] : memref<10000xi32, #tpu.memory_space<vmem>> -> memref<80xi32, #tpu.memory_space<vmem>>
      %dma_wait3A_326 = arith.constant 0 : i32
      %dma_wait3A_327 = arith.constant 0 : i32
      %dma_wait3A_328 = tpu.memref_slice %arg8[%dma_wait3A_326, %dma_wait3A_327] : memref<10000x16xf32, #tpu.memory_space<vmem_shared>> -> memref<10000x16xf32, #tpu.memory_space<vmem_shared>>
      tpu.wait_indirect_dma semaphore(%arg9 : memref<!tpu.dma_semaphore, #tpu.memory_space<semaphore_mem>>) src(%arg7 : memref<80x16xf32, #tpu.memory_space<vmem>>) dst(%dma_wait3A_328 : memref<10000x16xf32, #tpu.memory_space<vmem_shared>>)
      %add3A_329 = arith.constant 12 : i32
      %add3A_330 = arith.addi %add3A_32, %add3A_329 : i32
      %mul3A_331 = arith.constant 80 : i32
      %mul3A_332 = arith.muli %add3A_330, %mul3A_331 : i32
      %dma_wait3A_333 = tpu.memref_slice %arg6[%mul3A_332] : memref<10000xi32, #tpu.memory_space<vmem>> -> memref<80xi32, #tpu.memory_space<vmem>>
      %dma_wait3A_334 = arith.constant 0 : i32
      %dma_wait3A_335 = arith.constant 0 : i32
      %dma_wait3A_336 = tpu.memref_slice %arg8[%dma_wait3A_334, %dma_wait3A_335] : memref<10000x16xf32, #tpu.memory_space<vmem_shared>> -> memref<10000x16xf32, #tpu.memory_space<vmem_shared>>
      tpu.wait_indirect_dma semaphore(%arg9 : memref<!tpu.dma_semaphore, #tpu.memory_space<semaphore_mem>>) src(%arg7 : memref<80x16xf32, #tpu.memory_space<vmem>>) dst(%dma_wait3A_336 : memref<10000x16xf32, #tpu.memory_space<vmem_shared>>)
      %add3A_337 = arith.constant 13 : i32
      %add3A_338 = arith.addi %add3A_32, %add3A_337 : i32
      %mul3A_339 = arith.constant 80 : i32
      %mul3A_340 = arith.muli %add3A_338, %mul3A_339 : i32
      %dma_wait3A_341 = tpu.memref_slice %arg6[%mul3A_340] : memref<10000xi32, #tpu.memory_space<vmem>> -> memref<80xi32, #tpu.memory_space<vmem>>
      %dma_wait3A_342 = arith.constant 0 : i32
      %dma_wait3A_343 = arith.constant 0 : i32
      %dma_wait3A_344 = tpu.memref_slice %arg8[%dma_wait3A_342, %dma_wait3A_343] : memref<10000x16xf32, #tpu.memory_space<vmem_shared>> -> memref<10000x16xf32, #tpu.memory_space<vmem_shared>>
      tpu.wait_indirect_dma semaphore(%arg9 : memref<!tpu.dma_semaphore, #tpu.memory_space<semaphore_mem>>) src(%arg7 : memref<80x16xf32, #tpu.memory_space<vmem>>) dst(%dma_wait3A_344 : memref<10000x16xf32, #tpu.memory_space<vmem_shared>>)
      %add3A_345 = arith.constant 14 : i32
      %add3A_346 = arith.addi %add3A_32, %add3A_345 : i32
      %mul3A_347 = arith.constant 80 : i32
      %mul3A_348 = arith.muli %add3A_346, %mul3A_347 : i32
      %dma_wait3A_349 = tpu.memref_slice %arg6[%mul3A_348] : memref<10000xi32, #tpu.memory_space<vmem>> -> memref<80xi32, #tpu.memory_space<vmem>>
      %dma_wait3A_350 = arith.constant 0 : i32
      %dma_wait3A_351 = arith.constant 0 : i32
      %dma_wait3A_352 = tpu.memref_slice %arg8[%dma_wait3A_350, %dma_wait3A_351] : memref<10000x16xf32, #tpu.memory_space<vmem_shared>> -> memref<10000x16xf32, #tpu.memory_space<vmem_shared>>
      tpu.wait_indirect_dma semaphore(%arg9 : memref<!tpu.dma_semaphore, #tpu.memory_space<semaphore_mem>>) src(%arg7 : memref<80x16xf32, #tpu.memory_space<vmem>>) dst(%dma_wait3A_352 : memref<10000x16xf32, #tpu.memory_space<vmem_shared>>)
      %add3A_353 = arith.constant 15 : i32
      %add3A_354 = arith.addi %add3A_32, %add3A_353 : i32
      %mul3A_355 = arith.constant 80 : i32
      %mul3A_356 = arith.muli %add3A_354, %mul3A_355 : i32
      %dma_wait3A_357 = tpu.memref_slice %arg6[%mul3A_356] : memref<10000xi32, #tpu.memory_space<vmem>> -> memref<80xi32, #tpu.memory_space<vmem>>
      %dma_wait3A_358 = arith.constant 0 : i32
      %dma_wait3A_359 = arith.constant 0 : i32
      %dma_wait3A_360 = tpu.memref_slice %arg8[%dma_wait3A_358, %dma_wait3A_359] : memref<10000x16xf32, #tpu.memory_space<vmem_shared>> -> memref<10000x16xf32, #tpu.memory_space<vmem_shared>>
      tpu.wait_indirect_dma semaphore(%arg9 : memref<!tpu.dma_semaphore, #tpu.memory_space<semaphore_mem>>) src(%arg7 : memref<80x16xf32, #tpu.memory_space<vmem>>) dst(%dma_wait3A_360 : memref<10000x16xf32, #tpu.memory_space<vmem_shared>>)
      %add3A_361 = arith.constant 16 : i32
      %add3A_362 = arith.addi %add3A_32, %add3A_361 : i32
      %mul3A_363 = arith.constant 80 : i32
      %mul3A_364 = arith.muli %add3A_362, %mul3A_363 : i32
      %dma_wait3A_365 = tpu.memref_slice %arg6[%mul3A_364] : memref<10000xi32, #tpu.memory_space<vmem>> -> memref<80xi32, #tpu.memory_space<vmem>>
      %dma_wait3A_366 = arith.constant 0 : i32
      %dma_wait3A_367 = arith.constant 0 : i32
      %dma_wait3A_368 = tpu.memref_slice %arg8[%dma_wait3A_366, %dma_wait3A_367] : memref<10000x16xf32, #tpu.memory_space<vmem_shared>> -> memref<10000x16xf32, #tpu.memory_space<vmem_shared>>
      tpu.wait_indirect_dma semaphore(%arg9 : memref<!tpu.dma_semaphore, #tpu.memory_space<semaphore_mem>>) src(%arg7 : memref<80x16xf32, #tpu.memory_space<vmem>>) dst(%dma_wait3A_368 : memref<10000x16xf32, #tpu.memory_space<vmem_shared>>)
      %add3A_369 = arith.constant 17 : i32
      %add3A_370 = arith.addi %add3A_32, %add3A_369 : i32
      %mul3A_371 = arith.constant 80 : i32
      %mul3A_372 = arith.muli %add3A_370, %mul3A_371 : i32
      %dma_wait3A_373 = tpu.memref_slice %arg6[%mul3A_372] : memref<10000xi32, #tpu.memory_space<vmem>> -> memref<80xi32, #tpu.memory_space<vmem>>
      %dma_wait3A_374 = arith.constant 0 : i32
      %dma_wait3A_375 = arith.constant 0 : i32
      %dma_wait3A_376 = tpu.memref_slice %arg8[%dma_wait3A_374, %dma_wait3A_375] : memref<10000x16xf32, #tpu.memory_space<vmem_shared>> -> memref<10000x16xf32, #tpu.memory_space<vmem_shared>>
      tpu.wait_indirect_dma semaphore(%arg9 : memref<!tpu.dma_semaphore, #tpu.memory_space<semaphore_mem>>) src(%arg7 : memref<80x16xf32, #tpu.memory_space<vmem>>) dst(%dma_wait3A_376 : memref<10000x16xf32, #tpu.memory_space<vmem_shared>>)
      %add3A_377 = arith.constant 18 : i32
      %add3A_378 = arith.addi %add3A_32, %add3A_377 : i32
      %mul3A_379 = arith.constant 80 : i32
      %mul3A_380 = arith.muli %add3A_378, %mul3A_379 : i32
      %dma_wait3A_381 = tpu.memref_slice %arg6[%mul3A_380] : memref<10000xi32, #tpu.memory_space<vmem>> -> memref<80xi32, #tpu.memory_space<vmem>>
      %dma_wait3A_382 = arith.constant 0 : i32
      %dma_wait3A_383 = arith.constant 0 : i32
      %dma_wait3A_384 = tpu.memref_slice %arg8[%dma_wait3A_382, %dma_wait3A_383] : memref<10000x16xf32, #tpu.memory_space<vmem_shared>> -> memref<10000x16xf32, #tpu.memory_space<vmem_shared>>
      tpu.wait_indirect_dma semaphore(%arg9 : memref<!tpu.dma_semaphore, #tpu.memory_space<semaphore_mem>>) src(%arg7 : memref<80x16xf32, #tpu.memory_space<vmem>>) dst(%dma_wait3A_384 : memref<10000x16xf32, #tpu.memory_space<vmem_shared>>)
      %add3A_385 = arith.constant 19 : i32
      %add3A_386 = arith.addi %add3A_32, %add3A_385 : i32
      %mul3A_387 = arith.constant 80 : i32
      %mul3A_388 = arith.muli %add3A_386, %mul3A_387 : i32
      %dma_wait3A_389 = tpu.memref_slice %arg6[%mul3A_388] : memref<10000xi32, #tpu.memory_space<vmem>> -> memref<80xi32, #tpu.memory_space<vmem>>
      %dma_wait3A_390 = arith.constant 0 : i32
      %dma_wait3A_391 = arith.constant 0 : i32
      %dma_wait3A_392 = tpu.memref_slice %arg8[%dma_wait3A_390, %dma_wait3A_391] : memref<10000x16xf32, #tpu.memory_space<vmem_shared>> -> memref<10000x16xf32, #tpu.memory_space<vmem_shared>>
      tpu.wait_indirect_dma semaphore(%arg9 : memref<!tpu.dma_semaphore, #tpu.memory_space<semaphore_mem>>) src(%arg7 : memref<80x16xf32, #tpu.memory_space<vmem>>) dst(%dma_wait3A_392 : memref<10000x16xf32, #tpu.memory_space<vmem_shared>>)
      %add3A_393 = arith.constant 20 : i32
      %add3A_394 = arith.addi %add3A_32, %add3A_393 : i32
      %mul3A_395 = arith.constant 80 : i32
      %mul3A_396 = arith.muli %add3A_394, %mul3A_395 : i32
      %dma_wait3A_397 = tpu.memref_slice %arg6[%mul3A_396] : memref<10000xi32, #tpu.memory_space<vmem>> -> memref<80xi32, #tpu.memory_space<vmem>>
      %dma_wait3A_398 = arith.constant 0 : i32
      %dma_wait3A_399 = arith.constant 0 : i32
      %dma_wait3A_400 = tpu.memref_slice %arg8[%dma_wait3A_398, %dma_wait3A_399] : memref<10000x16xf32, #tpu.memory_space<vmem_shared>> -> memref<10000x16xf32, #tpu.memory_space<vmem_shared>>
      tpu.wait_indirect_dma semaphore(%arg9 : memref<!tpu.dma_semaphore, #tpu.memory_space<semaphore_mem>>) src(%arg7 : memref<80x16xf32, #tpu.memory_space<vmem>>) dst(%dma_wait3A_400 : memref<10000x16xf32, #tpu.memory_space<vmem_shared>>)
      %add3A_401 = arith.constant 21 : i32
      %add3A_402 = arith.addi %add3A_32, %add3A_401 : i32
      %mul3A_403 = arith.constant 80 : i32
      %mul3A_404 = arith.muli %add3A_402, %mul3A_403 : i32
      %dma_wait3A_405 = tpu.memref_slice %arg6[%mul3A_404] : memref<10000xi32, #tpu.memory_space<vmem>> -> memref<80xi32, #tpu.memory_space<vmem>>
      %dma_wait3A_406 = arith.constant 0 : i32
      %dma_wait3A_407 = arith.constant 0 : i32
      %dma_wait3A_408 = tpu.memref_slice %arg8[%dma_wait3A_406, %dma_wait3A_407] : memref<10000x16xf32, #tpu.memory_space<vmem_shared>> -> memref<10000x16xf32, #tpu.memory_space<vmem_shared>>
      tpu.wait_indirect_dma semaphore(%arg9 : memref<!tpu.dma_semaphore, #tpu.memory_space<semaphore_mem>>) src(%arg7 : memref<80x16xf32, #tpu.memory_space<vmem>>) dst(%dma_wait3A_408 : memref<10000x16xf32, #tpu.memory_space<vmem_shared>>)
      %add3A_409 = arith.constant 22 : i32
      %add3A_410 = arith.addi %add3A_32, %add3A_409 : i32
      %mul3A_411 = arith.constant 80 : i32
      %mul3A_412 = arith.muli %add3A_410, %mul3A_411 : i32
      %dma_wait3A_413 = tpu.memref_slice %arg6[%mul3A_412] : memref<10000xi32, #tpu.memory_space<vmem>> -> memref<80xi32, #tpu.memory_space<vmem>>
      %dma_wait3A_414 = arith.constant 0 : i32
      %dma_wait3A_415 = arith.constant 0 : i32
      %dma_wait3A_416 = tpu.memref_slice %arg8[%dma_wait3A_414, %dma_wait3A_415] : memref<10000x16xf32, #tpu.memory_space<vmem_shared>> -> memref<10000x16xf32, #tpu.memory_space<vmem_shared>>
      tpu.wait_indirect_dma semaphore(%arg9 : memref<!tpu.dma_semaphore, #tpu.memory_space<semaphore_mem>>) src(%arg7 : memref<80x16xf32, #tpu.memory_space<vmem>>) dst(%dma_wait3A_416 : memref<10000x16xf32, #tpu.memory_space<vmem_shared>>)
      %add3A_417 = arith.constant 23 : i32
      %add3A_418 = arith.addi %add3A_32, %add3A_417 : i32
      %mul3A_419 = arith.constant 80 : i32
      %mul3A_420 = arith.muli %add3A_418, %mul3A_419 : i32
      %dma_wait3A_421 = tpu.memref_slice %arg6[%mul3A_420] : memref<10000xi32, #tpu.memory_space<vmem>> -> memref<80xi32, #tpu.memory_space<vmem>>
      %dma_wait3A_422 = arith.constant 0 : i32
      %dma_wait3A_423 = arith.constant 0 : i32
      %dma_wait3A_424 = tpu.memref_slice %arg8[%dma_wait3A_422, %dma_wait3A_423] : memref<10000x16xf32, #tpu.memory_space<vmem_shared>> -> memref<10000x16xf32, #tpu.memory_space<vmem_shared>>
      tpu.wait_indirect_dma semaphore(%arg9 : memref<!tpu.dma_semaphore, #tpu.memory_space<semaphore_mem>>) src(%arg7 : memref<80x16xf32, #tpu.memory_space<vmem>>) dst(%dma_wait3A_424 : memref<10000x16xf32, #tpu.memory_space<vmem_shared>>)
      %add3A_425 = arith.constant 24 : i32
      %add3A_426 = arith.addi %add3A_32, %add3A_425 : i32
      %mul3A_427 = arith.constant 80 : i32
      %mul3A_428 = arith.muli %add3A_426, %mul3A_427 : i32
      %dma_wait3A_429 = tpu.memref_slice %arg6[%mul3A_428] : memref<10000xi32, #tpu.memory_space<vmem>> -> memref<80xi32, #tpu.memory_space<vmem>>
      %dma_wait3A_430 = arith.constant 0 : i32
      %dma_wait3A_431 = arith.constant 0 : i32
      %dma_wait3A_432 = tpu.memref_slice %arg8[%dma_wait3A_430, %dma_wait3A_431] : memref<10000x16xf32, #tpu.memory_space<vmem_shared>> -> memref<10000x16xf32, #tpu.memory_space<vmem_shared>>
      tpu.wait_indirect_dma semaphore(%arg9 : memref<!tpu.dma_semaphore, #tpu.memory_space<semaphore_mem>>) src(%arg7 : memref<80x16xf32, #tpu.memory_space<vmem>>) dst(%dma_wait3A_432 : memref<10000x16xf32, #tpu.memory_space<vmem_shared>>)
    }
    %scan3A_20 = arith.constant 5 : i32
    %barrier3A_21 = arith.constant 0 : index
    tpu.barrier barrier_id(%barrier3A_21)
    %mul3A_22 = arith.constant 625 : i32
    %mul3A_23 = arith.muli %arg1, %mul3A_22 : i32
    %mul3A_24 = arith.constant 625 : i32
    %mul3A_25 = arith.muli %arg1, %mul3A_24 : i32
    %mul3A_26 = arith.constant 16 : i32
    %mul3A_27 = arith.muli %arg0, %mul3A_26 : i32
    "tpu.region"() ({
      %run_scoped3A = tpu.sem_alloc : memref<!tpu.dma_semaphore, #tpu.memory_space<semaphore_mem>>
      %dma_start3A_28 = tpu.memref_slice %arg5[%mul3A_25, %mul3A_27] : memref<10000x128xf32, #tpu.memory_space<hbm>> -> memref<625x16xf32, #tpu.memory_space<hbm>>
      %dma_start3A_29 = arith.constant 0 : i32
      %dma_start3A_30 = tpu.memref_slice %arg8[%mul3A_23, %dma_start3A_29] : memref<10000x16xf32, #tpu.memory_space<vmem_shared>> -> memref<625x16xf32, #tpu.memory_space<vmem_shared>>
      tpu.enqueue_dma source(%dma_start3A_30 : memref<625x16xf32, #tpu.memory_space<vmem_shared>>) target(%dma_start3A_28 : memref<625x16xf32, #tpu.memory_space<hbm>>) target_semaphore(%run_scoped3A : memref<!tpu.dma_semaphore, #tpu.memory_space<semaphore_mem>>)
      %dma_wait3A_31 = tpu.memref_slice %arg5[%mul3A_25, %mul3A_27] : memref<10000x128xf32, #tpu.memory_space<hbm>> -> memref<625x16xf32, #tpu.memory_space<hbm>>
      %dma_wait3A_32 = arith.constant 0 : i32
      %dma_wait3A_33 = tpu.memref_slice %arg8[%mul3A_23, %dma_wait3A_32] : memref<10000x16xf32, #tpu.memory_space<vmem_shared>> -> memref<625x16xf32, #tpu.memory_space<vmem_shared>>
      tpu.wait_dma2 semaphore(%run_scoped3A : memref<!tpu.dma_semaphore, #tpu.memory_space<semaphore_mem>>) src(%dma_wait3A_33 : memref<625x16xf32, #tpu.memory_space<vmem_shared>>) dst(%dma_wait3A_31 : memref<625x16xf32, #tpu.memory_space<hbm>>)
      tpu.yield
    }) : () -> ()
    return
  }
}

#map = affine_map<(d0, d1) -> (0, 0)>
#map1 = affine_map<(d0, d1) -> (0)>
module attributes {stable_mosaic.version = 14 : i64} {
  func.func @k(%arg0: i32, %arg1: i32, %arg2: memref<10000x128xf32, #tpu.memory_space<hbm>>, %arg3: memref<320000xi32, #tpu.memory_space<hbm>>, %arg4: memref<320000xi32, #tpu.memory_space<hbm>>, %arg5: memref<10000x128xf32, #tpu.memory_space<hbm>>, %arg6: memref<10000x128xf32, #tpu.memory_space<hbm>>, %arg7: memref<20000xi32, #tpu.memory_space<vmem>>, %arg8: memref<20000xi32, #tpu.memory_space<vmem>>, %arg9: memref<80x32xf32, #tpu.memory_space<vmem>>, %arg10: memref<80x32xf32, #tpu.memory_space<vmem>>, %arg11: memref<80x32xf32, #tpu.memory_space<vmem>>, %arg12: memref<80x32xf32, #tpu.memory_space<vmem>>, %arg13: memref<80x32xf32, #tpu.memory_space<vmem>>, %arg14: memref<80x32xf32, #tpu.memory_space<vmem>>, %arg15: memref<80x32xf32, #tpu.memory_space<vmem>>, %arg16: memref<80x32xf32, #tpu.memory_space<vmem>>, %arg17: memref<80x32xf32, #tpu.memory_space<vmem>>, %arg18: memref<80x32xf32, #tpu.memory_space<vmem>>, %arg19: memref<10000x32xf32, #tpu.memory_space<vmem_shared>>, %arg20: memref<10000x32xf32, #tpu.memory_space<vmem_shared>>, %arg21: memref<!tpu.dma_semaphore, #tpu.memory_space<semaphore_mem>>, %arg22: memref<!tpu.dma_semaphore, #tpu.memory_space<semaphore_mem>>, %arg23: memref<!tpu.dma_semaphore, #tpu.memory_space<semaphore_mem>>, %arg24: memref<!tpu.dma_semaphore, #tpu.memory_space<semaphore_mem>>, %arg25: memref<!tpu.dma_semaphore, #tpu.memory_space<semaphore_mem>>, %arg26: memref<!tpu.dma_semaphore, #tpu.memory_space<semaphore_mem>>, %arg27: memref<!tpu.dma_semaphore, #tpu.memory_space<semaphore_mem>>, %arg28: memref<!tpu.dma_semaphore, #tpu.memory_space<semaphore_mem>>, %arg29: memref<!tpu.dma_semaphore, #tpu.memory_space<semaphore_mem>>, %arg30: memref<!tpu.dma_semaphore, #tpu.memory_space<semaphore_mem>>, %arg31: memref<!tpu.dma_semaphore, #tpu.memory_space<semaphore_mem>>, %arg32: memref<!tpu.dma_semaphore, #tpu.memory_space<semaphore_mem>>, %arg33: memref<!tpu.dma_semaphore, #tpu.memory_space<semaphore_mem>>, %arg34: memref<!tpu.dma_semaphore, #tpu.memory_space<semaphore_mem>>, %arg35: memref<!tpu.dma_semaphore, #tpu.memory_space<semaphore_mem>>, %arg36: memref<!tpu.dma_semaphore, #tpu.memory_space<semaphore_mem>>, %arg37: memref<!tpu.dma_semaphore, #tpu.memory_space<semaphore_mem>>, %arg38: memref<!tpu.dma_semaphore, #tpu.memory_space<semaphore_mem>>, %arg39: memref<!tpu.dma_semaphore, #tpu.memory_space<semaphore_mem>>, %arg40: memref<!tpu.dma_semaphore, #tpu.memory_space<semaphore_mem>>) attributes {dimension_semantics = [#tpu.dimension_semantics<core_parallel>, #tpu.dimension_semantics<subcore_parallel>], iteration_bounds = array<i64: 2, 16>, scalar_prefetch = 0 : i64, scratch_operands = 34 : i64, tpu.core_type = #tpu.core_type<sc_vector_subcore>, window_params = [{transform_indices = #map}, {transform_indices = #map1}, {transform_indices = #map1}, {transform_indices = #map}, {transform_indices = #map}]} {
    %mul3A = arith.constant 625 : i32
    %mul3A_0 = arith.muli %arg1, %mul3A : i32
    %mul3A_1 = arith.constant 32 : i32
    %mul3A_2 = arith.muli %arg0, %mul3A_1 : i32
    %mul3A_3 = arith.constant 625 : i32
    %mul3A_4 = arith.muli %arg1, %mul3A_3 : i32
    %dma_start3A = arith.constant 0 : i32
    %dma_start3A_5 = tpu.memref_slice %arg19[%mul3A_4, %dma_start3A] : memref<10000x32xf32, #tpu.memory_space<vmem_shared>> -> memref<625x32xf32, #tpu.memory_space<vmem_shared>>
    %dma_start3A_6 = tpu.memref_slice %arg2[%mul3A_0, %mul3A_2] : memref<10000x128xf32, #tpu.memory_space<hbm>> -> memref<625x32xf32, #tpu.memory_space<hbm>>
    tpu.enqueue_dma source(%dma_start3A_6 : memref<625x32xf32, #tpu.memory_space<hbm>>) target(%dma_start3A_5 : memref<625x32xf32, #tpu.memory_space<vmem_shared>>) target_semaphore(%arg21 : memref<!tpu.dma_semaphore, #tpu.memory_space<semaphore_mem>>)
    %mul3A_7 = arith.constant 625 : i32
    %mul3A_8 = arith.muli %arg1, %mul3A_7 : i32
    %mul3A_9 = arith.constant 625 : i32
    %mul3A_10 = arith.muli %arg1, %mul3A_9 : i32
    %dma_start3A_11 = arith.constant 0 : i32
    %dma_start3A_12 = tpu.memref_slice %arg20[%mul3A_10, %dma_start3A_11] : memref<10000x32xf32, #tpu.memory_space<vmem_shared>> -> memref<625x32xf32, #tpu.memory_space<vmem_shared>>
    %dma_start3A_13 = arith.constant 0 : i32
    %dma_start3A_14 = tpu.memref_slice %arg5[%mul3A_8, %dma_start3A_13] : memref<10000x128xf32, #tpu.memory_space<hbm>> -> memref<625x32xf32, #tpu.memory_space<hbm>>
    tpu.enqueue_dma source(%dma_start3A_14 : memref<625x32xf32, #tpu.memory_space<hbm>>) target(%dma_start3A_12 : memref<625x32xf32, #tpu.memory_space<vmem_shared>>) target_semaphore(%arg22 : memref<!tpu.dma_semaphore, #tpu.memory_space<semaphore_mem>>)
    %mul3A_15 = arith.constant 20000 : i32
    %mul3A_16 = arith.muli %arg1, %mul3A_15 : i32
    %dma_start3A_17 = tpu.memref_slice %arg3[%mul3A_16] : memref<320000xi32, #tpu.memory_space<hbm>> -> memref<20000xi32, #tpu.memory_space<hbm>>
    %dma_start3A_18 = tpu.memref_slice %arg3[%mul3A_16] : memref<320000xi32, #tpu.memory_space<hbm>> -> memref<20000xi32, #tpu.memory_space<hbm>>
    tpu.enqueue_dma source(%dma_start3A_18 : memref<20000xi32, #tpu.memory_space<hbm>>) target(%arg7 : memref<20000xi32, #tpu.memory_space<vmem>>) target_semaphore(%arg23 : memref<!tpu.dma_semaphore, #tpu.memory_space<semaphore_mem>>)
    %mul3A_19 = arith.constant 20000 : i32
    %mul3A_20 = arith.muli %arg1, %mul3A_19 : i32
    %dma_start3A_21 = tpu.memref_slice %arg4[%mul3A_20] : memref<320000xi32, #tpu.memory_space<hbm>> -> memref<20000xi32, #tpu.memory_space<hbm>>
    %dma_start3A_22 = tpu.memref_slice %arg4[%mul3A_20] : memref<320000xi32, #tpu.memory_space<hbm>> -> memref<20000xi32, #tpu.memory_space<hbm>>
    tpu.enqueue_dma source(%dma_start3A_22 : memref<20000xi32, #tpu.memory_space<hbm>>) target(%arg8 : memref<20000xi32, #tpu.memory_space<vmem>>) target_semaphore(%arg24 : memref<!tpu.dma_semaphore, #tpu.memory_space<semaphore_mem>>)
    %dma_wait3A = arith.constant 0 : i32
    %dma_wait3A_23 = tpu.memref_slice %arg19[%mul3A_4, %dma_wait3A] : memref<10000x32xf32, #tpu.memory_space<vmem_shared>> -> memref<625x32xf32, #tpu.memory_space<vmem_shared>>
    %dma_wait3A_24 = tpu.memref_slice %arg2[%mul3A_0, %mul3A_2] : memref<10000x128xf32, #tpu.memory_space<hbm>> -> memref<625x32xf32, #tpu.memory_space<hbm>>
    tpu.wait_dma2 semaphore(%arg21 : memref<!tpu.dma_semaphore, #tpu.memory_space<semaphore_mem>>) src(%dma_wait3A_24 : memref<625x32xf32, #tpu.memory_space<hbm>>) dst(%dma_wait3A_23 : memref<625x32xf32, #tpu.memory_space<vmem_shared>>)
    %dma_wait3A_25 = arith.constant 0 : i32
    %dma_wait3A_26 = tpu.memref_slice %arg20[%mul3A_10, %dma_wait3A_25] : memref<10000x32xf32, #tpu.memory_space<vmem_shared>> -> memref<625x32xf32, #tpu.memory_space<vmem_shared>>
    %dma_wait3A_27 = arith.constant 0 : i32
    %dma_wait3A_28 = tpu.memref_slice %arg5[%mul3A_8, %dma_wait3A_27] : memref<10000x128xf32, #tpu.memory_space<hbm>> -> memref<625x32xf32, #tpu.memory_space<hbm>>
    tpu.wait_dma2 semaphore(%arg22 : memref<!tpu.dma_semaphore, #tpu.memory_space<semaphore_mem>>) src(%dma_wait3A_28 : memref<625x32xf32, #tpu.memory_space<hbm>>) dst(%dma_wait3A_26 : memref<625x32xf32, #tpu.memory_space<vmem_shared>>)
    %dma_wait3A_29 = tpu.memref_slice %arg3[%mul3A_16] : memref<320000xi32, #tpu.memory_space<hbm>> -> memref<20000xi32, #tpu.memory_space<hbm>>
    %dma_wait3A_30 = tpu.memref_slice %arg3[%mul3A_16] : memref<320000xi32, #tpu.memory_space<hbm>> -> memref<20000xi32, #tpu.memory_space<hbm>>
    tpu.wait_dma2 semaphore(%arg23 : memref<!tpu.dma_semaphore, #tpu.memory_space<semaphore_mem>>) src(%dma_wait3A_30 : memref<20000xi32, #tpu.memory_space<hbm>>) dst(%arg7 : memref<20000xi32, #tpu.memory_space<vmem>>)
    %dma_wait3A_31 = tpu.memref_slice %arg4[%mul3A_20] : memref<320000xi32, #tpu.memory_space<hbm>> -> memref<20000xi32, #tpu.memory_space<hbm>>
    %dma_wait3A_32 = tpu.memref_slice %arg4[%mul3A_20] : memref<320000xi32, #tpu.memory_space<hbm>> -> memref<20000xi32, #tpu.memory_space<hbm>>
    tpu.wait_dma2 semaphore(%arg24 : memref<!tpu.dma_semaphore, #tpu.memory_space<semaphore_mem>>) src(%dma_wait3A_32 : memref<20000xi32, #tpu.memory_space<hbm>>) dst(%arg8 : memref<20000xi32, #tpu.memory_space<vmem>>)
    %barrier3A = arith.constant 0 : index
    tpu.barrier barrier_id(%barrier3A)
    %scan3A = arith.constant 0 : i32
    %scan3A_33 = arith.constant 25 : i32
    %scan3A_34 = arith.addi %scan3A, %scan3A_33 : i32
    %scan3A_35 = arith.constant 1 : i32
    scf.for %scan3A_94 = %scan3A to %scan3A_34 step %scan3A_35  : i32 {
      %mul3A_95 = arith.constant 10 : i32
      %mul3A_96 = arith.muli %scan3A_94, %mul3A_95 : i32
      %add3A = arith.constant 0 : i32
      %add3A_97 = arith.addi %add3A, %mul3A_96 : i32
      %gt3A = arith.constant 0 : i32
      %gt3A_98 = arith.cmpi sgt, %add3A_97, %gt3A : i32
      %convert_element_type3A = arith.extui %gt3A_98 : i1 to i32
      %cond3A = arith.constant 0 : i32
      %cond3A_99 = arith.cmpi ne, %convert_element_type3A, %cond3A : i32
      scf.if %cond3A_99 {
        %add3A_385 = arith.constant 0 : i32
        %add3A_386 = arith.addi %add3A_97, %add3A_385 : i32
        %sub3A = arith.constant 10 : i32
        %sub3A_387 = arith.subi %add3A_386, %sub3A : i32
        %mul3A_388 = arith.constant 80 : i32
        %mul3A_389 = arith.muli %sub3A_387, %mul3A_388 : i32
        %dma_wait3A_390 = tpu.memref_slice %arg8[%mul3A_389] : memref<20000xi32, #tpu.memory_space<vmem>> -> memref<80xi32, #tpu.memory_space<vmem>>
        %dma_wait3A_391 = arith.constant 0 : i32
        %dma_wait3A_392 = arith.constant 0 : i32
        %dma_wait3A_393 = tpu.memref_slice %arg20[%dma_wait3A_391, %dma_wait3A_392] : memref<10000x32xf32, #tpu.memory_space<vmem_shared>> -> memref<10000x32xf32, #tpu.memory_space<vmem_shared>>
        tpu.wait_indirect_dma semaphore(%arg31 : memref<!tpu.dma_semaphore, #tpu.memory_space<semaphore_mem>>) src(%arg9 : memref<80x32xf32, #tpu.memory_space<vmem>>) dst(%dma_wait3A_393 : memref<10000x32xf32, #tpu.memory_space<vmem_shared>>)
      } else {
      }
      %add3A_100 = arith.constant 0 : i32
      %add3A_101 = arith.addi %add3A_97, %add3A_100 : i32
      %mul3A_102 = arith.constant 80 : i32
      %mul3A_103 = arith.muli %add3A_101, %mul3A_102 : i32
      %dma_start3A_104 = tpu.memref_slice %arg7[%mul3A_103] : memref<20000xi32, #tpu.memory_space<vmem>> -> memref<80xi32, #tpu.memory_space<vmem>>
      %dma_start3A_105 = arith.constant 0 : i32
      %dma_start3A_106 = arith.constant 0 : i32
      %dma_start3A_107 = tpu.memref_slice %arg19[%dma_start3A_105, %dma_start3A_106] : memref<10000x32xf32, #tpu.memory_space<vmem_shared>> -> memref<10000x32xf32, #tpu.memory_space<vmem_shared>>
      tpu.enqueue_indirect_dma source(%dma_start3A_107 : memref<10000x32xf32, #tpu.memory_space<vmem_shared>>) target(%arg9 : memref<80x32xf32, #tpu.memory_space<vmem>>) offsets(%dma_start3A_104 : memref<80xi32, #tpu.memory_space<vmem>>) semaphore(%arg21 : memref<!tpu.dma_semaphore, #tpu.memory_space<semaphore_mem>>)
      %gt3A_108 = arith.constant 0 : i32
      %gt3A_109 = arith.cmpi sgt, %add3A_97, %gt3A_108 : i32
      %convert_element_type3A_110 = arith.extui %gt3A_109 : i1 to i32
      %cond3A_111 = arith.constant 0 : i32
      %cond3A_112 = arith.cmpi ne, %convert_element_type3A_110, %cond3A_111 : i32
      scf.if %cond3A_112 {
        %add3A_385 = arith.constant 1 : i32
        %add3A_386 = arith.addi %add3A_97, %add3A_385 : i32
        %sub3A = arith.constant 10 : i32
        %sub3A_387 = arith.subi %add3A_386, %sub3A : i32
        %mul3A_388 = arith.constant 80 : i32
        %mul3A_389 = arith.muli %sub3A_387, %mul3A_388 : i32
        %dma_wait3A_390 = tpu.memref_slice %arg8[%mul3A_389] : memref<20000xi32, #tpu.memory_space<vmem>> -> memref<80xi32, #tpu.memory_space<vmem>>
        %dma_wait3A_391 = arith.constant 0 : i32
        %dma_wait3A_392 = arith.constant 0 : i32
        %dma_wait3A_393 = tpu.memref_slice %arg20[%dma_wait3A_391, %dma_wait3A_392] : memref<10000x32xf32, #tpu.memory_space<vmem_shared>> -> memref<10000x32xf32, #tpu.memory_space<vmem_shared>>
        tpu.wait_indirect_dma semaphore(%arg32 : memref<!tpu.dma_semaphore, #tpu.memory_space<semaphore_mem>>) src(%arg10 : memref<80x32xf32, #tpu.memory_space<vmem>>) dst(%dma_wait3A_393 : memref<10000x32xf32, #tpu.memory_space<vmem_shared>>)
      } else {
      }
      %add3A_113 = arith.constant 1 : i32
      %add3A_114 = arith.addi %add3A_97, %add3A_113 : i32
      %mul3A_115 = arith.constant 80 : i32
      %mul3A_116 = arith.muli %add3A_114, %mul3A_115 : i32
      %dma_start3A_117 = tpu.memref_slice %arg7[%mul3A_116] : memref<20000xi32, #tpu.memory_space<vmem>> -> memref<80xi32, #tpu.memory_space<vmem>>
      %dma_start3A_118 = arith.constant 0 : i32
      %dma_start3A_119 = arith.constant 0 : i32
      %dma_start3A_120 = tpu.memref_slice %arg19[%dma_start3A_118, %dma_start3A_119] : memref<10000x32xf32, #tpu.memory_space<vmem_shared>> -> memref<10000x32xf32, #tpu.memory_space<vmem_shared>>
      tpu.enqueue_indirect_dma source(%dma_start3A_120 : memref<10000x32xf32, #tpu.memory_space<vmem_shared>>) target(%arg10 : memref<80x32xf32, #tpu.memory_space<vmem>>) offsets(%dma_start3A_117 : memref<80xi32, #tpu.memory_space<vmem>>) semaphore(%arg22 : memref<!tpu.dma_semaphore, #tpu.memory_space<semaphore_mem>>)
      %gt3A_121 = arith.constant 0 : i32
      %gt3A_122 = arith.cmpi sgt, %add3A_97, %gt3A_121 : i32
      %convert_element_type3A_123 = arith.extui %gt3A_122 : i1 to i32
      %cond3A_124 = arith.constant 0 : i32
      %cond3A_125 = arith.cmpi ne, %convert_element_type3A_123, %cond3A_124 : i32
      scf.if %cond3A_125 {
        %add3A_385 = arith.constant 2 : i32
        %add3A_386 = arith.addi %add3A_97, %add3A_385 : i32
        %sub3A = arith.constant 10 : i32
        %sub3A_387 = arith.subi %add3A_386, %sub3A : i32
        %mul3A_388 = arith.constant 80 : i32
        %mul3A_389 = arith.muli %sub3A_387, %mul3A_388 : i32
        %dma_wait3A_390 = tpu.memref_slice %arg8[%mul3A_389] : memref<20000xi32, #tpu.memory_space<vmem>> -> memref<80xi32, #tpu.memory_space<vmem>>
        %dma_wait3A_391 = arith.constant 0 : i32
        %dma_wait3A_392 = arith.constant 0 : i32
        %dma_wait3A_393 = tpu.memref_slice %arg20[%dma_wait3A_391, %dma_wait3A_392] : memref<10000x32xf32, #tpu.memory_space<vmem_shared>> -> memref<10000x32xf32, #tpu.memory_space<vmem_shared>>
        tpu.wait_indirect_dma semaphore(%arg33 : memref<!tpu.dma_semaphore, #tpu.memory_space<semaphore_mem>>) src(%arg11 : memref<80x32xf32, #tpu.memory_space<vmem>>) dst(%dma_wait3A_393 : memref<10000x32xf32, #tpu.memory_space<vmem_shared>>)
      } else {
      }
      %add3A_126 = arith.constant 2 : i32
      %add3A_127 = arith.addi %add3A_97, %add3A_126 : i32
      %mul3A_128 = arith.constant 80 : i32
      %mul3A_129 = arith.muli %add3A_127, %mul3A_128 : i32
      %dma_start3A_130 = tpu.memref_slice %arg7[%mul3A_129] : memref<20000xi32, #tpu.memory_space<vmem>> -> memref<80xi32, #tpu.memory_space<vmem>>
      %dma_start3A_131 = arith.constant 0 : i32
      %dma_start3A_132 = arith.constant 0 : i32
      %dma_start3A_133 = tpu.memref_slice %arg19[%dma_start3A_131, %dma_start3A_132] : memref<10000x32xf32, #tpu.memory_space<vmem_shared>> -> memref<10000x32xf32, #tpu.memory_space<vmem_shared>>
      tpu.enqueue_indirect_dma source(%dma_start3A_133 : memref<10000x32xf32, #tpu.memory_space<vmem_shared>>) target(%arg11 : memref<80x32xf32, #tpu.memory_space<vmem>>) offsets(%dma_start3A_130 : memref<80xi32, #tpu.memory_space<vmem>>) semaphore(%arg23 : memref<!tpu.dma_semaphore, #tpu.memory_space<semaphore_mem>>)
      %gt3A_134 = arith.constant 0 : i32
      %gt3A_135 = arith.cmpi sgt, %add3A_97, %gt3A_134 : i32
      %convert_element_type3A_136 = arith.extui %gt3A_135 : i1 to i32
      %cond3A_137 = arith.constant 0 : i32
      %cond3A_138 = arith.cmpi ne, %convert_element_type3A_136, %cond3A_137 : i32
      scf.if %cond3A_138 {
        %add3A_385 = arith.constant 3 : i32
        %add3A_386 = arith.addi %add3A_97, %add3A_385 : i32
        %sub3A = arith.constant 10 : i32
        %sub3A_387 = arith.subi %add3A_386, %sub3A : i32
        %mul3A_388 = arith.constant 80 : i32
        %mul3A_389 = arith.muli %sub3A_387, %mul3A_388 : i32
        %dma_wait3A_390 = tpu.memref_slice %arg8[%mul3A_389] : memref<20000xi32, #tpu.memory_space<vmem>> -> memref<80xi32, #tpu.memory_space<vmem>>
        %dma_wait3A_391 = arith.constant 0 : i32
        %dma_wait3A_392 = arith.constant 0 : i32
        %dma_wait3A_393 = tpu.memref_slice %arg20[%dma_wait3A_391, %dma_wait3A_392] : memref<10000x32xf32, #tpu.memory_space<vmem_shared>> -> memref<10000x32xf32, #tpu.memory_space<vmem_shared>>
        tpu.wait_indirect_dma semaphore(%arg34 : memref<!tpu.dma_semaphore, #tpu.memory_space<semaphore_mem>>) src(%arg12 : memref<80x32xf32, #tpu.memory_space<vmem>>) dst(%dma_wait3A_393 : memref<10000x32xf32, #tpu.memory_space<vmem_shared>>)
      } else {
      }
      %add3A_139 = arith.constant 3 : i32
      %add3A_140 = arith.addi %add3A_97, %add3A_139 : i32
      %mul3A_141 = arith.constant 80 : i32
      %mul3A_142 = arith.muli %add3A_140, %mul3A_141 : i32
      %dma_start3A_143 = tpu.memref_slice %arg7[%mul3A_142] : memref<20000xi32, #tpu.memory_space<vmem>> -> memref<80xi32, #tpu.memory_space<vmem>>
      %dma_start3A_144 = arith.constant 0 : i32
      %dma_start3A_145 = arith.constant 0 : i32
      %dma_start3A_146 = tpu.memref_slice %arg19[%dma_start3A_144, %dma_start3A_145] : memref<10000x32xf32, #tpu.memory_space<vmem_shared>> -> memref<10000x32xf32, #tpu.memory_space<vmem_shared>>
      tpu.enqueue_indirect_dma source(%dma_start3A_146 : memref<10000x32xf32, #tpu.memory_space<vmem_shared>>) target(%arg12 : memref<80x32xf32, #tpu.memory_space<vmem>>) offsets(%dma_start3A_143 : memref<80xi32, #tpu.memory_space<vmem>>) semaphore(%arg24 : memref<!tpu.dma_semaphore, #tpu.memory_space<semaphore_mem>>)
      %gt3A_147 = arith.constant 0 : i32
      %gt3A_148 = arith.cmpi sgt, %add3A_97, %gt3A_147 : i32
      %convert_element_type3A_149 = arith.extui %gt3A_148 : i1 to i32
      %cond3A_150 = arith.constant 0 : i32
      %cond3A_151 = arith.cmpi ne, %convert_element_type3A_149, %cond3A_150 : i32
      scf.if %cond3A_151 {
        %add3A_385 = arith.constant 4 : i32
        %add3A_386 = arith.addi %add3A_97, %add3A_385 : i32
        %sub3A = arith.constant 10 : i32
        %sub3A_387 = arith.subi %add3A_386, %sub3A : i32
        %mul3A_388 = arith.constant 80 : i32
        %mul3A_389 = arith.muli %sub3A_387, %mul3A_388 : i32
        %dma_wait3A_390 = tpu.memref_slice %arg8[%mul3A_389] : memref<20000xi32, #tpu.memory_space<vmem>> -> memref<80xi32, #tpu.memory_space<vmem>>
        %dma_wait3A_391 = arith.constant 0 : i32
        %dma_wait3A_392 = arith.constant 0 : i32
        %dma_wait3A_393 = tpu.memref_slice %arg20[%dma_wait3A_391, %dma_wait3A_392] : memref<10000x32xf32, #tpu.memory_space<vmem_shared>> -> memref<10000x32xf32, #tpu.memory_space<vmem_shared>>
        tpu.wait_indirect_dma semaphore(%arg35 : memref<!tpu.dma_semaphore, #tpu.memory_space<semaphore_mem>>) src(%arg13 : memref<80x32xf32, #tpu.memory_space<vmem>>) dst(%dma_wait3A_393 : memref<10000x32xf32, #tpu.memory_space<vmem_shared>>)
      } else {
      }
      %add3A_152 = arith.constant 4 : i32
      %add3A_153 = arith.addi %add3A_97, %add3A_152 : i32
      %mul3A_154 = arith.constant 80 : i32
      %mul3A_155 = arith.muli %add3A_153, %mul3A_154 : i32
      %dma_start3A_156 = tpu.memref_slice %arg7[%mul3A_155] : memref<20000xi32, #tpu.memory_space<vmem>> -> memref<80xi32, #tpu.memory_space<vmem>>
      %dma_start3A_157 = arith.constant 0 : i32
      %dma_start3A_158 = arith.constant 0 : i32
      %dma_start3A_159 = tpu.memref_slice %arg19[%dma_start3A_157, %dma_start3A_158] : memref<10000x32xf32, #tpu.memory_space<vmem_shared>> -> memref<10000x32xf32, #tpu.memory_space<vmem_shared>>
      tpu.enqueue_indirect_dma source(%dma_start3A_159 : memref<10000x32xf32, #tpu.memory_space<vmem_shared>>) target(%arg13 : memref<80x32xf32, #tpu.memory_space<vmem>>) offsets(%dma_start3A_156 : memref<80xi32, #tpu.memory_space<vmem>>) semaphore(%arg25 : memref<!tpu.dma_semaphore, #tpu.memory_space<semaphore_mem>>)
      %gt3A_160 = arith.constant 0 : i32
      %gt3A_161 = arith.cmpi sgt, %add3A_97, %gt3A_160 : i32
      %convert_element_type3A_162 = arith.extui %gt3A_161 : i1 to i32
      %cond3A_163 = arith.constant 0 : i32
      %cond3A_164 = arith.cmpi ne, %convert_element_type3A_162, %cond3A_163 : i32
      scf.if %cond3A_164 {
        %add3A_385 = arith.constant 5 : i32
        %add3A_386 = arith.addi %add3A_97, %add3A_385 : i32
        %sub3A = arith.constant 10 : i32
        %sub3A_387 = arith.subi %add3A_386, %sub3A : i32
        %mul3A_388 = arith.constant 80 : i32
        %mul3A_389 = arith.muli %sub3A_387, %mul3A_388 : i32
        %dma_wait3A_390 = tpu.memref_slice %arg8[%mul3A_389] : memref<20000xi32, #tpu.memory_space<vmem>> -> memref<80xi32, #tpu.memory_space<vmem>>
        %dma_wait3A_391 = arith.constant 0 : i32
        %dma_wait3A_392 = arith.constant 0 : i32
        %dma_wait3A_393 = tpu.memref_slice %arg20[%dma_wait3A_391, %dma_wait3A_392] : memref<10000x32xf32, #tpu.memory_space<vmem_shared>> -> memref<10000x32xf32, #tpu.memory_space<vmem_shared>>
        tpu.wait_indirect_dma semaphore(%arg36 : memref<!tpu.dma_semaphore, #tpu.memory_space<semaphore_mem>>) src(%arg14 : memref<80x32xf32, #tpu.memory_space<vmem>>) dst(%dma_wait3A_393 : memref<10000x32xf32, #tpu.memory_space<vmem_shared>>)
      } else {
      }
      %add3A_165 = arith.constant 5 : i32
      %add3A_166 = arith.addi %add3A_97, %add3A_165 : i32
      %mul3A_167 = arith.constant 80 : i32
      %mul3A_168 = arith.muli %add3A_166, %mul3A_167 : i32
      %dma_start3A_169 = tpu.memref_slice %arg7[%mul3A_168] : memref<20000xi32, #tpu.memory_space<vmem>> -> memref<80xi32, #tpu.memory_space<vmem>>
      %dma_start3A_170 = arith.constant 0 : i32
      %dma_start3A_171 = arith.constant 0 : i32
      %dma_start3A_172 = tpu.memref_slice %arg19[%dma_start3A_170, %dma_start3A_171] : memref<10000x32xf32, #tpu.memory_space<vmem_shared>> -> memref<10000x32xf32, #tpu.memory_space<vmem_shared>>
      tpu.enqueue_indirect_dma source(%dma_start3A_172 : memref<10000x32xf32, #tpu.memory_space<vmem_shared>>) target(%arg14 : memref<80x32xf32, #tpu.memory_space<vmem>>) offsets(%dma_start3A_169 : memref<80xi32, #tpu.memory_space<vmem>>) semaphore(%arg26 : memref<!tpu.dma_semaphore, #tpu.memory_space<semaphore_mem>>)
      %gt3A_173 = arith.constant 0 : i32
      %gt3A_174 = arith.cmpi sgt, %add3A_97, %gt3A_173 : i32
      %convert_element_type3A_175 = arith.extui %gt3A_174 : i1 to i32
      %cond3A_176 = arith.constant 0 : i32
      %cond3A_177 = arith.cmpi ne, %convert_element_type3A_175, %cond3A_176 : i32
      scf.if %cond3A_177 {
        %add3A_385 = arith.constant 6 : i32
        %add3A_386 = arith.addi %add3A_97, %add3A_385 : i32
        %sub3A = arith.constant 10 : i32
        %sub3A_387 = arith.subi %add3A_386, %sub3A : i32
        %mul3A_388 = arith.constant 80 : i32
        %mul3A_389 = arith.muli %sub3A_387, %mul3A_388 : i32
        %dma_wait3A_390 = tpu.memref_slice %arg8[%mul3A_389] : memref<20000xi32, #tpu.memory_space<vmem>> -> memref<80xi32, #tpu.memory_space<vmem>>
        %dma_wait3A_391 = arith.constant 0 : i32
        %dma_wait3A_392 = arith.constant 0 : i32
        %dma_wait3A_393 = tpu.memref_slice %arg20[%dma_wait3A_391, %dma_wait3A_392] : memref<10000x32xf32, #tpu.memory_space<vmem_shared>> -> memref<10000x32xf32, #tpu.memory_space<vmem_shared>>
        tpu.wait_indirect_dma semaphore(%arg37 : memref<!tpu.dma_semaphore, #tpu.memory_space<semaphore_mem>>) src(%arg15 : memref<80x32xf32, #tpu.memory_space<vmem>>) dst(%dma_wait3A_393 : memref<10000x32xf32, #tpu.memory_space<vmem_shared>>)
      } else {
      }
      %add3A_178 = arith.constant 6 : i32
      %add3A_179 = arith.addi %add3A_97, %add3A_178 : i32
      %mul3A_180 = arith.constant 80 : i32
      %mul3A_181 = arith.muli %add3A_179, %mul3A_180 : i32
      %dma_start3A_182 = tpu.memref_slice %arg7[%mul3A_181] : memref<20000xi32, #tpu.memory_space<vmem>> -> memref<80xi32, #tpu.memory_space<vmem>>
      %dma_start3A_183 = arith.constant 0 : i32
      %dma_start3A_184 = arith.constant 0 : i32
      %dma_start3A_185 = tpu.memref_slice %arg19[%dma_start3A_183, %dma_start3A_184] : memref<10000x32xf32, #tpu.memory_space<vmem_shared>> -> memref<10000x32xf32, #tpu.memory_space<vmem_shared>>
      tpu.enqueue_indirect_dma source(%dma_start3A_185 : memref<10000x32xf32, #tpu.memory_space<vmem_shared>>) target(%arg15 : memref<80x32xf32, #tpu.memory_space<vmem>>) offsets(%dma_start3A_182 : memref<80xi32, #tpu.memory_space<vmem>>) semaphore(%arg27 : memref<!tpu.dma_semaphore, #tpu.memory_space<semaphore_mem>>)
      %gt3A_186 = arith.constant 0 : i32
      %gt3A_187 = arith.cmpi sgt, %add3A_97, %gt3A_186 : i32
      %convert_element_type3A_188 = arith.extui %gt3A_187 : i1 to i32
      %cond3A_189 = arith.constant 0 : i32
      %cond3A_190 = arith.cmpi ne, %convert_element_type3A_188, %cond3A_189 : i32
      scf.if %cond3A_190 {
        %add3A_385 = arith.constant 7 : i32
        %add3A_386 = arith.addi %add3A_97, %add3A_385 : i32
        %sub3A = arith.constant 10 : i32
        %sub3A_387 = arith.subi %add3A_386, %sub3A : i32
        %mul3A_388 = arith.constant 80 : i32
        %mul3A_389 = arith.muli %sub3A_387, %mul3A_388 : i32
        %dma_wait3A_390 = tpu.memref_slice %arg8[%mul3A_389] : memref<20000xi32, #tpu.memory_space<vmem>> -> memref<80xi32, #tpu.memory_space<vmem>>
        %dma_wait3A_391 = arith.constant 0 : i32
        %dma_wait3A_392 = arith.constant 0 : i32
        %dma_wait3A_393 = tpu.memref_slice %arg20[%dma_wait3A_391, %dma_wait3A_392] : memref<10000x32xf32, #tpu.memory_space<vmem_shared>> -> memref<10000x32xf32, #tpu.memory_space<vmem_shared>>
        tpu.wait_indirect_dma semaphore(%arg38 : memref<!tpu.dma_semaphore, #tpu.memory_space<semaphore_mem>>) src(%arg16 : memref<80x32xf32, #tpu.memory_space<vmem>>) dst(%dma_wait3A_393 : memref<10000x32xf32, #tpu.memory_space<vmem_shared>>)
      } else {
      }
      %add3A_191 = arith.constant 7 : i32
      %add3A_192 = arith.addi %add3A_97, %add3A_191 : i32
      %mul3A_193 = arith.constant 80 : i32
      %mul3A_194 = arith.muli %add3A_192, %mul3A_193 : i32
      %dma_start3A_195 = tpu.memref_slice %arg7[%mul3A_194] : memref<20000xi32, #tpu.memory_space<vmem>> -> memref<80xi32, #tpu.memory_space<vmem>>
      %dma_start3A_196 = arith.constant 0 : i32
      %dma_start3A_197 = arith.constant 0 : i32
      %dma_start3A_198 = tpu.memref_slice %arg19[%dma_start3A_196, %dma_start3A_197] : memref<10000x32xf32, #tpu.memory_space<vmem_shared>> -> memref<10000x32xf32, #tpu.memory_space<vmem_shared>>
      tpu.enqueue_indirect_dma source(%dma_start3A_198 : memref<10000x32xf32, #tpu.memory_space<vmem_shared>>) target(%arg16 : memref<80x32xf32, #tpu.memory_space<vmem>>) offsets(%dma_start3A_195 : memref<80xi32, #tpu.memory_space<vmem>>) semaphore(%arg28 : memref<!tpu.dma_semaphore, #tpu.memory_space<semaphore_mem>>)
      %gt3A_199 = arith.constant 0 : i32
      %gt3A_200 = arith.cmpi sgt, %add3A_97, %gt3A_199 : i32
      %convert_element_type3A_201 = arith.extui %gt3A_200 : i1 to i32
      %cond3A_202 = arith.constant 0 : i32
      %cond3A_203 = arith.cmpi ne, %convert_element_type3A_201, %cond3A_202 : i32
      scf.if %cond3A_203 {
        %add3A_385 = arith.constant 8 : i32
        %add3A_386 = arith.addi %add3A_97, %add3A_385 : i32
        %sub3A = arith.constant 10 : i32
        %sub3A_387 = arith.subi %add3A_386, %sub3A : i32
        %mul3A_388 = arith.constant 80 : i32
        %mul3A_389 = arith.muli %sub3A_387, %mul3A_388 : i32
        %dma_wait3A_390 = tpu.memref_slice %arg8[%mul3A_389] : memref<20000xi32, #tpu.memory_space<vmem>> -> memref<80xi32, #tpu.memory_space<vmem>>
        %dma_wait3A_391 = arith.constant 0 : i32
        %dma_wait3A_392 = arith.constant 0 : i32
        %dma_wait3A_393 = tpu.memref_slice %arg20[%dma_wait3A_391, %dma_wait3A_392] : memref<10000x32xf32, #tpu.memory_space<vmem_shared>> -> memref<10000x32xf32, #tpu.memory_space<vmem_shared>>
        tpu.wait_indirect_dma semaphore(%arg39 : memref<!tpu.dma_semaphore, #tpu.memory_space<semaphore_mem>>) src(%arg17 : memref<80x32xf32, #tpu.memory_space<vmem>>) dst(%dma_wait3A_393 : memref<10000x32xf32, #tpu.memory_space<vmem_shared>>)
      } else {
      }
      %add3A_204 = arith.constant 8 : i32
      %add3A_205 = arith.addi %add3A_97, %add3A_204 : i32
      %mul3A_206 = arith.constant 80 : i32
      %mul3A_207 = arith.muli %add3A_205, %mul3A_206 : i32
      %dma_start3A_208 = tpu.memref_slice %arg7[%mul3A_207] : memref<20000xi32, #tpu.memory_space<vmem>> -> memref<80xi32, #tpu.memory_space<vmem>>
      %dma_start3A_209 = arith.constant 0 : i32
      %dma_start3A_210 = arith.constant 0 : i32
      %dma_start3A_211 = tpu.memref_slice %arg19[%dma_start3A_209, %dma_start3A_210] : memref<10000x32xf32, #tpu.memory_space<vmem_shared>> -> memref<10000x32xf32, #tpu.memory_space<vmem_shared>>
      tpu.enqueue_indirect_dma source(%dma_start3A_211 : memref<10000x32xf32, #tpu.memory_space<vmem_shared>>) target(%arg17 : memref<80x32xf32, #tpu.memory_space<vmem>>) offsets(%dma_start3A_208 : memref<80xi32, #tpu.memory_space<vmem>>) semaphore(%arg29 : memref<!tpu.dma_semaphore, #tpu.memory_space<semaphore_mem>>)
      %gt3A_212 = arith.constant 0 : i32
      %gt3A_213 = arith.cmpi sgt, %add3A_97, %gt3A_212 : i32
      %convert_element_type3A_214 = arith.extui %gt3A_213 : i1 to i32
      %cond3A_215 = arith.constant 0 : i32
      %cond3A_216 = arith.cmpi ne, %convert_element_type3A_214, %cond3A_215 : i32
      scf.if %cond3A_216 {
        %add3A_385 = arith.constant 9 : i32
        %add3A_386 = arith.addi %add3A_97, %add3A_385 : i32
        %sub3A = arith.constant 10 : i32
        %sub3A_387 = arith.subi %add3A_386, %sub3A : i32
        %mul3A_388 = arith.constant 80 : i32
        %mul3A_389 = arith.muli %sub3A_387, %mul3A_388 : i32
        %dma_wait3A_390 = tpu.memref_slice %arg8[%mul3A_389] : memref<20000xi32, #tpu.memory_space<vmem>> -> memref<80xi32, #tpu.memory_space<vmem>>
        %dma_wait3A_391 = arith.constant 0 : i32
        %dma_wait3A_392 = arith.constant 0 : i32
        %dma_wait3A_393 = tpu.memref_slice %arg20[%dma_wait3A_391, %dma_wait3A_392] : memref<10000x32xf32, #tpu.memory_space<vmem_shared>> -> memref<10000x32xf32, #tpu.memory_space<vmem_shared>>
        tpu.wait_indirect_dma semaphore(%arg40 : memref<!tpu.dma_semaphore, #tpu.memory_space<semaphore_mem>>) src(%arg18 : memref<80x32xf32, #tpu.memory_space<vmem>>) dst(%dma_wait3A_393 : memref<10000x32xf32, #tpu.memory_space<vmem_shared>>)
      } else {
      }
      %add3A_217 = arith.constant 9 : i32
      %add3A_218 = arith.addi %add3A_97, %add3A_217 : i32
      %mul3A_219 = arith.constant 80 : i32
      %mul3A_220 = arith.muli %add3A_218, %mul3A_219 : i32
      %dma_start3A_221 = tpu.memref_slice %arg7[%mul3A_220] : memref<20000xi32, #tpu.memory_space<vmem>> -> memref<80xi32, #tpu.memory_space<vmem>>
      %dma_start3A_222 = arith.constant 0 : i32
      %dma_start3A_223 = arith.constant 0 : i32
      %dma_start3A_224 = tpu.memref_slice %arg19[%dma_start3A_222, %dma_start3A_223] : memref<10000x32xf32, #tpu.memory_space<vmem_shared>> -> memref<10000x32xf32, #tpu.memory_space<vmem_shared>>
      tpu.enqueue_indirect_dma source(%dma_start3A_224 : memref<10000x32xf32, #tpu.memory_space<vmem_shared>>) target(%arg18 : memref<80x32xf32, #tpu.memory_space<vmem>>) offsets(%dma_start3A_221 : memref<80xi32, #tpu.memory_space<vmem>>) semaphore(%arg30 : memref<!tpu.dma_semaphore, #tpu.memory_space<semaphore_mem>>)
      %add3A_225 = arith.constant 0 : i32
      %add3A_226 = arith.addi %add3A_97, %add3A_225 : i32
      %mul3A_227 = arith.constant 80 : i32
      %mul3A_228 = arith.muli %add3A_226, %mul3A_227 : i32
      %dma_wait3A_229 = tpu.memref_slice %arg7[%mul3A_228] : memref<20000xi32, #tpu.memory_space<vmem>> -> memref<80xi32, #tpu.memory_space<vmem>>
      %dma_wait3A_230 = arith.constant 0 : i32
      %dma_wait3A_231 = arith.constant 0 : i32
      %dma_wait3A_232 = tpu.memref_slice %arg19[%dma_wait3A_230, %dma_wait3A_231] : memref<10000x32xf32, #tpu.memory_space<vmem_shared>> -> memref<10000x32xf32, #tpu.memory_space<vmem_shared>>
      tpu.wait_indirect_dma semaphore(%arg21 : memref<!tpu.dma_semaphore, #tpu.memory_space<semaphore_mem>>) src(%dma_wait3A_232 : memref<10000x32xf32, #tpu.memory_space<vmem_shared>>) dst(%arg9 : memref<80x32xf32, #tpu.memory_space<vmem>>)
      %add3A_233 = arith.constant 0 : i32
      %add3A_234 = arith.addi %add3A_97, %add3A_233 : i32
      %mul3A_235 = arith.constant 80 : i32
      %mul3A_236 = arith.muli %add3A_234, %mul3A_235 : i32
      %dma_start3A_237 = tpu.memref_slice %arg8[%mul3A_236] : memref<20000xi32, #tpu.memory_space<vmem>> -> memref<80xi32, #tpu.memory_space<vmem>>
      %dma_start3A_238 = arith.constant 0 : i32
      %dma_start3A_239 = arith.constant 0 : i32
      %dma_start3A_240 = tpu.memref_slice %arg20[%dma_start3A_238, %dma_start3A_239] : memref<10000x32xf32, #tpu.memory_space<vmem_shared>> -> memref<10000x32xf32, #tpu.memory_space<vmem_shared>>
      tpu.enqueue_indirect_dma source(%arg9 : memref<80x32xf32, #tpu.memory_space<vmem>>) target(%dma_start3A_240 : memref<10000x32xf32, #tpu.memory_space<vmem_shared>>) offsets(%dma_start3A_237 : memref<80xi32, #tpu.memory_space<vmem>>) semaphore(%arg31 : memref<!tpu.dma_semaphore, #tpu.memory_space<semaphore_mem>>) {add = true}
      %add3A_241 = arith.constant 1 : i32
      %add3A_242 = arith.addi %add3A_97, %add3A_241 : i32
      %mul3A_243 = arith.constant 80 : i32
      %mul3A_244 = arith.muli %add3A_242, %mul3A_243 : i32
      %dma_wait3A_245 = tpu.memref_slice %arg7[%mul3A_244] : memref<20000xi32, #tpu.memory_space<vmem>> -> memref<80xi32, #tpu.memory_space<vmem>>
      %dma_wait3A_246 = arith.constant 0 : i32
      %dma_wait3A_247 = arith.constant 0 : i32
      %dma_wait3A_248 = tpu.memref_slice %arg19[%dma_wait3A_246, %dma_wait3A_247] : memref<10000x32xf32, #tpu.memory_space<vmem_shared>> -> memref<10000x32xf32, #tpu.memory_space<vmem_shared>>
      tpu.wait_indirect_dma semaphore(%arg22 : memref<!tpu.dma_semaphore, #tpu.memory_space<semaphore_mem>>) src(%dma_wait3A_248 : memref<10000x32xf32, #tpu.memory_space<vmem_shared>>) dst(%arg10 : memref<80x32xf32, #tpu.memory_space<vmem>>)
      %add3A_249 = arith.constant 1 : i32
      %add3A_250 = arith.addi %add3A_97, %add3A_249 : i32
      %mul3A_251 = arith.constant 80 : i32
      %mul3A_252 = arith.muli %add3A_250, %mul3A_251 : i32
      %dma_start3A_253 = tpu.memref_slice %arg8[%mul3A_252] : memref<20000xi32, #tpu.memory_space<vmem>> -> memref<80xi32, #tpu.memory_space<vmem>>
      %dma_start3A_254 = arith.constant 0 : i32
      %dma_start3A_255 = arith.constant 0 : i32
      %dma_start3A_256 = tpu.memref_slice %arg20[%dma_start3A_254, %dma_start3A_255] : memref<10000x32xf32, #tpu.memory_space<vmem_shared>> -> memref<10000x32xf32, #tpu.memory_space<vmem_shared>>
      tpu.enqueue_indirect_dma source(%arg10 : memref<80x32xf32, #tpu.memory_space<vmem>>) target(%dma_start3A_256 : memref<10000x32xf32, #tpu.memory_space<vmem_shared>>) offsets(%dma_start3A_253 : memref<80xi32, #tpu.memory_space<vmem>>) semaphore(%arg32 : memref<!tpu.dma_semaphore, #tpu.memory_space<semaphore_mem>>) {add = true}
      %add3A_257 = arith.constant 2 : i32
      %add3A_258 = arith.addi %add3A_97, %add3A_257 : i32
      %mul3A_259 = arith.constant 80 : i32
      %mul3A_260 = arith.muli %add3A_258, %mul3A_259 : i32
      %dma_wait3A_261 = tpu.memref_slice %arg7[%mul3A_260] : memref<20000xi32, #tpu.memory_space<vmem>> -> memref<80xi32, #tpu.memory_space<vmem>>
      %dma_wait3A_262 = arith.constant 0 : i32
      %dma_wait3A_263 = arith.constant 0 : i32
      %dma_wait3A_264 = tpu.memref_slice %arg19[%dma_wait3A_262, %dma_wait3A_263] : memref<10000x32xf32, #tpu.memory_space<vmem_shared>> -> memref<10000x32xf32, #tpu.memory_space<vmem_shared>>
      tpu.wait_indirect_dma semaphore(%arg23 : memref<!tpu.dma_semaphore, #tpu.memory_space<semaphore_mem>>) src(%dma_wait3A_264 : memref<10000x32xf32, #tpu.memory_space<vmem_shared>>) dst(%arg11 : memref<80x32xf32, #tpu.memory_space<vmem>>)
      %add3A_265 = arith.constant 2 : i32
      %add3A_266 = arith.addi %add3A_97, %add3A_265 : i32
      %mul3A_267 = arith.constant 80 : i32
      %mul3A_268 = arith.muli %add3A_266, %mul3A_267 : i32
      %dma_start3A_269 = tpu.memref_slice %arg8[%mul3A_268] : memref<20000xi32, #tpu.memory_space<vmem>> -> memref<80xi32, #tpu.memory_space<vmem>>
      %dma_start3A_270 = arith.constant 0 : i32
      %dma_start3A_271 = arith.constant 0 : i32
      %dma_start3A_272 = tpu.memref_slice %arg20[%dma_start3A_270, %dma_start3A_271] : memref<10000x32xf32, #tpu.memory_space<vmem_shared>> -> memref<10000x32xf32, #tpu.memory_space<vmem_shared>>
      tpu.enqueue_indirect_dma source(%arg11 : memref<80x32xf32, #tpu.memory_space<vmem>>) target(%dma_start3A_272 : memref<10000x32xf32, #tpu.memory_space<vmem_shared>>) offsets(%dma_start3A_269 : memref<80xi32, #tpu.memory_space<vmem>>) semaphore(%arg33 : memref<!tpu.dma_semaphore, #tpu.memory_space<semaphore_mem>>) {add = true}
      %add3A_273 = arith.constant 3 : i32
      %add3A_274 = arith.addi %add3A_97, %add3A_273 : i32
      %mul3A_275 = arith.constant 80 : i32
      %mul3A_276 = arith.muli %add3A_274, %mul3A_275 : i32
      %dma_wait3A_277 = tpu.memref_slice %arg7[%mul3A_276] : memref<20000xi32, #tpu.memory_space<vmem>> -> memref<80xi32, #tpu.memory_space<vmem>>
      %dma_wait3A_278 = arith.constant 0 : i32
      %dma_wait3A_279 = arith.constant 0 : i32
      %dma_wait3A_280 = tpu.memref_slice %arg19[%dma_wait3A_278, %dma_wait3A_279] : memref<10000x32xf32, #tpu.memory_space<vmem_shared>> -> memref<10000x32xf32, #tpu.memory_space<vmem_shared>>
      tpu.wait_indirect_dma semaphore(%arg24 : memref<!tpu.dma_semaphore, #tpu.memory_space<semaphore_mem>>) src(%dma_wait3A_280 : memref<10000x32xf32, #tpu.memory_space<vmem_shared>>) dst(%arg12 : memref<80x32xf32, #tpu.memory_space<vmem>>)
      %add3A_281 = arith.constant 3 : i32
      %add3A_282 = arith.addi %add3A_97, %add3A_281 : i32
      %mul3A_283 = arith.constant 80 : i32
      %mul3A_284 = arith.muli %add3A_282, %mul3A_283 : i32
      %dma_start3A_285 = tpu.memref_slice %arg8[%mul3A_284] : memref<20000xi32, #tpu.memory_space<vmem>> -> memref<80xi32, #tpu.memory_space<vmem>>
      %dma_start3A_286 = arith.constant 0 : i32
      %dma_start3A_287 = arith.constant 0 : i32
      %dma_start3A_288 = tpu.memref_slice %arg20[%dma_start3A_286, %dma_start3A_287] : memref<10000x32xf32, #tpu.memory_space<vmem_shared>> -> memref<10000x32xf32, #tpu.memory_space<vmem_shared>>
      tpu.enqueue_indirect_dma source(%arg12 : memref<80x32xf32, #tpu.memory_space<vmem>>) target(%dma_start3A_288 : memref<10000x32xf32, #tpu.memory_space<vmem_shared>>) offsets(%dma_start3A_285 : memref<80xi32, #tpu.memory_space<vmem>>) semaphore(%arg34 : memref<!tpu.dma_semaphore, #tpu.memory_space<semaphore_mem>>) {add = true}
      %add3A_289 = arith.constant 4 : i32
      %add3A_290 = arith.addi %add3A_97, %add3A_289 : i32
      %mul3A_291 = arith.constant 80 : i32
      %mul3A_292 = arith.muli %add3A_290, %mul3A_291 : i32
      %dma_wait3A_293 = tpu.memref_slice %arg7[%mul3A_292] : memref<20000xi32, #tpu.memory_space<vmem>> -> memref<80xi32, #tpu.memory_space<vmem>>
      %dma_wait3A_294 = arith.constant 0 : i32
      %dma_wait3A_295 = arith.constant 0 : i32
      %dma_wait3A_296 = tpu.memref_slice %arg19[%dma_wait3A_294, %dma_wait3A_295] : memref<10000x32xf32, #tpu.memory_space<vmem_shared>> -> memref<10000x32xf32, #tpu.memory_space<vmem_shared>>
      tpu.wait_indirect_dma semaphore(%arg25 : memref<!tpu.dma_semaphore, #tpu.memory_space<semaphore_mem>>) src(%dma_wait3A_296 : memref<10000x32xf32, #tpu.memory_space<vmem_shared>>) dst(%arg13 : memref<80x32xf32, #tpu.memory_space<vmem>>)
      %add3A_297 = arith.constant 4 : i32
      %add3A_298 = arith.addi %add3A_97, %add3A_297 : i32
      %mul3A_299 = arith.constant 80 : i32
      %mul3A_300 = arith.muli %add3A_298, %mul3A_299 : i32
      %dma_start3A_301 = tpu.memref_slice %arg8[%mul3A_300] : memref<20000xi32, #tpu.memory_space<vmem>> -> memref<80xi32, #tpu.memory_space<vmem>>
      %dma_start3A_302 = arith.constant 0 : i32
      %dma_start3A_303 = arith.constant 0 : i32
      %dma_start3A_304 = tpu.memref_slice %arg20[%dma_start3A_302, %dma_start3A_303] : memref<10000x32xf32, #tpu.memory_space<vmem_shared>> -> memref<10000x32xf32, #tpu.memory_space<vmem_shared>>
      tpu.enqueue_indirect_dma source(%arg13 : memref<80x32xf32, #tpu.memory_space<vmem>>) target(%dma_start3A_304 : memref<10000x32xf32, #tpu.memory_space<vmem_shared>>) offsets(%dma_start3A_301 : memref<80xi32, #tpu.memory_space<vmem>>) semaphore(%arg35 : memref<!tpu.dma_semaphore, #tpu.memory_space<semaphore_mem>>) {add = true}
      %add3A_305 = arith.constant 5 : i32
      %add3A_306 = arith.addi %add3A_97, %add3A_305 : i32
      %mul3A_307 = arith.constant 80 : i32
      %mul3A_308 = arith.muli %add3A_306, %mul3A_307 : i32
      %dma_wait3A_309 = tpu.memref_slice %arg7[%mul3A_308] : memref<20000xi32, #tpu.memory_space<vmem>> -> memref<80xi32, #tpu.memory_space<vmem>>
      %dma_wait3A_310 = arith.constant 0 : i32
      %dma_wait3A_311 = arith.constant 0 : i32
      %dma_wait3A_312 = tpu.memref_slice %arg19[%dma_wait3A_310, %dma_wait3A_311] : memref<10000x32xf32, #tpu.memory_space<vmem_shared>> -> memref<10000x32xf32, #tpu.memory_space<vmem_shared>>
      tpu.wait_indirect_dma semaphore(%arg26 : memref<!tpu.dma_semaphore, #tpu.memory_space<semaphore_mem>>) src(%dma_wait3A_312 : memref<10000x32xf32, #tpu.memory_space<vmem_shared>>) dst(%arg14 : memref<80x32xf32, #tpu.memory_space<vmem>>)
      %add3A_313 = arith.constant 5 : i32
      %add3A_314 = arith.addi %add3A_97, %add3A_313 : i32
      %mul3A_315 = arith.constant 80 : i32
      %mul3A_316 = arith.muli %add3A_314, %mul3A_315 : i32
      %dma_start3A_317 = tpu.memref_slice %arg8[%mul3A_316] : memref<20000xi32, #tpu.memory_space<vmem>> -> memref<80xi32, #tpu.memory_space<vmem>>
      %dma_start3A_318 = arith.constant 0 : i32
      %dma_start3A_319 = arith.constant 0 : i32
      %dma_start3A_320 = tpu.memref_slice %arg20[%dma_start3A_318, %dma_start3A_319] : memref<10000x32xf32, #tpu.memory_space<vmem_shared>> -> memref<10000x32xf32, #tpu.memory_space<vmem_shared>>
      tpu.enqueue_indirect_dma source(%arg14 : memref<80x32xf32, #tpu.memory_space<vmem>>) target(%dma_start3A_320 : memref<10000x32xf32, #tpu.memory_space<vmem_shared>>) offsets(%dma_start3A_317 : memref<80xi32, #tpu.memory_space<vmem>>) semaphore(%arg36 : memref<!tpu.dma_semaphore, #tpu.memory_space<semaphore_mem>>) {add = true}
      %add3A_321 = arith.constant 6 : i32
      %add3A_322 = arith.addi %add3A_97, %add3A_321 : i32
      %mul3A_323 = arith.constant 80 : i32
      %mul3A_324 = arith.muli %add3A_322, %mul3A_323 : i32
      %dma_wait3A_325 = tpu.memref_slice %arg7[%mul3A_324] : memref<20000xi32, #tpu.memory_space<vmem>> -> memref<80xi32, #tpu.memory_space<vmem>>
      %dma_wait3A_326 = arith.constant 0 : i32
      %dma_wait3A_327 = arith.constant 0 : i32
      %dma_wait3A_328 = tpu.memref_slice %arg19[%dma_wait3A_326, %dma_wait3A_327] : memref<10000x32xf32, #tpu.memory_space<vmem_shared>> -> memref<10000x32xf32, #tpu.memory_space<vmem_shared>>
      tpu.wait_indirect_dma semaphore(%arg27 : memref<!tpu.dma_semaphore, #tpu.memory_space<semaphore_mem>>) src(%dma_wait3A_328 : memref<10000x32xf32, #tpu.memory_space<vmem_shared>>) dst(%arg15 : memref<80x32xf32, #tpu.memory_space<vmem>>)
      %add3A_329 = arith.constant 6 : i32
      %add3A_330 = arith.addi %add3A_97, %add3A_329 : i32
      %mul3A_331 = arith.constant 80 : i32
      %mul3A_332 = arith.muli %add3A_330, %mul3A_331 : i32
      %dma_start3A_333 = tpu.memref_slice %arg8[%mul3A_332] : memref<20000xi32, #tpu.memory_space<vmem>> -> memref<80xi32, #tpu.memory_space<vmem>>
      %dma_start3A_334 = arith.constant 0 : i32
      %dma_start3A_335 = arith.constant 0 : i32
      %dma_start3A_336 = tpu.memref_slice %arg20[%dma_start3A_334, %dma_start3A_335] : memref<10000x32xf32, #tpu.memory_space<vmem_shared>> -> memref<10000x32xf32, #tpu.memory_space<vmem_shared>>
      tpu.enqueue_indirect_dma source(%arg15 : memref<80x32xf32, #tpu.memory_space<vmem>>) target(%dma_start3A_336 : memref<10000x32xf32, #tpu.memory_space<vmem_shared>>) offsets(%dma_start3A_333 : memref<80xi32, #tpu.memory_space<vmem>>) semaphore(%arg37 : memref<!tpu.dma_semaphore, #tpu.memory_space<semaphore_mem>>) {add = true}
      %add3A_337 = arith.constant 7 : i32
      %add3A_338 = arith.addi %add3A_97, %add3A_337 : i32
      %mul3A_339 = arith.constant 80 : i32
      %mul3A_340 = arith.muli %add3A_338, %mul3A_339 : i32
      %dma_wait3A_341 = tpu.memref_slice %arg7[%mul3A_340] : memref<20000xi32, #tpu.memory_space<vmem>> -> memref<80xi32, #tpu.memory_space<vmem>>
      %dma_wait3A_342 = arith.constant 0 : i32
      %dma_wait3A_343 = arith.constant 0 : i32
      %dma_wait3A_344 = tpu.memref_slice %arg19[%dma_wait3A_342, %dma_wait3A_343] : memref<10000x32xf32, #tpu.memory_space<vmem_shared>> -> memref<10000x32xf32, #tpu.memory_space<vmem_shared>>
      tpu.wait_indirect_dma semaphore(%arg28 : memref<!tpu.dma_semaphore, #tpu.memory_space<semaphore_mem>>) src(%dma_wait3A_344 : memref<10000x32xf32, #tpu.memory_space<vmem_shared>>) dst(%arg16 : memref<80x32xf32, #tpu.memory_space<vmem>>)
      %add3A_345 = arith.constant 7 : i32
      %add3A_346 = arith.addi %add3A_97, %add3A_345 : i32
      %mul3A_347 = arith.constant 80 : i32
      %mul3A_348 = arith.muli %add3A_346, %mul3A_347 : i32
      %dma_start3A_349 = tpu.memref_slice %arg8[%mul3A_348] : memref<20000xi32, #tpu.memory_space<vmem>> -> memref<80xi32, #tpu.memory_space<vmem>>
      %dma_start3A_350 = arith.constant 0 : i32
      %dma_start3A_351 = arith.constant 0 : i32
      %dma_start3A_352 = tpu.memref_slice %arg20[%dma_start3A_350, %dma_start3A_351] : memref<10000x32xf32, #tpu.memory_space<vmem_shared>> -> memref<10000x32xf32, #tpu.memory_space<vmem_shared>>
      tpu.enqueue_indirect_dma source(%arg16 : memref<80x32xf32, #tpu.memory_space<vmem>>) target(%dma_start3A_352 : memref<10000x32xf32, #tpu.memory_space<vmem_shared>>) offsets(%dma_start3A_349 : memref<80xi32, #tpu.memory_space<vmem>>) semaphore(%arg38 : memref<!tpu.dma_semaphore, #tpu.memory_space<semaphore_mem>>) {add = true}
      %add3A_353 = arith.constant 8 : i32
      %add3A_354 = arith.addi %add3A_97, %add3A_353 : i32
      %mul3A_355 = arith.constant 80 : i32
      %mul3A_356 = arith.muli %add3A_354, %mul3A_355 : i32
      %dma_wait3A_357 = tpu.memref_slice %arg7[%mul3A_356] : memref<20000xi32, #tpu.memory_space<vmem>> -> memref<80xi32, #tpu.memory_space<vmem>>
      %dma_wait3A_358 = arith.constant 0 : i32
      %dma_wait3A_359 = arith.constant 0 : i32
      %dma_wait3A_360 = tpu.memref_slice %arg19[%dma_wait3A_358, %dma_wait3A_359] : memref<10000x32xf32, #tpu.memory_space<vmem_shared>> -> memref<10000x32xf32, #tpu.memory_space<vmem_shared>>
      tpu.wait_indirect_dma semaphore(%arg29 : memref<!tpu.dma_semaphore, #tpu.memory_space<semaphore_mem>>) src(%dma_wait3A_360 : memref<10000x32xf32, #tpu.memory_space<vmem_shared>>) dst(%arg17 : memref<80x32xf32, #tpu.memory_space<vmem>>)
      %add3A_361 = arith.constant 8 : i32
      %add3A_362 = arith.addi %add3A_97, %add3A_361 : i32
      %mul3A_363 = arith.constant 80 : i32
      %mul3A_364 = arith.muli %add3A_362, %mul3A_363 : i32
      %dma_start3A_365 = tpu.memref_slice %arg8[%mul3A_364] : memref<20000xi32, #tpu.memory_space<vmem>> -> memref<80xi32, #tpu.memory_space<vmem>>
      %dma_start3A_366 = arith.constant 0 : i32
      %dma_start3A_367 = arith.constant 0 : i32
      %dma_start3A_368 = tpu.memref_slice %arg20[%dma_start3A_366, %dma_start3A_367] : memref<10000x32xf32, #tpu.memory_space<vmem_shared>> -> memref<10000x32xf32, #tpu.memory_space<vmem_shared>>
      tpu.enqueue_indirect_dma source(%arg17 : memref<80x32xf32, #tpu.memory_space<vmem>>) target(%dma_start3A_368 : memref<10000x32xf32, #tpu.memory_space<vmem_shared>>) offsets(%dma_start3A_365 : memref<80xi32, #tpu.memory_space<vmem>>) semaphore(%arg39 : memref<!tpu.dma_semaphore, #tpu.memory_space<semaphore_mem>>) {add = true}
      %add3A_369 = arith.constant 9 : i32
      %add3A_370 = arith.addi %add3A_97, %add3A_369 : i32
      %mul3A_371 = arith.constant 80 : i32
      %mul3A_372 = arith.muli %add3A_370, %mul3A_371 : i32
      %dma_wait3A_373 = tpu.memref_slice %arg7[%mul3A_372] : memref<20000xi32, #tpu.memory_space<vmem>> -> memref<80xi32, #tpu.memory_space<vmem>>
      %dma_wait3A_374 = arith.constant 0 : i32
      %dma_wait3A_375 = arith.constant 0 : i32
      %dma_wait3A_376 = tpu.memref_slice %arg19[%dma_wait3A_374, %dma_wait3A_375] : memref<10000x32xf32, #tpu.memory_space<vmem_shared>> -> memref<10000x32xf32, #tpu.memory_space<vmem_shared>>
      tpu.wait_indirect_dma semaphore(%arg30 : memref<!tpu.dma_semaphore, #tpu.memory_space<semaphore_mem>>) src(%dma_wait3A_376 : memref<10000x32xf32, #tpu.memory_space<vmem_shared>>) dst(%arg18 : memref<80x32xf32, #tpu.memory_space<vmem>>)
      %add3A_377 = arith.constant 9 : i32
      %add3A_378 = arith.addi %add3A_97, %add3A_377 : i32
      %mul3A_379 = arith.constant 80 : i32
      %mul3A_380 = arith.muli %add3A_378, %mul3A_379 : i32
      %dma_start3A_381 = tpu.memref_slice %arg8[%mul3A_380] : memref<20000xi32, #tpu.memory_space<vmem>> -> memref<80xi32, #tpu.memory_space<vmem>>
      %dma_start3A_382 = arith.constant 0 : i32
      %dma_start3A_383 = arith.constant 0 : i32
      %dma_start3A_384 = tpu.memref_slice %arg20[%dma_start3A_382, %dma_start3A_383] : memref<10000x32xf32, #tpu.memory_space<vmem_shared>> -> memref<10000x32xf32, #tpu.memory_space<vmem_shared>>
      tpu.enqueue_indirect_dma source(%arg18 : memref<80x32xf32, #tpu.memory_space<vmem>>) target(%dma_start3A_384 : memref<10000x32xf32, #tpu.memory_space<vmem_shared>>) offsets(%dma_start3A_381 : memref<80xi32, #tpu.memory_space<vmem>>) semaphore(%arg40 : memref<!tpu.dma_semaphore, #tpu.memory_space<semaphore_mem>>) {add = true}
    }
    %scan3A_36 = arith.constant 25 : i32
    %dma_wait3A_37 = arith.constant 19200 : i32
    %dma_wait3A_38 = tpu.memref_slice %arg8[%dma_wait3A_37] : memref<20000xi32, #tpu.memory_space<vmem>> -> memref<80xi32, #tpu.memory_space<vmem>>
    %dma_wait3A_39 = arith.constant 0 : i32
    %dma_wait3A_40 = arith.constant 0 : i32
    %dma_wait3A_41 = tpu.memref_slice %arg20[%dma_wait3A_39, %dma_wait3A_40] : memref<10000x32xf32, #tpu.memory_space<vmem_shared>> -> memref<10000x32xf32, #tpu.memory_space<vmem_shared>>
    tpu.wait_indirect_dma semaphore(%arg31 : memref<!tpu.dma_semaphore, #tpu.memory_space<semaphore_mem>>) src(%arg9 : memref<80x32xf32, #tpu.memory_space<vmem>>) dst(%dma_wait3A_41 : memref<10000x32xf32, #tpu.memory_space<vmem_shared>>)
    %dma_wait3A_42 = arith.constant 19280 : i32
    %dma_wait3A_43 = tpu.memref_slice %arg8[%dma_wait3A_42] : memref<20000xi32, #tpu.memory_space<vmem>> -> memref<80xi32, #tpu.memory_space<vmem>>
    %dma_wait3A_44 = arith.constant 0 : i32
    %dma_wait3A_45 = arith.constant 0 : i32
    %dma_wait3A_46 = tpu.memref_slice %arg20[%dma_wait3A_44, %dma_wait3A_45] : memref<10000x32xf32, #tpu.memory_space<vmem_shared>> -> memref<10000x32xf32, #tpu.memory_space<vmem_shared>>
    tpu.wait_indirect_dma semaphore(%arg32 : memref<!tpu.dma_semaphore, #tpu.memory_space<semaphore_mem>>) src(%arg10 : memref<80x32xf32, #tpu.memory_space<vmem>>) dst(%dma_wait3A_46 : memref<10000x32xf32, #tpu.memory_space<vmem_shared>>)
    %dma_wait3A_47 = arith.constant 19360 : i32
    %dma_wait3A_48 = tpu.memref_slice %arg8[%dma_wait3A_47] : memref<20000xi32, #tpu.memory_space<vmem>> -> memref<80xi32, #tpu.memory_space<vmem>>
    %dma_wait3A_49 = arith.constant 0 : i32
    %dma_wait3A_50 = arith.constant 0 : i32
    %dma_wait3A_51 = tpu.memref_slice %arg20[%dma_wait3A_49, %dma_wait3A_50] : memref<10000x32xf32, #tpu.memory_space<vmem_shared>> -> memref<10000x32xf32, #tpu.memory_space<vmem_shared>>
    tpu.wait_indirect_dma semaphore(%arg33 : memref<!tpu.dma_semaphore, #tpu.memory_space<semaphore_mem>>) src(%arg11 : memref<80x32xf32, #tpu.memory_space<vmem>>) dst(%dma_wait3A_51 : memref<10000x32xf32, #tpu.memory_space<vmem_shared>>)
    %dma_wait3A_52 = arith.constant 19440 : i32
    %dma_wait3A_53 = tpu.memref_slice %arg8[%dma_wait3A_52] : memref<20000xi32, #tpu.memory_space<vmem>> -> memref<80xi32, #tpu.memory_space<vmem>>
    %dma_wait3A_54 = arith.constant 0 : i32
    %dma_wait3A_55 = arith.constant 0 : i32
    %dma_wait3A_56 = tpu.memref_slice %arg20[%dma_wait3A_54, %dma_wait3A_55] : memref<10000x32xf32, #tpu.memory_space<vmem_shared>> -> memref<10000x32xf32, #tpu.memory_space<vmem_shared>>
    tpu.wait_indirect_dma semaphore(%arg34 : memref<!tpu.dma_semaphore, #tpu.memory_space<semaphore_mem>>) src(%arg12 : memref<80x32xf32, #tpu.memory_space<vmem>>) dst(%dma_wait3A_56 : memref<10000x32xf32, #tpu.memory_space<vmem_shared>>)
    %dma_wait3A_57 = arith.constant 19520 : i32
    %dma_wait3A_58 = tpu.memref_slice %arg8[%dma_wait3A_57] : memref<20000xi32, #tpu.memory_space<vmem>> -> memref<80xi32, #tpu.memory_space<vmem>>
    %dma_wait3A_59 = arith.constant 0 : i32
    %dma_wait3A_60 = arith.constant 0 : i32
    %dma_wait3A_61 = tpu.memref_slice %arg20[%dma_wait3A_59, %dma_wait3A_60] : memref<10000x32xf32, #tpu.memory_space<vmem_shared>> -> memref<10000x32xf32, #tpu.memory_space<vmem_shared>>
    tpu.wait_indirect_dma semaphore(%arg35 : memref<!tpu.dma_semaphore, #tpu.memory_space<semaphore_mem>>) src(%arg13 : memref<80x32xf32, #tpu.memory_space<vmem>>) dst(%dma_wait3A_61 : memref<10000x32xf32, #tpu.memory_space<vmem_shared>>)
    %dma_wait3A_62 = arith.constant 19600 : i32
    %dma_wait3A_63 = tpu.memref_slice %arg8[%dma_wait3A_62] : memref<20000xi32, #tpu.memory_space<vmem>> -> memref<80xi32, #tpu.memory_space<vmem>>
    %dma_wait3A_64 = arith.constant 0 : i32
    %dma_wait3A_65 = arith.constant 0 : i32
    %dma_wait3A_66 = tpu.memref_slice %arg20[%dma_wait3A_64, %dma_wait3A_65] : memref<10000x32xf32, #tpu.memory_space<vmem_shared>> -> memref<10000x32xf32, #tpu.memory_space<vmem_shared>>
    tpu.wait_indirect_dma semaphore(%arg36 : memref<!tpu.dma_semaphore, #tpu.memory_space<semaphore_mem>>) src(%arg14 : memref<80x32xf32, #tpu.memory_space<vmem>>) dst(%dma_wait3A_66 : memref<10000x32xf32, #tpu.memory_space<vmem_shared>>)
    %dma_wait3A_67 = arith.constant 19680 : i32
    %dma_wait3A_68 = tpu.memref_slice %arg8[%dma_wait3A_67] : memref<20000xi32, #tpu.memory_space<vmem>> -> memref<80xi32, #tpu.memory_space<vmem>>
    %dma_wait3A_69 = arith.constant 0 : i32
    %dma_wait3A_70 = arith.constant 0 : i32
    %dma_wait3A_71 = tpu.memref_slice %arg20[%dma_wait3A_69, %dma_wait3A_70] : memref<10000x32xf32, #tpu.memory_space<vmem_shared>> -> memref<10000x32xf32, #tpu.memory_space<vmem_shared>>
    tpu.wait_indirect_dma semaphore(%arg37 : memref<!tpu.dma_semaphore, #tpu.memory_space<semaphore_mem>>) src(%arg15 : memref<80x32xf32, #tpu.memory_space<vmem>>) dst(%dma_wait3A_71 : memref<10000x32xf32, #tpu.memory_space<vmem_shared>>)
    %dma_wait3A_72 = arith.constant 19760 : i32
    %dma_wait3A_73 = tpu.memref_slice %arg8[%dma_wait3A_72] : memref<20000xi32, #tpu.memory_space<vmem>> -> memref<80xi32, #tpu.memory_space<vmem>>
    %dma_wait3A_74 = arith.constant 0 : i32
    %dma_wait3A_75 = arith.constant 0 : i32
    %dma_wait3A_76 = tpu.memref_slice %arg20[%dma_wait3A_74, %dma_wait3A_75] : memref<10000x32xf32, #tpu.memory_space<vmem_shared>> -> memref<10000x32xf32, #tpu.memory_space<vmem_shared>>
    tpu.wait_indirect_dma semaphore(%arg38 : memref<!tpu.dma_semaphore, #tpu.memory_space<semaphore_mem>>) src(%arg16 : memref<80x32xf32, #tpu.memory_space<vmem>>) dst(%dma_wait3A_76 : memref<10000x32xf32, #tpu.memory_space<vmem_shared>>)
    %dma_wait3A_77 = arith.constant 19840 : i32
    %dma_wait3A_78 = tpu.memref_slice %arg8[%dma_wait3A_77] : memref<20000xi32, #tpu.memory_space<vmem>> -> memref<80xi32, #tpu.memory_space<vmem>>
    %dma_wait3A_79 = arith.constant 0 : i32
    %dma_wait3A_80 = arith.constant 0 : i32
    %dma_wait3A_81 = tpu.memref_slice %arg20[%dma_wait3A_79, %dma_wait3A_80] : memref<10000x32xf32, #tpu.memory_space<vmem_shared>> -> memref<10000x32xf32, #tpu.memory_space<vmem_shared>>
    tpu.wait_indirect_dma semaphore(%arg39 : memref<!tpu.dma_semaphore, #tpu.memory_space<semaphore_mem>>) src(%arg17 : memref<80x32xf32, #tpu.memory_space<vmem>>) dst(%dma_wait3A_81 : memref<10000x32xf32, #tpu.memory_space<vmem_shared>>)
    %dma_wait3A_82 = arith.constant 19920 : i32
    %dma_wait3A_83 = tpu.memref_slice %arg8[%dma_wait3A_82] : memref<20000xi32, #tpu.memory_space<vmem>> -> memref<80xi32, #tpu.memory_space<vmem>>
    %dma_wait3A_84 = arith.constant 0 : i32
    %dma_wait3A_85 = arith.constant 0 : i32
    %dma_wait3A_86 = tpu.memref_slice %arg20[%dma_wait3A_84, %dma_wait3A_85] : memref<10000x32xf32, #tpu.memory_space<vmem_shared>> -> memref<10000x32xf32, #tpu.memory_space<vmem_shared>>
    tpu.wait_indirect_dma semaphore(%arg40 : memref<!tpu.dma_semaphore, #tpu.memory_space<semaphore_mem>>) src(%arg18 : memref<80x32xf32, #tpu.memory_space<vmem>>) dst(%dma_wait3A_86 : memref<10000x32xf32, #tpu.memory_space<vmem_shared>>)
    %barrier3A_87 = arith.constant 0 : index
    tpu.barrier barrier_id(%barrier3A_87)
    %mul3A_88 = arith.constant 625 : i32
    %mul3A_89 = arith.muli %arg1, %mul3A_88 : i32
    %mul3A_90 = arith.constant 625 : i32
    %mul3A_91 = arith.muli %arg1, %mul3A_90 : i32
    %mul3A_92 = arith.constant 32 : i32
    %mul3A_93 = arith.muli %arg0, %mul3A_92 : i32
    "tpu.region"() ({
      %run_scoped3A = tpu.sem_alloc : memref<!tpu.dma_semaphore, #tpu.memory_space<semaphore_mem>>
      %dma_start3A_94 = tpu.memref_slice %arg6[%mul3A_91, %mul3A_93] : memref<10000x128xf32, #tpu.memory_space<hbm>> -> memref<625x32xf32, #tpu.memory_space<hbm>>
      %dma_start3A_95 = arith.constant 0 : i32
      %dma_start3A_96 = tpu.memref_slice %arg20[%mul3A_89, %dma_start3A_95] : memref<10000x32xf32, #tpu.memory_space<vmem_shared>> -> memref<625x32xf32, #tpu.memory_space<vmem_shared>>
      tpu.enqueue_dma source(%dma_start3A_96 : memref<625x32xf32, #tpu.memory_space<vmem_shared>>) target(%dma_start3A_94 : memref<625x32xf32, #tpu.memory_space<hbm>>) target_semaphore(%run_scoped3A : memref<!tpu.dma_semaphore, #tpu.memory_space<semaphore_mem>>)
      %dma_wait3A_97 = tpu.memref_slice %arg6[%mul3A_91, %mul3A_93] : memref<10000x128xf32, #tpu.memory_space<hbm>> -> memref<625x32xf32, #tpu.memory_space<hbm>>
      %dma_wait3A_98 = arith.constant 0 : i32
      %dma_wait3A_99 = tpu.memref_slice %arg20[%mul3A_89, %dma_wait3A_98] : memref<10000x32xf32, #tpu.memory_space<vmem_shared>> -> memref<625x32xf32, #tpu.memory_space<vmem_shared>>
      tpu.wait_dma2 semaphore(%run_scoped3A : memref<!tpu.dma_semaphore, #tpu.memory_space<semaphore_mem>>) src(%dma_wait3A_99 : memref<625x32xf32, #tpu.memory_space<vmem_shared>>) dst(%dma_wait3A_97 : memref<625x32xf32, #tpu.memory_space<hbm>>)
      tpu.yield
    }) : () -> ()
    return
  }
}

module attributes {stable_mosaic.version = 14 : i64} {
  func.func @body(%arg0: i32, %arg1: memref<1000x128xf32, #tpu.memory_space<vmem>>, %arg2: memref<128x64xf32, #tpu.memory_space<vmem>>, %arg3: memref<1000x64xf32, #tpu.memory_space<vmem>>) attributes {dimension_semantics = [#tpu.dimension_semantics<arbitrary>], iteration_bounds = array<i64: 10>, scalar_prefetch = 0 : i64, scratch_operands = 0 : i64, tpu.core_type = #tpu.core_type<tc>, window_params = [{transform_indices = @transform_0, window_bounds = array<i64: 1000, 128>}, {pipeline_mode = #tpu.pipeline_mode<synchronous>, transform_indices = @transform_1, window_bounds = array<i64: 128, 64>}, {transform_indices = @transform_2, window_bounds = array<i64: 1000, 64>}]} {
    %get3A = arith.constant 0 : index
    %get3A_0 = arith.constant 0 : index
    %get3A_1 = vector.load %arg1[%get3A, %get3A_0] : memref<1000x128xf32, #tpu.memory_space<vmem>>, vector<1000x128xf32>
    %get3A_2 = arith.constant 0 : index
    %get3A_3 = arith.constant 0 : index
    %get3A_4 = vector.load %arg2[%get3A_2, %get3A_3] : memref<128x64xf32, #tpu.memory_space<vmem>>, vector<128x64xf32>
    %dot_general3A = arith.constant dense<0.000000e+00> : vector<1000x64xf32>
    %dot_general3A_5 = tpu.matmul %get3A_1, %get3A_4, %dot_general3A {dimension_numbers = #tpu.dot_dimension_numbers<[1], [0], [0], [1], [0, 0, 1, 1], [], []>, transpose_lhs_hint = false} : vector<1000x128xf32>, vector<128x64xf32>, vector<1000x64xf32> -> vector<1000x64xf32>
    %swap3A = arith.constant 0 : index
    %swap3A_6 = arith.constant 0 : index
    %swap3A_7 = vector.load %arg3[%swap3A, %swap3A_6] : memref<1000x64xf32, #tpu.memory_space<vmem>>, vector<1000x64xf32>
    tpu.vector_store %arg3[%swap3A, %swap3A_6], %dot_general3A_5 {strides = array<i32>} : memref<1000x64xf32, #tpu.memory_space<vmem>>, vector<1000x64xf32>,
    return
  }
  func.func @transform_0(%arg0: i32) -> (i32, i32) {
    %c0_i32 = arith.constant 0 : i32
    %c0_i32_0 = arith.constant 0 : i32
    return %arg0, %c0_i32 : i32, i32
  }
  func.func @transform_1(%arg0: i32) -> (i32, i32) {
    %c0_i32 = arith.constant 0 : i32
    %c0_i32_0 = arith.constant 0 : i32
    %c0_i32_1 = arith.constant 0 : i32
    return %c0_i32, %c0_i32_0 : i32, i32
  }
  func.func @transform_2(%arg0: i32) -> (i32, i32) {
    %c0_i32 = arith.constant 0 : i32
    %c0_i32_0 = arith.constant 0 : i32
    return %arg0, %c0_i32 : i32, i32
  }
}

module attributes {stable_mosaic.version = 14 : i64} {
  func.func @body(%arg0: i32, %arg1: memref<1000x128xf32, #tpu.memory_space<vmem>>, %arg2: memref<1000x64xf32, #tpu.memory_space<vmem>>, %arg3: memref<1000x128xf32, #tpu.memory_space<vmem>>, %arg4: memref<1000x1xf32, #tpu.memory_space<vmem>>) attributes {dimension_semantics = [#tpu.dimension_semantics<arbitrary>], iteration_bounds = array<i64: 10>, scalar_prefetch = 0 : i64, scratch_operands = 0 : i64, tpu.core_type = #tpu.core_type<tc>, window_params = [{transform_indices = @transform_0, window_bounds = array<i64: 1000, 128>}, {transform_indices = @transform_1, window_bounds = array<i64: 1000, 64>}, {transform_indices = @transform_2, window_bounds = array<i64: 1000, 128>}, {transform_indices = @transform_3, window_bounds = array<i64: 1000, 1>}]} {
    %get3A = arith.constant 0 : index
    %get3A_0 = arith.constant 0 : index
    %get3A_1 = vector.load %arg1[%get3A, %get3A_0] : memref<1000x128xf32, #tpu.memory_space<vmem>>, vector<1000x1xf32>
    %get3A_2 = arith.constant 0 : index
    %get3A_3 = arith.constant 16 : index
    %get3A_4 = vector.load %arg1[%get3A_2, %get3A_3] : memref<1000x128xf32, #tpu.memory_space<vmem>>, vector<1000x1xf32>
    %add3A = arith.addf %get3A_1, %get3A_4 : vector<1000x1xf32>
    %add3A_5 = arith.constant 1.000000e+00 : f32
    %add3A_6 = vector.broadcast %add3A_5 : f32 to vector<1000x1xf32>
    %add3A_7 = arith.addf %add3A, %add3A_6 : vector<1000x1xf32>
    %rsqrt3A = math.rsqrt %add3A_7 : vector<1000x1xf32>
    %get3A_8 = arith.constant 0 : index
    %get3A_9 = arith.constant 0 : index
    %get3A_10 = vector.load %arg2[%get3A_8, %get3A_9] : memref<1000x64xf32, #tpu.memory_space<vmem>>, vector<1000x64xf32>
    %mul3A = vector.broadcast %rsqrt3A : vector<1000x1xf32> to vector<1000x64xf32>
    %mul3A_11 = arith.mulf %get3A_10, %mul3A : vector<1000x64xf32>
    %broadcast_in_dim3A = arith.constant 0.000000e+00 : f32
    %broadcast_in_dim3A_12 = vector.broadcast %broadcast_in_dim3A : f32 to vector<1000x64xf32>
    %concatenate3A = tpu.concatenate %mul3A_11, %broadcast_in_dim3A_12 in 1 : vector<1000x64xf32>, vector<1000x64xf32> -> vector<1000x128xf32>
    %swap3A = arith.constant 0 : index
    %swap3A_13 = arith.constant 0 : index
    %swap3A_14 = vector.load %arg3[%swap3A, %swap3A_13] : memref<1000x128xf32, #tpu.memory_space<vmem>>, vector<1000x128xf32>
    tpu.vector_store %arg3[%swap3A, %swap3A_13], %concatenate3A {strides = array<i32>} : memref<1000x128xf32, #tpu.memory_space<vmem>>, vector<1000x128xf32>,
    %swap3A_15 = arith.constant 0 : index
    %swap3A_16 = arith.constant 0 : index
    %swap3A_17 = vector.load %arg4[%swap3A_15, %swap3A_16] : memref<1000x1xf32, #tpu.memory_space<vmem>>, vector<1000x1xf32>
    tpu.vector_store %arg4[%swap3A_15, %swap3A_16], %rsqrt3A {strides = array<i32>} : memref<1000x1xf32, #tpu.memory_space<vmem>>, vector<1000x1xf32>,
    return
  }
  func.func @transform_0(%arg0: i32) -> (i32, i32) {
    %c0_i32 = arith.constant 0 : i32
    %c0_i32_0 = arith.constant 0 : i32
    return %arg0, %c0_i32 : i32, i32
  }
  func.func @transform_1(%arg0: i32) -> (i32, i32) {
    %c0_i32 = arith.constant 0 : i32
    %c0_i32_0 = arith.constant 0 : i32
    return %arg0, %c0_i32 : i32, i32
  }
  func.func @transform_2(%arg0: i32) -> (i32, i32) {
    %c0_i32 = arith.constant 0 : i32
    %c0_i32_0 = arith.constant 0 : i32
    return %arg0, %c0_i32 : i32, i32
  }
  func.func @transform_3(%arg0: i32) -> (i32, i32) {
    %c0_i32 = arith.constant 0 : i32
    %c0_i32_0 = arith.constant 0 : i32
    return %arg0, %c0_i32 : i32, i32
  }
}

module attributes {stable_mosaic.version = 14 : i64} {
  func.func @body(%arg0: i32, %arg1: memref<1000x128xf32, #tpu.memory_space<vmem>>, %arg2: memref<1000x128xf32, #tpu.memory_space<vmem>>, %arg3: memref<1000x1xf32, #tpu.memory_space<vmem>>, %arg4: memref<1x64xf32, #tpu.memory_space<vmem>>, %arg5: memref<64x64xf32, #tpu.memory_space<vmem>>, %arg6: memref<1000x128xf32, #tpu.memory_space<vmem>>) attributes {dimension_semantics = [#tpu.dimension_semantics<arbitrary>], iteration_bounds = array<i64: 10>, scalar_prefetch = 0 : i64, scratch_operands = 0 : i64, tpu.core_type = #tpu.core_type<tc>, window_params = [{transform_indices = @transform_0, window_bounds = array<i64: 1000, 128>}, {transform_indices = @transform_1, window_bounds = array<i64: 1000, 128>}, {transform_indices = @transform_2, window_bounds = array<i64: 1000, 1>}, {pipeline_mode = #tpu.pipeline_mode<synchronous>, transform_indices = @transform_3, window_bounds = array<i64: 1, 64>}, {pipeline_mode = #tpu.pipeline_mode<synchronous>, transform_indices = @transform_4, window_bounds = array<i64: 64, 64>}, {transform_indices = @transform_5, window_bounds = array<i64: 1000, 128>}]} {
    %get3A = arith.constant 0 : index
    %get3A_0 = arith.constant 0 : index
    %get3A_1 = vector.load %arg1[%get3A, %get3A_0] : memref<1000x128xf32, #tpu.memory_space<vmem>>, vector<1000x64xf32>
    %get3A_2 = arith.constant 0 : index
    %get3A_3 = arith.constant 0 : index
    %get3A_4 = vector.load %arg2[%get3A_2, %get3A_3] : memref<1000x128xf32, #tpu.memory_space<vmem>>, vector<1000x64xf32>
    %add3A = arith.addf %get3A_1, %get3A_4 : vector<1000x64xf32>
    %get3A_5 = arith.constant 0 : index
    %get3A_6 = arith.constant 0 : index
    %get3A_7 = vector.load %arg3[%get3A_5, %get3A_6] : memref<1000x1xf32, #tpu.memory_space<vmem>>, vector<1000x1xf32>
    %mul3A = vector.broadcast %get3A_7 : vector<1000x1xf32> to vector<1000x64xf32>
    %mul3A_8 = arith.mulf %add3A, %mul3A : vector<1000x64xf32>
    %get3A_9 = arith.constant 0 : index
    %get3A_10 = arith.constant 0 : index
    %get3A_11 = vector.load %arg4[%get3A_9, %get3A_10] : memref<1x64xf32, #tpu.memory_space<vmem>>, vector<1x64xf32>
    %add3A_12 = vector.broadcast %get3A_11 : vector<1x64xf32> to vector<1000x64xf32>
    %add3A_13 = arith.addf %mul3A_8, %add3A_12 : vector<1000x64xf32>
    %max3A = arith.constant 0.000000e+00 : f32
    %max3A_14 = vector.broadcast %max3A : f32 to vector<1000x64xf32>
    %max3A_15 = arith.maximumf %add3A_13, %max3A_14 : vector<1000x64xf32>
    %get3A_16 = arith.constant 0 : index
    %get3A_17 = arith.constant 0 : index
    %get3A_18 = vector.load %arg5[%get3A_16, %get3A_17] : memref<64x64xf32, #tpu.memory_space<vmem>>, vector<64x64xf32>
    %dot_general3A = arith.constant dense<0.000000e+00> : vector<1000x64xf32>
    %dot_general3A_19 = tpu.matmul %max3A_15, %get3A_18, %dot_general3A {dimension_numbers = #tpu.dot_dimension_numbers<[1], [0], [0], [1], [0, 0, 1, 1], [], []>, transpose_lhs_hint = false} : vector<1000x64xf32>, vector<64x64xf32>, vector<1000x64xf32> -> vector<1000x64xf32>
    %get3A_20 = arith.constant 0 : index
    %get3A_21 = arith.constant 0 : index
    %get3A_22 = vector.load %arg3[%get3A_20, %get3A_21] : memref<1000x1xf32, #tpu.memory_space<vmem>>, vector<1000x1xf32>
    %mul3A_23 = vector.broadcast %get3A_22 : vector<1000x1xf32> to vector<1000x64xf32>
    %mul3A_24 = arith.mulf %dot_general3A_19, %mul3A_23 : vector<1000x64xf32>
    %broadcast_in_dim3A = arith.constant 0.000000e+00 : f32
    %broadcast_in_dim3A_25 = vector.broadcast %broadcast_in_dim3A : f32 to vector<1000x64xf32>
    %concatenate3A = tpu.concatenate %mul3A_24, %broadcast_in_dim3A_25 in 1 : vector<1000x64xf32>, vector<1000x64xf32> -> vector<1000x128xf32>
    %swap3A = arith.constant 0 : index
    %swap3A_26 = arith.constant 0 : index
    %swap3A_27 = vector.load %arg6[%swap3A, %swap3A_26] : memref<1000x128xf32, #tpu.memory_space<vmem>>, vector<1000x128xf32>
    tpu.vector_store %arg6[%swap3A, %swap3A_26], %concatenate3A {strides = array<i32>} : memref<1000x128xf32, #tpu.memory_space<vmem>>, vector<1000x128xf32>,
    return
  }
  func.func @transform_0(%arg0: i32) -> (i32, i32) {
    %c0_i32 = arith.constant 0 : i32
    %c0_i32_0 = arith.constant 0 : i32
    return %arg0, %c0_i32 : i32, i32
  }
  func.func @transform_1(%arg0: i32) -> (i32, i32) {
    %c0_i32 = arith.constant 0 : i32
    %c0_i32_0 = arith.constant 0 : i32
    return %arg0, %c0_i32 : i32, i32
  }
  func.func @transform_2(%arg0: i32) -> (i32, i32) {
    %c0_i32 = arith.constant 0 : i32
    %c0_i32_0 = arith.constant 0 : i32
    return %arg0, %c0_i32 : i32, i32
  }
  func.func @transform_3(%arg0: i32) -> (i32, i32) {
    %c0_i32 = arith.constant 0 : i32
    %c0_i32_0 = arith.constant 0 : i32
    %c0_i32_1 = arith.constant 0 : i32
    return %c0_i32, %c0_i32_0 : i32, i32
  }
  func.func @transform_4(%arg0: i32) -> (i32, i32) {
    %c0_i32 = arith.constant 0 : i32
    %c0_i32_0 = arith.constant 0 : i32
    %c0_i32_1 = arith.constant 0 : i32
    return %c0_i32, %c0_i32_0 : i32, i32
  }
  func.func @transform_5(%arg0: i32) -> (i32, i32) {
    %c0_i32 = arith.constant 0 : i32
    %c0_i32_0 = arith.constant 0 : i32
    return %arg0, %c0_i32 : i32, i32
  }
}

module attributes {stable_mosaic.version = 14 : i64} {
  func.func @body(%arg0: i32, %arg1: memref<1000x128xf32, #tpu.memory_space<vmem>>, %arg2: memref<1000x128xf32, #tpu.memory_space<vmem>>, %arg3: memref<1000x1xf32, #tpu.memory_space<vmem>>, %arg4: memref<1x64xf32, #tpu.memory_space<vmem>>, %arg5: memref<1x1x1000xi32, #tpu.memory_space<vmem>>, %arg6: memref<64x10xf32, #tpu.memory_space<vmem>>, %arg7: memref<1x10xf32, #tpu.memory_space<vmem>>, %arg8: memref<128x10xf32, #tpu.memory_space<vmem>>, %arg9: memref<128x64xf32, #tpu.memory_space<vmem>>) attributes {dimension_semantics = [#tpu.dimension_semantics<arbitrary>], iteration_bounds = array<i64: 10>, scalar_prefetch = 0 : i64, scratch_operands = 1 : i64, tpu.core_type = #tpu.core_type<tc>, window_params = [{transform_indices = @transform_0, window_bounds = array<i64: 1000, 128>}, {transform_indices = @transform_1, window_bounds = array<i64: 1000, 128>}, {transform_indices = @transform_2, window_bounds = array<i64: 1000, 1>}, {pipeline_mode = #tpu.pipeline_mode<synchronous>, transform_indices = @transform_3, window_bounds = array<i64: 1, 64>}, {transform_indices = @transform_4, window_bounds = array<i64: 1, 1, 1000>}, {pipeline_mode = #tpu.pipeline_mode<synchronous>, transform_indices = @transform_5, window_bounds = array<i64: 64, 10>}, {pipeline_mode = #tpu.pipeline_mode<synchronous>, transform_indices = @transform_6, window_bounds = array<i64: 1, 10>}, {pipeline_mode = #tpu.pipeline_mode<synchronous>, transform_indices = @transform_7, window_bounds = array<i64: 128, 10>}]} {
    %eq3A = arith.constant 0 : i32
    %eq3A_0 = arith.cmpi eq, %arg0, %eq3A : i32
    %convert_element_type3A = arith.extui %eq3A_0 : i1 to i32
    %cond3A = arith.constant 0 : i32
    %cond3A_1 = arith.cmpi ne, %convert_element_type3A, %cond3A : i32
    scf.if %cond3A_1 {
      %broadcast_in_dim3A = arith.constant 0.000000e+00 : f32
      %broadcast_in_dim3A_37 = vector.broadcast %broadcast_in_dim3A : f32 to vector<128x64xf32>
      %swap3A_38 = arith.constant 0 : index
      %swap3A_39 = arith.constant 0 : index
      %swap3A_40 = vector.load %arg9[%swap3A_38, %swap3A_39] : memref<128x64xf32, #tpu.memory_space<vmem>>, vector<128x64xf32>
      tpu.vector_store %arg9[%swap3A_38, %swap3A_39], %broadcast_in_dim3A_37 {strides = array<i32>} : memref<128x64xf32, #tpu.memory_space<vmem>>, vector<128x64xf32>,
    } else {
    }
    %get3A = arith.constant 0 : index
    %get3A_2 = arith.constant 0 : index
    %get3A_3 = vector.load %arg1[%get3A, %get3A_2] : memref<1000x128xf32, #tpu.memory_space<vmem>>, vector<1000x64xf32>
    %get3A_4 = arith.constant 0 : index
    %get3A_5 = arith.constant 0 : index
    %get3A_6 = vector.load %arg2[%get3A_4, %get3A_5] : memref<1000x128xf32, #tpu.memory_space<vmem>>, vector<1000x64xf32>
    %add3A = arith.addf %get3A_3, %get3A_6 : vector<1000x64xf32>
    %get3A_7 = arith.constant 0 : index
    %get3A_8 = arith.constant 0 : index
    %get3A_9 = vector.load %arg3[%get3A_7, %get3A_8] : memref<1000x1xf32, #tpu.memory_space<vmem>>, vector<1000x1xf32>
    %mul3A = vector.broadcast %get3A_9 : vector<1000x1xf32> to vector<1000x64xf32>
    %mul3A_10 = arith.mulf %add3A, %mul3A : vector<1000x64xf32>
    %get3A_11 = arith.constant 0 : index
    %get3A_12 = arith.constant 0 : index
    %get3A_13 = vector.load %arg4[%get3A_11, %get3A_12] : memref<1x64xf32, #tpu.memory_space<vmem>>, vector<1x64xf32>
    %add3A_14 = vector.broadcast %get3A_13 : vector<1x64xf32> to vector<1000x64xf32>
    %add3A_15 = arith.addf %mul3A_10, %add3A_14 : vector<1000x64xf32>
    %get3A_16 = arith.constant 0 : index
    %get3A_17 = arith.constant 0 : index
    %get3A_18 = arith.constant 0 : index
    %get3A_19 = vector.load %arg5[%get3A_16, %get3A_17, %get3A_18] : memref<1x1x1000xi32, #tpu.memory_space<vmem>>, vector<1x1x1000xi32>
    %get3A_20 = vector.shape_cast %get3A_19 : vector<1x1x1000xi32> to vector<1x1000xi32>
    %iota3A = tpu.iota {dimensions = array<i32: 0>} : vector<128x1000xi32>
    %eq3A_21 = vector.broadcast %get3A_20 : vector<1x1000xi32> to vector<128x1000xi32>
    %eq3A_22 = arith.cmpi eq, %iota3A, %eq3A_21 : vector<128x1000xi32>
    %convert_element_type3A_23 = arith.extui %eq3A_22 : vector<128x1000xi1> to vector<128x1000xi32>
    %convert_element_type3A_24 = arith.sitofp %convert_element_type3A_23 : vector<128x1000xi32> to vector<128x1000xf32>
    %get3A_25 = arith.constant 0 : index
    %get3A_26 = arith.constant 0 : index
    %get3A_27 = vector.load %arg9[%get3A_25, %get3A_26] : memref<128x64xf32, #tpu.memory_space<vmem>>, vector<128x64xf32>
    %dot_general3A = arith.constant dense<0.000000e+00> : vector<128x64xf32>
    %dot_general3A_28 = tpu.matmul %convert_element_type3A_24, %add3A_15, %dot_general3A {dimension_numbers = #tpu.dot_dimension_numbers<[1], [0], [0], [1], [0, 0, 1, 1], [], []>, transpose_lhs_hint = false} : vector<128x1000xf32>, vector<1000x64xf32>, vector<128x64xf32> -> vector<128x64xf32>
    %add3A_29 = arith.addf %get3A_27, %dot_general3A_28 : vector<128x64xf32>
    %swap3A = arith.constant 0 : index
    %swap3A_30 = arith.constant 0 : index
    %swap3A_31 = vector.load %arg9[%swap3A, %swap3A_30] : memref<128x64xf32, #tpu.memory_space<vmem>>, vector<128x64xf32>
    tpu.vector_store %arg9[%swap3A, %swap3A_30], %add3A_29 {strides = array<i32>} : memref<128x64xf32, #tpu.memory_space<vmem>>, vector<128x64xf32>,
    %eq3A_32 = arith.constant 9 : i32
    %eq3A_33 = arith.cmpi eq, %arg0, %eq3A_32 : i32
    %convert_element_type3A_34 = arith.extui %eq3A_33 : i1 to i32
    %cond3A_35 = arith.constant 0 : i32
    %cond3A_36 = arith.cmpi ne, %convert_element_type3A_34, %cond3A_35 : i32
    scf.if %cond3A_36 {
      %get3A_37 = arith.constant 0 : index
      %get3A_38 = arith.constant 0 : index
      %get3A_39 = vector.load %arg9[%get3A_37, %get3A_38] : memref<128x64xf32, #tpu.memory_space<vmem>>, vector<128x64xf32>
      %get3A_40 = arith.constant 0 : index
      %get3A_41 = arith.constant 0 : index
      %get3A_42 = vector.load %arg6[%get3A_40, %get3A_41] : memref<64x10xf32, #tpu.memory_space<vmem>>, vector<64x10xf32>
      %dot_general3A_43 = arith.constant dense<0.000000e+00> : vector<128x10xf32>
      %dot_general3A_44 = tpu.matmul %get3A_39, %get3A_42, %dot_general3A_43 {dimension_numbers = #tpu.dot_dimension_numbers<[1], [0], [0], [1], [0, 0, 1, 1], [], []>, transpose_lhs_hint = false} : vector<128x64xf32>, vector<64x10xf32>, vector<128x10xf32> -> vector<128x10xf32>
      %get3A_45 = arith.constant 0 : index
      %get3A_46 = arith.constant 0 : index
      %get3A_47 = vector.load %arg7[%get3A_45, %get3A_46] : memref<1x10xf32, #tpu.memory_space<vmem>>, vector<1x10xf32>
      %add3A_48 = vector.broadcast %get3A_47 : vector<1x10xf32> to vector<128x10xf32>
      %add3A_49 = arith.addf %dot_general3A_44, %add3A_48 : vector<128x10xf32>
      %reduce_max3A = arith.constant dense<0xFF800000> : vector<128xf32>
      %reduce_max3A_50 = vector.multi_reduction <maximumf>, %add3A_49, %reduce_max3A [1] : vector<128x10xf32> to vector<128xf32>
      %broadcast_in_dim3A = vector.shape_cast %reduce_max3A_50 : vector<128xf32> to vector<128x1xf32>
      %sub3A = vector.broadcast %broadcast_in_dim3A : vector<128x1xf32> to vector<128x10xf32>
      %sub3A_51 = arith.subf %add3A_49, %sub3A : vector<128x10xf32>
      %exp3A = math.exp %sub3A_51 : vector<128x10xf32>
      %reduce_sum3A = arith.constant dense<0.000000e+00> : vector<128xf32>
      %reduce_sum3A_52 = vector.multi_reduction <add>, %exp3A, %reduce_sum3A [1] : vector<128x10xf32> to vector<128xf32>
      %broadcast_in_dim3A_53 = vector.shape_cast %reduce_sum3A_52 : vector<128xf32> to vector<128x1xf32>
      %log3A = math.log %broadcast_in_dim3A_53 : vector<128x1xf32>
      %add3A_54 = arith.addf %log3A, %broadcast_in_dim3A : vector<128x1xf32>
      %sub3A_55 = vector.broadcast %add3A_54 : vector<128x1xf32> to vector<128x10xf32>
      %sub3A_56 = arith.subf %add3A_49, %sub3A_55 : vector<128x10xf32>
      %swap3A_57 = arith.constant 0 : index
      %swap3A_58 = arith.constant 0 : index
      %swap3A_59 = vector.load %arg8[%swap3A_57, %swap3A_58] : memref<128x10xf32, #tpu.memory_space<vmem>>, vector<128x10xf32>
      tpu.vector_store %arg8[%swap3A_57, %swap3A_58], %sub3A_56 {strides = array<i32>} : memref<128x10xf32, #tpu.memory_space<vmem>>, vector<128x10xf32>,
    } else {
    }
    return
  }
  func.func @transform_0(%arg0: i32) -> (i32, i32) {
    %c0_i32 = arith.constant 0 : i32
    %c0_i32_0 = arith.constant 0 : i32
    return %arg0, %c0_i32 : i32, i32
  }
  func.func @transform_1(%arg0: i32) -> (i32, i32) {
    %c0_i32 = arith.constant 0 : i32
    %c0_i32_0 = arith.constant 0 : i32
    return %arg0, %c0_i32 : i32, i32
  }
  func.func @transform_2(%arg0: i32) -> (i32, i32) {
    %c0_i32 = arith.constant 0 : i32
    %c0_i32_0 = arith.constant 0 : i32
    return %arg0, %c0_i32 : i32, i32
  }
  func.func @transform_3(%arg0: i32) -> (i32, i32) {
    %c0_i32 = arith.constant 0 : i32
    %c0_i32_0 = arith.constant 0 : i32
    %c0_i32_1 = arith.constant 0 : i32
    return %c0_i32, %c0_i32_0 : i32, i32
  }
  func.func @transform_4(%arg0: i32) -> (i32, i32, i32) {
    %c0_i32 = arith.constant 0 : i32
    %c0_i32_0 = arith.constant 0 : i32
    %c0_i32_1 = arith.constant 0 : i32
    return %arg0, %c0_i32, %c0_i32_0 : i32, i32, i32
  }
  func.func @transform_5(%arg0: i32) -> (i32, i32) {
    %c0_i32 = arith.constant 0 : i32
    %c0_i32_0 = arith.constant 0 : i32
    %c0_i32_1 = arith.constant 0 : i32
    return %c0_i32, %c0_i32_0 : i32, i32
  }
  func.func @transform_6(%arg0: i32) -> (i32, i32) {
    %c0_i32 = arith.constant 0 : i32
    %c0_i32_0 = arith.constant 0 : i32
    %c0_i32_1 = arith.constant 0 : i32
    return %c0_i32, %c0_i32_0 : i32, i32
  }
  func.func @transform_7(%arg0: i32) -> (i32, i32) {
    %c0_i32 = arith.constant 0 : i32
    %c0_i32_0 = arith.constant 0 : i32
    %c0_i32_1 = arith.constant 0 : i32
    return %c0_i32, %c0_i32_0 : i32, i32
  }
}

</mosaic_0001>

<sc_bundles>
// kernel: kernel.12.cloned.1.call-start
scs
__scs_entry_jumppad:
0x0: {  	(pc) =	sbr.rel $0x88, $3  }
0x1: {  	(tag) =	ssettag $0x0;
	lr =	simm.s32 $0x1  }
0x2: {  	[smem:$0x3F98] =	sst lr;
	_ =	strace $0xD0000000  }
0x3: {  	_ = 	snop  }
0x4: {  	_ = 	snop  }
0x5: {  	_ = 	snop  }
0x6: {  	_ = 	snop  }
0x7: {  	_ = 	snop  }
__scs_overlays_trampoline_lowered:
0x8: {  	[smem:$0x3FA7] =	sst s0  }
0x9: {  	[smem:$0x3FA8] =	sst s1  }
0xa: {  	[smem:$0x3FA9] =	sst s2  }
0xb: {  	[smem:$0x3FAA] =	sst s3  }
0xc: {  	[smem:$0x3FAB] =	sst s4  }
0xd: {  	[smem:$0x3FAC] =	sst s5  }
0xe: {  	[smem:$0x3FAD] =	sst s6  }
0xf: {  	[smem:$0x3FAE] =	sst s7  }
0x10: {  	[smem:$0x3FAF] =	sst s8  }
0x11: {  	[smem:$0x3FB0] =	sst s9;
	s0 =	simm.s32 @!p0 $0x0  }
0x12: {  	s1 =	sld [smem:$0x3F96];
	s0 =	simm.s32 @p0 $0x1  }
0x13: {  	[smem:$0x3FB1] =	sst s0;
	s0 =	simm.s32 @!p1 $0x0  }
0x14: {  	s2 =	sld [smem:$0x3F95];
	s0 =	simm.s32 @p1 $0x1  }
0x15: {  	[smem:$0x3FB2] =	sst s0;
	s0 =	simm.s32 @!p2 $0x0  }
0x16: {  	s3 =	sld [smem:$0x3FDB];
	s0 =	simm.s32 @p2 $0x1  }
0x17: {  	s4 =	simm.s32 $0x1BF5;
	[smem:$0x3FB4] =	sst s0  }
0x18: {  	s0 =	sld [smem:$0x3F97];
	_ =	swait.ge [sflag:s4], $0x0  }
0x19: {  	s7 =	sld [smem:$0x3F98]  }
0x1a: {  	s8 =	sadd.s32 $0xFFFFE003, lr  }
0x1b: {  	s9 =	sadd.s32 $0xFFFFFEF7, lr;
	s5 =	simm.s32 $0xFFFFFFFF;
	p2 =	slt.u32 s8, $0xFFFFF086  }
0x1c: {  	p1 =	slt.u32 s9, $0xF7A;
	s5 =	simm.s32 @!p2 $0x0  }
0x1d: {  	s5 =	simm.s32 @p1 $0x1;
	p0 =	seq.s32 s7, s2  }
0x1e: {  	s7 =	smul.u32 @!p0 $0xF7A, s2;
	p2 =	seq.s32 @!p0 s5, $0x0  }
0x1f: {  	s9 =	smul.u32 $0xF7A, s1;
	s8 =	simm.s32 @!p0 $0x1BF5;
	p2 =	por !p2, p0  }
0x20: {  	[sflag:s8] =	ssyncset.s32 @!p0 $0xFFFFF086;
	s6 =	sadd.s32 @!p0 s3, s7;
	s7 =	simm.s32 @!p0 $0x108  }
0x21: {  	s3 =	sadd.s32 s3, s9;
	s6 =	sadd.s32 @!p0 $0x88, s6;
	s7 =	simm.s32 @p2 $0x1082  }
0x22: {  	[simem:s7], [sflag:s8] =	dma.local @!p0 [hbm:s6], $0xF7A  }
0x23: {  	s9 =	sor.u32 $0xD0000000, s2;
	s6 =	simm.s32 $0x108;
	_ =	swait.ge @!p0 [sflag:s8], $0x0  }
0x24: {  	s3 =	sadd.s32 $0x88, s3;
	s6 =	simm.s32 @!p1 $0x1082;
	[sflag:s4] =	ssyncset.s32 $0xFFFFF086  }
0x25: {  	[simem:s6], [sflag:s4] =	dma.local [hbm:s3], $0xF7A  }
0x26: {  	[smem:$0x3F98] =	sst s1;
	(tag) =	ssettag s2;
	_ =	strace s9  }
0x27: {  	s1 =	sld [smem:$0x3FA8]  }
0x28: {  	s2 =	sld [smem:$0x3FA9]  }
0x29: {  	s4 =	sld [smem:$0x3FAB]  }
0x2a: {  	p0 =	seq.s32 s5, $0x0;
	s5 =	sld [smem:$0x3FAC]  }
0x2b: {  	s6 =	sld [smem:$0x3FAD]  }
0x2c: {  	s7 =	sld [smem:$0x3FAE]  }
0x2d: {  	s3 =	simm.s32 $0x108;
	s8 =	sld [smem:$0x3FAF]  }
0x2e: {  	s3 =	simm.s32 @!p0 $0x1082;
	s9 =	sld [smem:$0x3FB0]  }
0x2f: {  	lr =	sadd.s32 s0, s3;
	s0 =	sld [smem:$0x3FA7]  }
0x30: {  	s3 =	sld [smem:$0x3FAA]  }
0x31: {  	[smem:$0x3FB3] =	sst s10  }
0x32: {  	s10 =	sld [smem:$0x3FB1];
	_ =	sdelay $0x3  }
0x33: {  	p0 =	seq.s32 s10, $0x1;
	s10 =	sld [smem:$0x3FB3];
	_ =	sdelay $0x3  }
0x34: {  	[smem:$0x3FB3] =	sst s10  }
0x35: {  	s10 =	sld [smem:$0x3FB2];
	_ =	sdelay $0x3  }
0x36: {  	p1 =	seq.s32 s10, $0x1;
	s10 =	sld [smem:$0x3FB3];
	_ =	sdelay $0x3  }
0x37: {  	[smem:$0x3FB3] =	sst s10  }
0x38: {  	s10 =	sld [smem:$0x3FB4]  }
0x39: {  	_ = 	snop;
	(pc) =	sbr.ind lr, $3  }
0x3a: {  	_ = 	snop  }
0x3b: {  	_ = 	snop  }
0x3c: {  	p2 =	seq.s32 s10, $0x1;
	s10 =	sld [smem:$0x3FB3]  }
0x3d: {  	_ =	shalt  }
0x3e: {  	_ =	shalt  }
0x3f: {  	_ =	shalt  }
0x40: {  	_ =	shalt  }
0x41: {  	_ =	shalt  }
0x42: {  	_ =	shalt  }
0x43: {  	_ =	shalt  }
0x44: {  	_ =	shalt  }
0x45: {  	_ =	shalt  }
0x46: {  	_ =	shalt  }
0x47: {  	_ =	shalt  }
0x48: {  	_ =	shalt  }
0x49: {  	_ =	shalt  }
0x4a: {  	_ =	shalt  }
0x4b: {  	_ =	shalt  }
0x4c: {  	_ =	shalt  }
0x4d: {  	_ =	shalt  }
0x4e: {  	_ =	shalt  }
0x4f: {  	_ =	shalt  }
0x50: {  	_ =	shalt  }
0x51: {  	_ =	shalt  }
0x52: {  	_ =	shalt  }
0x53: {  	_ =	shalt  }
0x54: {  	_ =	shalt  }
0x55: {  	_ =	shalt  }
0x56: {  	_ =	shalt  }
0x57: {  	_ =	shalt  }
0x58: {  	_ =	shalt  }
0x59: {  	_ =	shalt  }
0x5a: {  	_ =	shalt  }
0x5b: {  	_ =	shalt  }
0x5c: {  	_ =	shalt  }
0x5d: {  	_ =	shalt  }
0x5e: {  	_ =	shalt  }
0x5f: {  	_ =	shalt  }
0x60: {  	_ =	shalt  }
0x61: {  	_ =	shalt  }
0x62: {  	_ =	shalt  }
0x63: {  	_ =	shalt  }
0x64: {  	_ =	shalt  }
0x65: {  	_ =	shalt  }
0x66: {  	_ =	shalt  }
0x67: {  	_ =	shalt  }
0x68: {  	_ =	shalt  }
0x69: {  	_ =	shalt  }
0x6a: {  	_ =	shalt  }
0x6b: {  	_ =	shalt  }
0x6c: {  	_ =	shalt  }
0x6d: {  	_ =	shalt  }
0x6e: {  	_ =	shalt  }
0x6f: {  	_ =	shalt  }
0x70: {  	_ =	shalt  }
0x71: {  	_ =	shalt  }
0x72: {  	_ =	shalt  }
0x73: {  	_ =	shalt  }
0x74: {  	_ =	shalt  }
0x75: {  	_ =	shalt  }
0x76: {  	_ =	shalt  }
0x77: {  	_ =	shalt  }
0x78: {  	_ =	shalt  }
0x79: {  	_ =	shalt  }
0x7a: {  	_ =	shalt  }
0x7b: {  	_ =	shalt  }
0x7c: {  	_ =	shalt  }
0x7d: {  	_ =	shalt  }
0x7e: {  	_ =	shalt  }
0x7f: {  	_ =	shalt  }
0x80: {  	_ =	shalt  }
0x81: {  	_ =	shalt  }
0x82: {  	_ =	shalt  }
0x83: {  	_ =	shalt  }
0x84: {  	_ =	shalt  }
0x85: {  	_ =	shalt  }
0x86: {  	_ =	shalt  }
0x87: {  	_ =	shalt  }
.Lfunc_end0:
.L_simem_size_0:
called_computation.1_lowered:
.L_overlay_start_0:
0x88: {  	s2 =	sld [smem:$0x3FD9]  }
0x89: {  	s3 =	sld [smem:$0x3FFE];
	_ =	sdelay $0x1  }
0x8a: {  	s1 =	srdreg.scid  }
0x8b: {  	s0 =	sand.u32 $0x1, s1  }
0x8c: {  	s16 =	sshll.u32 s0, $0xA;
	s2 =	sadd.s32 s3, s2  }
0x8d: {  	s2 =	sadd.s32 s2, s16  }
0x8e: {  	[smem:$0x3FBF] =	sst s2  }
0x8f: {  	_ = 	snop  }
0x90: {  	(tm) =	ssettm $0x1  }
0x91: {  	s17 =	sld [smem:$0x3FFB];
	_ =	sdelay $0x3  }
0x92: {  	_ =	strace s17  }
0x93: {  	s2 =	sld [smem:$0x3FFC];
	_ =	sdelay $0x3  }
0x94: {  	_ =	strace s2  }
0x95: {  	s2 =	sld [smem:$0x3FFD];
	_ =	sdelay $0x3  }
0x96: {  	_ =	strace s2  }
0x97: {  	_ =	strace $0x8FFFFFFF  }
0x98: {  	s18 =	sld [smem:$0x3FDB];
	_ =	sdelay $0x1  }
0x99: {  	s19 =	simm.s32 $_scs_section_size  }
0x9a: {  	s4 =	simm.s32 $_size__tile_overlayer_lowered;
	s5 =	simm.s32 $_tile_overlayer_lowered  }
0x9b: {  	s22 =	simm.s32 $0x1BFF;
	s21 =	sshll.u32 s5, $0x1;
	s2 =	sadd.s32 s19, s18  }
0x9c: {  	s6 =	simm.s32 $0x0;
	s20 =	sshll.u32 s4, $0x1;
	s4 =	sadd.s32 s21, s2  }
0x9d: {  	[timem:s6], [sflag:s22] =	dma.local [hbm:s4], s20  }
0x9e: {  	_ =	swait.ge [sflag:s22], s20  }
0x9f: {  	s3 =	ssub.s32 $0x0, s20;
	[sflag:s22] =	ssyncset.done $0x0  }
0xa0: {  	[sflag:s22] =	ssyncadd.s32 s3;
	_ =	sdelay $0x1  }
0xa1: {  	s23 =	simm.s32 $0x1B8B  }
0xa2: {  	_ =	swait.ge [sflag:s23], $0x1  }
0xa3: {  	[sflag:s23] =	ssyncset.done $0x0  }
0xa4: {  	s25 =	simm.s32 $0x1B8E;
	s24 =	sld [smem:$0x3FFE];
	[sflag:s23] =	ssyncadd.s32 $0xFFFFFFFF  }
0xa5: {  	s26 =	simm.s32 $execute0_lowered;
	[smem:$0x3FD2] =	sst s25  }
0xa6: {  	s4 =	sshll.u32 s26, $0x1;
	_ =	strace $0x80000049;
	[dreg:$0x1] =	wrdreg $0xFFFFFFFF  }
0xa7: {  	s28 =	simm.s32 $_size_execute0_lowered;
	s2 =	sadd.s32 s2, s4;
	[dreg:$0x0] =	wrdreg $0x0  }
0xa8: {  	s4 =	sshll.u32 s28, $0x1;
	[dreg:$0x2] =	wrdreg s2  }
0xa9: {  	[dreg:$0x3] =	wrdreg s4  }
0xaa: {  	[dreg:$0x4] =	wrdreg $0xC0  }
0xab: {  	_ =	task [dreg:s6], $0x5FFFF  }
0xac: {  	[dreg:$0x1] =	wrdreg $0xFFFFFFFF  }
0xad: {  	[dreg:$0x0] =	wrdreg $0x60  }
0xae: {  	[dreg:$0x2] =	wrdreg s24  }
0xaf: {  	[dreg:$0x3] =	wrdreg $0x100400  }
0xb0: {  	[dreg:$0x4] =	wrdreg $0x14E600  }
0xb1: {  	[dreg:$0x5] =	wrdreg $0x9  }
0xb2: {  	_ =	task.clear_ibuf [dreg:s6], $0x6FFFF;
	_ =	strace $0x90000049  }
0xb3: {  	s29 =	simm.s32 $0x9;
	_ =	strace $0x8000004B  }
0xb4: {  	_ =	swait.ge [sflag:s29], $0x1  }
0xb5: {  	[sflag:s29] =	ssyncadd.s32 $0xFFFFFFFF  }
0xb6: {  	_ =	strace $0x9000004B  }
0xb7: {  	_ =	sfence  }
0xb8: {  	s30 =	sld [smem:$0x0];
	_ =	sdelay $0x2  }
0xb9: {  	s31 =	sshll.u32 s1, $0xD;
	s1 =	sshrl.u32 s1, $0x2  }
0xba: {  	s3 =	sand.u32 $0x4000, s31;
	s1 =	sadd.s32 s1, s30  }
0xbb: {  	s0 =	sor.u32 s3, s0;
	s1 =	sshll.u32 s1, $0x11  }
0xbc: {  	s0 =	sor.u32 s1, s0  }
0xbd: {  	s0 =	sadd.s32 $0x8F2B, s0  }
0xbe: {  	[sflag:s0] =	ssyncadd.remote.s32 $0x1  }
0xbf: {  	_ =	sfence.sel $0xFFFF  }
0xc0: {  	[dreg:$0x0] =	wrdreg $0xFFFFFFFF;
	(pc) =	sbr.abs _section_cstart, $3  }
0xc1: {  	[dreg:$0x1] =	wrdreg $0xFFFFFFFF  }
0xc2: {  	_ =	task.clear_ibuf [dreg:s6], $0x2FFFF;
	_ =	strace $0x9FFFFFFF  }
0xc3: {  	(tm) =	ssettm $0x7FFFFFFF  }
tec
execute0_lowered:
.L_overlay_start_1:
0x0: {  	(tag) =	ssettag $0x1  }
0x1: {  	s0 =	rddreg [dreg:$0x0]  }
0x2: {  	s2 =	rddreg [dreg:$0x1]  }
0x3: {  	s3 =	rddreg [dreg:$0x2];
	s8 =	stileid.u32;
	s5 =	simm.s32 $0x0  }
0x4: {  	s4 =	srdreg.scid;
	s14 =	simm.s32 $0x1;
	s12 =	simm.s32 $0x10  }
0x5: {  	s16 =	simm.s32 $0x9C40;
	s17 =	simm.s32 $0xA640;
	s18 =	simm.s32 $0xB040  }
0x6: {  	s28 =	simm.s32 $0xCE40;
	s20 =	simm.s32 $0xE240;
	s19 =	simm.s32 $0x5  }
0x7: {  	s11 =	simm.s32 $0x0;
	s15 =	simm.s32 $0xF640;
	s1 =	smul.u32 $0x9C4, s8  }
0x8: {  	[smem:$0x7FF] =	sst s5;
	s21 =	smul.u32 $0x13880, s8;
	s4 =	sand.u32 $0x1, s4  }
0x9: {  	s22 =	smul.u32 $0x4E20, s8;
	s8 =	sshll.u32 s8, $0x6;
	_ =	strace $0x8000004A  }
0xa: {  	s6 =	sshll.u32 s4, $0x5;
	s4 =	ssub.s32 $0x2, s4;
	s25 =	sor.u32 $0x1C01, s8  }
0xb: {  	[dreg:$0x4] =	wrdreg s8;
	s31 =	sor.u32 $0x1C02, s8;
	s8 =	simm.s32 $0x9  }
0xc: {  	s1 =	sadd.s32 s1, s0;
	s7 =	sshrl.u32 s21, $0x3;
	s5 =	sor.u32 s6, s21  }
0xd: {  	s23 =	sshrl.u32 s4, $0x1;
	s24 =	sadd.s32 s22, s2;
	[dreg:$0x6] =	wrdreg s25  }
0xe: {  	s6 =	sadd.s32 s22, s3;
	[dreg:$0xd] =	wrdreg s31;
	s25 =	simm.s32 $0xBA40  }
0xf: {  	s21 =	simm.s32 $0xEC40;
	s5 =	sshrl.u32 s5, $0x3;
	s7 =	sadd.s32 s7, s0  }
0x10: {  	s4 =	ssub.s32 s4, s23;
	s26 =	sadd.s32 $0x2A00, s1;
	s1 =	sadd.s32 $0xC800, s1  }
0x11: {  	s30 =	sshrl.u32 s24, $0x3;
	s24 =	simm.s32 $0x4;
	[dreg:$0x8] =	wrdreg s26  }
0x12: {  	s13 =	sshrl.u32 s6, $0x3;
	s6 =	simm.s32 $0x7;
	[dreg:$0x9] =	wrdreg s1  }
0x13: {  	s0 =	sadd.s32 s5, s0;
	s7 =	sadd.s32 $0x16600, s7;
	[dreg:$0xc] =	wrdreg s30  }
.Ltmp0:
0x14: {  	s29 =	smax.u32 s4, $0x1;
	[dreg:$0xe] =	wrdreg s13;
	(pc) =	sbr.rel .LBB2_1-.Ltmp0, $4  }
0x15: {  	s26 =	simm.s32 $0xC440;
	s1 =	simm.s32 $0xD840;
	[dreg:$0x7] =	wrdreg s7  }
0x16: {  	s4 =	simm.s32 $0x6;
	s9 =	sadd.s32 $0x3D800, s0;
	[dreg:$0xb] =	wrdreg s29  }
0x17: {  	s0 =	sadd.s32 $0x64A00, s0;
	s7 =	simm.s32 $0x8;
	[dreg:$0x5] =	wrdreg s9  }
0x18: {  	[dreg:$0xa] =	wrdreg s0;
	s0 =	simm.s32 $0x50;
	s9 =	simm.s32 $0xA  }
.LBB2_6:
0x19: {  	s5 =	simm.s32 $0xB  }
0x1a: {  	_ =	swait.ge [sflag:s5], $0xA00  }
0x1b: {  	[sflag:s5] =	ssyncset.done $0x0  }
0x1c: {  	s31 =	simm.s32 $0xC;
	[sflag:s5] =	ssyncadd.s32 $0xFFFFF600  }
0x1d: {  	_ =	swait.ge [sflag:s31], $0xA00  }
0x1e: {  	[sflag:s31] =	ssyncset.done $0x0  }
0x1f: {  	s10 =	simm.s32 $0xD;
	[sflag:s31] =	ssyncadd.s32 $0xFFFFF600  }
0x20: {  	_ =	swait.ge [sflag:s10], $0xA00  }
0x21: {  	[sflag:s10] =	ssyncset.done $0x0  }
0x22: {  	s11 =	simm.s32 $0xE;
	[sflag:s10] =	ssyncadd.s32 $0xFFFFF600  }
0x23: {  	_ =	swait.ge [sflag:s11], $0xA00  }
0x24: {  	[sflag:s11] =	ssyncset.done $0x0  }
0x25: {  	s12 =	simm.s32 $0xF;
	[sflag:s11] =	ssyncadd.s32 $0xFFFFF600  }
0x26: {  	_ =	swait.ge [sflag:s12], $0xA00  }
0x27: {  	[sflag:s12] =	ssyncset.done $0x0  }
0x28: {  	[sflag:s12] =	ssyncadd.s32 $0xFFFFF600;
	s12 =	simm.s32 $0x10  }
0x29: {  	_ =	swait.ge [sflag:s12], $0xA00  }
0x2a: {  	[sflag:s12] =	ssyncset.done $0x0  }
0x2b: {  	s13 =	simm.s32 $0x11;
	[sflag:s12] =	ssyncadd.s32 $0xFFFFF600  }
0x2c: {  	_ =	swait.ge [sflag:s13], $0xA00  }
0x2d: {  	[sflag:s13] =	ssyncset.done $0x0  }
0x2e: {  	s14 =	simm.s32 $0x12;
	[sflag:s13] =	ssyncadd.s32 $0xFFFFF600  }
0x2f: {  	_ =	swait.ge [sflag:s14], $0xA00  }
0x30: {  	[sflag:s14] =	ssyncset.done $0x0  }
0x31: {  	s22 =	simm.s32 $0x13;
	[sflag:s14] =	ssyncadd.s32 $0xFFFFF600  }
0x32: {  	_ =	swait.ge [sflag:s22], $0xA00  }
0x33: {  	[sflag:s22] =	ssyncset.done $0x0  }
0x34: {  	s23 =	simm.s32 $0x14;
	[sflag:s22] =	ssyncadd.s32 $0xFFFFF600  }
0x35: {  	_ =	swait.ge [sflag:s23], $0xA00  }
0x36: {  	[sflag:s23] =	ssyncset.done $0x0  }
0x37: {  	[sflag:s23] =	ssyncadd.s32 $0xFFFFF600  }
0x38: {  	[bflag:$0x0] =	sbarrier.arrive $0xFFFF  }
0x39: {  	s29 =	rddreg [dreg:$0x4]  }
0x3a: {  	s30 =	simm.s32 $0x15;
	s10 =	rddreg [dreg:$0xa]  }
0x3b: {  	s14 =	simm.s32 $0x1;
	s13 =	rddreg [dreg:$0xe];
	s5 =	sor.u32 $0x1C15, s29  }
0x3c: {  	[hbm:s10@s12], [sflag:s5] =	dma.strided [spmem:s13@s24], $0x9C4, s14, $0x4   }
0x3d: {  	_ =	swait.ge [sflag:s30], $0x9C4  }
0x3e: {  	s11 =	rddreg [dreg:$0xf]  }
0x3f: {  	s31 =	rddreg [dreg:$0xb];
	s11 =	sadd.s32 $0x1, s11  }
0x40: {  	p0 =	sne.s32 s11, s31  }
.Ltmp1:
0x41: {  	_ = 	snop;
	(pc) =	sbr.rel @!p0 .LBB2_7-.Ltmp1, $3  }
0x42: {  	_ =	sdelay $0x1  }
0x43: {  	[sflag:s30] =	ssyncset.done $0x0  }
0x44: {  	[sflag:s30] =	ssyncadd.s32 $0xFFFFF63C  }
.LBB2_1:
0x45: {  	[dreg:$0xf] =	wrdreg s11  }
0x46: {  	s5 =	rddreg [dreg:$0x5]  }
0x47: {  	s10 =	rddreg [dreg:$0x6]  }
0x48: {  	s31 =	rddreg [dreg:$0xc]  }
0x49: {  	[spmem:s31@s24], [sflag:s10] =	dma.strided [hbm:s5@s12], $0x9C4, s14, $0x4   }
0x4a: {  	s5 =	rddreg [dreg:$0x7]  }
0x4b: {  	s10 =	rddreg [dreg:$0xd]  }
0x4c: {  	[spmem:s13@s24], [sflag:s10] =	dma.strided [hbm:s5@s12], $0x9C4, s14, $0x4   }
0x4d: {  	s22 =	simm.s32 $0x0;
	s10 =	rddreg [dreg:$0x8]  }
0x4e: {  	[tilespmem:s22], [sflag:$0x3] =	stream.linear.gather [hbm4b:s10+s22], $0x4E20, $0x38;
	[tilespmem:$0x19C80] =	vst v63  }
0x4f: {  	s29 =	simm.s32 $0x4E20;
	s23 =	rddreg [dreg:$0x9]  }
0x50: {  	[tilespmem:s29], [sflag:$0x4] =	stream.linear.gather [hbm4b:s23+s22], $0x4E20, $0x38;
	[tilespmem:$0x19C80] =	vst v63  }
0x51: {  	_ =	swait.ge [sflag:s14], $0x9C4  }
0x52: {  	[sflag:s14] =	ssyncset.done $0x0  }
0x53: {  	s30 =	simm.s32 $0x2;
	[sflag:s14] =	ssyncadd.s32 $0xFFFFF63C  }
0x54: {  	_ =	swait.ge [sflag:s30], $0x9C4  }
0x55: {  	[sflag:s30] =	ssyncset.done $0x0  }
0x56: {  	s31 =	simm.s32 $0x3;
	[sflag:s30] =	ssyncadd.s32 $0xFFFFF63C  }
0x57: {  	_ =	swait.ge [sflag:s31], $0x4E20  }
0x58: {  	[sflag:s31] =	ssyncset.done $0x0  }
0x59: {  	[sflag:s31] =	ssyncadd.s32 $0xFFFFB1E0  }
.Ltmp2:
0x5a: {  	_ =	swait.ge [sflag:s24], $0x4E20;
	(pc) =	sbr.rel .LBB2_2-.Ltmp2, $4  }
0x5b: {  	[sflag:s24] =	ssyncset.done $0x0  }
0x5c: {  	[sflag:s24] =	ssyncadd.s32 $0xFFFFB1E0  }
0x5d: {  	[bflag:$0x0] =	sbarrier.arrive $0xFFFF  }
0x5e: {  	s11 =	simm.s32 $0x280;
	s12 =	simm.s32 $0x280  }
.LBB2_4:
0x5f: {  	s5 =	simm.s32 $0xB  }
0x60: {  	_ =	swait.ge [sflag:s5], $0xA00  }
0x61: {  	[sflag:s5] =	ssyncset.done $0x0  }
0x62: {  	s13 =	sadd.s32 $0xFFFFFD80, s12;
	s14 =	simm.s32 $0xC;
	[sflag:s5] =	ssyncadd.s32 $0xFFFFF600  }
0x63: {  	[tilespmem:s16], [sflag:$0x1] =	stream.indirect.gather [spmem:s2], $0x20, s13, s0, $0xb8;
	[tilespmem:$0x19C80] =	vst v63  }
0x64: {  	_ =	swait.ge [sflag:s14], $0xA00  }
0x65: {  	[sflag:s14] =	ssyncset.done $0x0  }
0x66: {  	s22 =	simm.s32 $0xD;
	s16 =	sadd.s32 $0xFFFFFDD0, s12;
	[sflag:s14] =	ssyncadd.s32 $0xFFFFF600  }
0x67: {  	[tilespmem:s17], [sflag:$0x2] =	stream.indirect.gather [spmem:s2], $0x20, s16, s0, $0xb8;
	[tilespmem:$0x19C80] =	vst v63  }
0x68: {  	_ =	swait.ge [sflag:s22], $0xA00  }
0x69: {  	[sflag:s22] =	ssyncset.done $0x0  }
0x6a: {  	s23 =	sadd.s32 $0xFFFFFE20, s12;
	s24 =	simm.s32 $0xE;
	[sflag:s22] =	ssyncadd.s32 $0xFFFFF600  }
0x6b: {  	[tilespmem:s18], [sflag:$0x3] =	stream.indirect.gather [spmem:s2], $0x20, s23, s0, $0xb8;
	[tilespmem:$0x19C80] =	vst v63  }
0x6c: {  	_ =	swait.ge [sflag:s24], $0xA00  }
0x6d: {  	[sflag:s24] =	ssyncset.done $0x0  }
0x6e: {  	s10 =	sadd.s32 $0xFFFFFE70, s12;
	s13 =	simm.s32 $0xF;
	[sflag:s24] =	ssyncadd.s32 $0xFFFFF600  }
0x6f: {  	[tilespmem:s25], [sflag:$0x4] =	stream.indirect.gather [spmem:s2], $0x20, s10, s0, $0xb8;
	[tilespmem:$0x19C80] =	vst v63  }
0x70: {  	_ =	swait.ge [sflag:s13], $0xA00  }
0x71: {  	[sflag:s13] =	ssyncset.done $0x0  }
0x72: {  	s14 =	sadd.s32 $0xFFFFFEC0, s12;
	s16 =	simm.s32 $0x10;
	[sflag:s13] =	ssyncadd.s32 $0xFFFFF600  }
0x73: {  	[tilespmem:s26], [sflag:$0x5] =	stream.indirect.gather [spmem:s2], $0x20, s14, s0, $0xb8;
	[tilespmem:$0x19C80] =	vst v63  }
0x74: {  	_ =	swait.ge [sflag:s16], $0xA00  }
0x75: {  	[sflag:s16] =	ssyncset.done $0x0  }
0x76: {  	s17 =	sadd.s32 $0xFFFFFF10, s12;
	s18 =	simm.s32 $0x11;
	[sflag:s16] =	ssyncadd.s32 $0xFFFFF600  }
0x77: {  	[tilespmem:s28], [sflag:$0x6] =	stream.indirect.gather [spmem:s2], $0x20, s17, s0, $0xb8;
	[tilespmem:$0x19C80] =	vst v63  }
0x78: {  	s31 =	simm.s32 $0xC440;
	_ =	swait.ge [sflag:s18], $0xA00  }
0x79: {  	s29 =	simm.s32 $0xB040;
	s30 =	simm.s32 $0xBA40;
	[sflag:s18] =	ssyncset.done $0x0  }
0x7a: {  	s22 =	sadd.s32 $0xFFFFFF60, s12;
	s23 =	simm.s32 $0x12;
	[sflag:s18] =	ssyncadd.s32 $0xFFFFF600  }
0x7b: {  	[tilespmem:s1], [sflag:$0x7] =	stream.indirect.gather [spmem:s2], $0x20, s22, s0, $0xb8;
	[tilespmem:$0x19C80] =	vst v63  }
0x7c: {  	s5 =	sadd.s32 $0xFFFFFFB0, s11;
	s24 =	sadd.s32 $0xFFFFFFB0, s12;
	_ =	swait.ge [sflag:s23], $0xA00  }
0x7d: {  	s25 =	simm.s32 $0x13;
	s10 =	sadd.s32 $0xFFFFFEC0, s11;
	[sflag:s23] =	ssyncset.done $0x0  }
0x7e: {  	s13 =	sadd.s32 $0xFFFFFD80, s11;
	s26 =	simm.s32 $0x14;
	[sflag:s23] =	ssyncadd.s32 $0xFFFFF600  }
0x7f: {  	[tilespmem:s20], [sflag:$0x8] =	stream.indirect.gather [spmem:s2], $0x20, s24, s0, $0xb8;
	[tilespmem:$0x19C80] =	vst v63  }
0x80: {  	s14 =	simm.s32 $0xEC40;
	s16 =	sadd.s32 $0xFFFFFF10, s11;
	_ =	swait.ge [sflag:s25], $0xA00  }
0x81: {  	s17 =	smov.u32 s11;
	s28 =	simm.s32 $0xA640;
	[sflag:s25] =	ssyncset.done $0x0  }
0x82: {  	s18 =	sadd.s32 $0xFFFFFF60, s11;
	s22 =	sadd.s32 $0xFFFFFDD0, s11;
	[sflag:s25] =	ssyncadd.s32 $0xFFFFF600  }
0x83: {  	[tilespmem:s21], [sflag:$0x9] =	stream.indirect.gather [spmem:s2], $0x20, s12, s0, $0xb8;
	[tilespmem:$0x19C80] =	vst v63  }
0x84: {  	s1 =	simm.s32 $0xCE40;
	s23 =	sadd.s32 $0xFFFFFE70, s11;
	_ =	swait.ge [sflag:s26], $0xA00  }
0x85: {  	s24 =	sadd.s32 $0xFFFFFE20, s11;
	s20 =	simm.s32 $0xD840;
	[sflag:s26] =	ssyncset.done $0x0  }
0x86: {  	s21 =	simm.s32 $0xE240;
	[sflag:s26] =	ssyncadd.s32 $0xFFFFF600;
	s26 =	simm.s32 $0x9C40  }
.LBB2_5:
0x87: {  	s25 =	sadd.s32 $0x2D0, s13  }
0x88: {  	[tilespmem:s15], [sflag:$0xA] =	stream.indirect.gather [spmem:s2], $0x20, s25, s0, $0xb8;
	[tilespmem:$0x19C80] =	vst v63  }
0x89: {  	s25 =	simm.s32 $0x1  }
0x8a: {  	_ =	swait.ge [sflag:s25], $0xA00  }
0x8b: {  	[sflag:s25] =	ssyncset.done $0x0  }
0x8c: {  	[sflag:s25] =	ssyncadd.s32 $0xFFFFF600;
	s25 =	sadd.s32 $0x4E20, s13  }
0x8d: {  	[spmem:s3] =	stream.indirect.scatter.add.f32 [tilespmem:s26], [sflag:$0xB], $0x20, s25, s0, $0xb8;
	[tilespmem:$0x19C80] =	vst v63  }
0x8e: {  	s26 =	simm.s32 $0x2  }
0x8f: {  	_ =	swait.ge [sflag:s26], $0xA00  }
0x90: {  	[sflag:s26] =	ssyncset.done $0x0  }
0x91: {  	s22 =	sadd.s32 $0x4E20, s22;
	[sflag:s26] =	ssyncadd.s32 $0xFFFFF600;
	s26 =	simm.s32 $0x3  }
0x92: {  	[spmem:s3] =	stream.indirect.scatter.add.f32 [tilespmem:s28], [sflag:$0xC], $0x20, s22, s0, $0xb8;
	[tilespmem:$0x19C80] =	vst v63  }
0x93: {  	_ =	swait.ge [sflag:s26], $0xA00  }
0x94: {  	[sflag:s26] =	ssyncset.done $0x0  }
0x95: {  	s24 =	sadd.s32 $0x4E20, s24;
	[sflag:s26] =	ssyncadd.s32 $0xFFFFF600  }
0x96: {  	[spmem:s3] =	stream.indirect.scatter.add.f32 [tilespmem:s29], [sflag:$0xD], $0x20, s24, s0, $0xb8;
	[tilespmem:$0x19C80] =	vst v63  }
0x97: {  	s24 =	simm.s32 $0x4  }
0x98: {  	_ =	swait.ge [sflag:s24], $0xA00  }
0x99: {  	[sflag:s24] =	ssyncset.done $0x0  }
0x9a: {  	s25 =	sadd.s32 $0x4E20, s23;
	[sflag:s24] =	ssyncadd.s32 $0xFFFFF600  }
0x9b: {  	[spmem:s3] =	stream.indirect.scatter.add.f32 [tilespmem:s30], [sflag:$0xE], $0x20, s25, s0, $0xb8;
	[tilespmem:$0x19C80] =	vst v63  }
0x9c: {  	_ =	swait.ge [sflag:s19], $0xA00  }
0x9d: {  	[sflag:s19] =	ssyncset.done $0x0  }
0x9e: {  	s10 =	sadd.s32 $0x4E20, s10;
	[sflag:s19] =	ssyncadd.s32 $0xFFFFF600  }
0x9f: {  	[spmem:s3] =	stream.indirect.scatter.add.f32 [tilespmem:s31], [sflag:$0xF], $0x20, s10, s0, $0xb8;
	[tilespmem:$0x19C80] =	vst v63  }
0xa0: {  	_ =	swait.ge [sflag:s4], $0xA00  }
0xa1: {  	[sflag:s4] =	ssyncset.done $0x0  }
0xa2: {  	s26 =	sadd.s32 $0x4E20, s16;
	[sflag:s4] =	ssyncadd.s32 $0xFFFFF600  }
0xa3: {  	[spmem:s3] =	stream.indirect.scatter.add.f32 [tilespmem:s1], [sflag:$0x10], $0x20, s26, s0, $0xb8;
	[tilespmem:$0x19C80] =	vst v63  }
0xa4: {  	_ =	swait.ge [sflag:s6], $0xA00  }
0xa5: {  	[sflag:s6] =	ssyncset.done $0x0  }
0xa6: {  	s29 =	sadd.s32 $0x4E20, s18;
	[sflag:s6] =	ssyncadd.s32 $0xFFFFF600  }
0xa7: {  	[spmem:s3] =	stream.indirect.scatter.add.f32 [tilespmem:s20], [sflag:$0x11], $0x20, s29, s0, $0xb8;
	[tilespmem:$0x19C80] =	vst v63  }
0xa8: {  	_ =	swait.ge [sflag:s7], $0xA00  }
0xa9: {  	[sflag:s7] =	ssyncset.done $0x0  }
0xaa: {  	s5 =	sadd.s32 $0x4E20, s5;
	[sflag:s7] =	ssyncadd.s32 $0xFFFFF600  }
0xab: {  	[spmem:s3] =	stream.indirect.scatter.add.f32 [tilespmem:s21], [sflag:$0x12], $0x20, s5, s0, $0xb8;
	[tilespmem:$0x19C80] =	vst v63  }
0xac: {  	s11 =	sadd.s32 $0x320, s11;
	s12 =	sadd.s32 $0x320, s12;
	_ =	swait.ge [sflag:s8], $0xA00  }
0xad: {  	p0 =	sne.s32 s11, $0x50A0;
	s28 =	simm.s32 $0xCE40;
	[sflag:s8] =	ssyncset.done $0x0  }
0xae: {  	s16 =	simm.s32 $0x9C40;
	s30 =	sadd.s32 $0x4E20, s17;
	[sflag:s8] =	ssyncadd.s32 $0xFFFFF600  }
0xaf: {  	[spmem:s3] =	stream.indirect.scatter.add.f32 [tilespmem:s14], [sflag:$0x13], $0x20, s30, s0, $0xb8;
	[tilespmem:$0x19C80] =	vst v63  }
.Ltmp3:
0xb0: {  	s18 =	simm.s32 $0xB040;
	s17 =	simm.s32 $0xA640;
	(pc) =	sbr.rel @!p0 .LBB2_6-.Ltmp3, $4  }
0xb1: {  	s25 =	simm.s32 $0xBA40;
	s31 =	sadd.s32 $0x50F0, s13;
	_ =	swait.ge [sflag:s9], $0xA00  }
0xb2: {  	s26 =	simm.s32 $0xC440;
	s1 =	simm.s32 $0xD840;
	[sflag:s9] =	ssyncset.done $0x0  }
0xb3: {  	s20 =	simm.s32 $0xE240;
	s21 =	simm.s32 $0xEC40;
	[sflag:s9] =	ssyncadd.s32 $0xFFFFF600  }
0xb4: {  	[spmem:s3] =	stream.indirect.scatter.add.f32 [tilespmem:s15], [sflag:$0x14], $0x20, s31, s0, $0xb8;
	[tilespmem:$0x19C80] =	vst v63  }
.LBB2_2:
0xb5: {  	p0 =	sne.s32 s11, $0x280  }
.Ltmp4:
0xb6: {  	_ = 	snop;
	(pc) =	sbr.rel @p0 .LBB2_4-.Ltmp4, $1  }
0xb7: {  	_ =	sdelay $0x3  }
0xb8: {  	s22 =	simm.s32 $0x50;
	s13 =	simm.s32 $0x0  }
0xb9: {  	[tilespmem:s16], [sflag:$0x1] =	stream.indirect.gather [spmem:s2], $0x20, s13, s22, $0xb8;
	[tilespmem:$0x19C80] =	vst v63  }
0xba: {  	_ = 	snop  }
0xbb: {  	[tilespmem:s17], [sflag:$0x2] =	stream.indirect.gather [spmem:s2], $0x20, s22, s22, $0xb8;
	[tilespmem:$0x19C80] =	vst v63  }
0xbc: {  	s24 =	simm.s32 $0xA0  }
0xbd: {  	[tilespmem:s18], [sflag:$0x3] =	stream.indirect.gather [spmem:s2], $0x20, s24, s22, $0xb8;
	[tilespmem:$0x19C80] =	vst v63  }
0xbe: {  	s23 =	simm.s32 $0xF0  }
0xbf: {  	[tilespmem:s25], [sflag:$0x4] =	stream.indirect.gather [spmem:s2], $0x20, s23, s22, $0xb8;
	[tilespmem:$0x19C80] =	vst v63  }
0xc0: {  	s10 =	simm.s32 $0x140  }
0xc1: {  	[tilespmem:s26], [sflag:$0x5] =	stream.indirect.gather [spmem:s2], $0x20, s10, s22, $0xb8;
	[tilespmem:$0x19C80] =	vst v63  }
0xc2: {  	s5 =	simm.s32 $0x230;
	s16 =	simm.s32 $0x190  }
0xc3: {  	[tilespmem:s28], [sflag:$0x6] =	stream.indirect.gather [spmem:s2], $0x20, s16, s22, $0xb8;
	[tilespmem:$0x19C80] =	vst v63  }
0xc4: {  	s31 =	simm.s32 $0xC440;
	s14 =	simm.s32 $0xEC40;
	s18 =	simm.s32 $0x1E0  }
0xc5: {  	[tilespmem:s1], [sflag:$0x7] =	stream.indirect.gather [spmem:s2], $0x20, s18, s22, $0xb8;
	[tilespmem:$0x19C80] =	vst v63  }
.Ltmp5:
0xc6: {  	s29 =	simm.s32 $0xB040;
	s30 =	simm.s32 $0xBA40;
	(pc) =	sbr.rel .LBB2_5-.Ltmp5, $4  }
0xc7: {  	[tilespmem:s20], [sflag:$0x8] =	stream.indirect.gather [spmem:s2], $0x20, s5, s22, $0xb8;
	[tilespmem:$0x19C80] =	vst v63  }
0xc8: {  	s17 =	simm.s32 $0x280;
	s26 =	simm.s32 $0x9C40;
	s28 =	simm.s32 $0xA640  }
0xc9: {  	[tilespmem:s21], [sflag:$0x9] =	stream.indirect.gather [spmem:s2], $0x20, s17, s22, $0xb8;
	[tilespmem:$0x19C80] =	vst v63  }
0xca: {  	s1 =	simm.s32 $0xCE40;
	s20 =	simm.s32 $0xD840;
	s21 =	simm.s32 $0xE240  }
.LBB2_7:
0xcb: {  	_ =	sfence.sel $0x180000  }
0xcc: {  	[bflag:$0x0] =	sbarrier.arrive $0xFFFF  }
0xcd: {  	_ =	strace $0x9000004A  }
0xce: {  	s0 =	stileid.u32;
	[bflag:$0x2] =	sbarrier.arrive $0xFFFF  }
0xcf: {  	p0 =	sne.s32 s0, $0x0;
	s0 =	rddreg [dreg:$0x3]  }
0xd0: {  	s0 =	sadd.s32 @!p0 $0x100000, s0  }
0xd1: {  	[sflag:s0] =	ssyncadd.tile.s32 @!p0 $0x1;
	_ =	shalt  }
.Lfunc_end2:
_tile_overlayer_lowered:
.L_overlay_start_2:
0xd2: {  	(tag) =	ssettag $0x2  }
0xd3: {  	s0 =	rddreg [dreg:$0x0];
	s2 =	stileid.u32  }
0xd4: {  	s1 =	rddreg [dreg:$0x1];
	p0 =	sne.s32 s2, $0x0  }
0xd5: {  	s3 =	rddreg [dreg:$0x2];
	[bflag:$0x3] =	sbarrier.arrive $0xFFFF;
	s2 =	simm.s32 @!p0 $0x1C15  }
0xd6: {  	[timem:s3], [sflag:s2] =	dma.local @!p0 [hbm:s0], s1  }
0xd7: {  	s0 =	simm.s32 @!p0 $0x15  }
0xd8: {  	_ =	swait.ge @!p0 [sflag:s0], s1  }
0xd9: {  	s1 =	ssub.s32 @!p0 $0x0, s1;
	[sflag:s0] =	ssyncset.done @!p0 $0x0  }
0xda: {  	[sflag:s0] =	ssyncadd.s32 @!p0 s1  }
0xdb: {  	[bflag:$0x3] =	sbarrier.arrive $0xFFFF  }
0xdc: {  	_ =	shalt  }

// kernel: kernel.15.cloned.1.call-start
scs
__scs_entry_jumppad:
0x0: {  	(pc) =	sbr.rel $0x88, $3  }
0x1: {  	(tag) =	ssettag $0x0;
	lr =	simm.s32 $0x1  }
0x2: {  	[smem:$0x3F98] =	sst lr;
	_ =	strace $0xD0000000  }
0x3: {  	_ = 	snop  }
0x4: {  	_ = 	snop  }
0x5: {  	_ = 	snop  }
0x6: {  	_ = 	snop  }
0x7: {  	_ = 	snop  }
__scs_overlays_trampoline_lowered:
0x8: {  	[smem:$0x3FA7] =	sst s0  }
0x9: {  	[smem:$0x3FA8] =	sst s1  }
0xa: {  	[smem:$0x3FA9] =	sst s2  }
0xb: {  	[smem:$0x3FAA] =	sst s3  }
0xc: {  	[smem:$0x3FAB] =	sst s4  }
0xd: {  	[smem:$0x3FAC] =	sst s5  }
0xe: {  	[smem:$0x3FAD] =	sst s6  }
0xf: {  	[smem:$0x3FAE] =	sst s7  }
0x10: {  	[smem:$0x3FAF] =	sst s8  }
0x11: {  	[smem:$0x3FB0] =	sst s9;
	s0 =	simm.s32 @!p0 $0x0  }
0x12: {  	s1 =	sld [smem:$0x3F96];
	s0 =	simm.s32 @p0 $0x1  }
0x13: {  	[smem:$0x3FB1] =	sst s0;
	s0 =	simm.s32 @!p1 $0x0  }
0x14: {  	s2 =	sld [smem:$0x3F95];
	s0 =	simm.s32 @p1 $0x1  }
0x15: {  	[smem:$0x3FB2] =	sst s0;
	s0 =	simm.s32 @!p2 $0x0  }
0x16: {  	s3 =	sld [smem:$0x3FDB];
	s0 =	simm.s32 @p2 $0x1  }
0x17: {  	s4 =	simm.s32 $0x1BF5;
	[smem:$0x3FB4] =	sst s0  }
0x18: {  	s0 =	sld [smem:$0x3F97];
	_ =	swait.ge [sflag:s4], $0x0  }
0x19: {  	s7 =	sld [smem:$0x3F98]  }
0x1a: {  	s8 =	sadd.s32 $0xFFFFE003, lr  }
0x1b: {  	s9 =	sadd.s32 $0xFFFFFEF7, lr;
	s5 =	simm.s32 $0xFFFFFFFF;
	p2 =	slt.u32 s8, $0xFFFFF086  }
0x1c: {  	p1 =	slt.u32 s9, $0xF7A;
	s5 =	simm.s32 @!p2 $0x0  }
0x1d: {  	s5 =	simm.s32 @p1 $0x1;
	p0 =	seq.s32 s7, s2  }
0x1e: {  	s7 =	smul.u32 @!p0 $0xF7A, s2;
	p2 =	seq.s32 @!p0 s5, $0x0  }
0x1f: {  	s9 =	smul.u32 $0xF7A, s1;
	s8 =	simm.s32 @!p0 $0x1BF5;
	p2 =	por !p2, p0  }
0x20: {  	[sflag:s8] =	ssyncset.s32 @!p0 $0xFFFFF086;
	s6 =	sadd.s32 @!p0 s3, s7;
	s7 =	simm.s32 @!p0 $0x108  }
0x21: {  	s3 =	sadd.s32 s3, s9;
	s6 =	sadd.s32 @!p0 $0x88, s6;
	s7 =	simm.s32 @p2 $0x1082  }
0x22: {  	[simem:s7], [sflag:s8] =	dma.local @!p0 [hbm:s6], $0xF7A  }
0x23: {  	s9 =	sor.u32 $0xD0000000, s2;
	s6 =	simm.s32 $0x108;
	_ =	swait.ge @!p0 [sflag:s8], $0x0  }
0x24: {  	s3 =	sadd.s32 $0x88, s3;
	s6 =	simm.s32 @!p1 $0x1082;
	[sflag:s4] =	ssyncset.s32 $0xFFFFF086  }
0x25: {  	[simem:s6], [sflag:s4] =	dma.local [hbm:s3], $0xF7A  }
0x26: {  	[smem:$0x3F98] =	sst s1;
	(tag) =	ssettag s2;
	_ =	strace s9  }
0x27: {  	s1 =	sld [smem:$0x3FA8]  }
0x28: {  	s2 =	sld [smem:$0x3FA9]  }
0x29: {  	s4 =	sld [smem:$0x3FAB]  }
0x2a: {  	p0 =	seq.s32 s5, $0x0;
	s5 =	sld [smem:$0x3FAC]  }
0x2b: {  	s6 =	sld [smem:$0x3FAD]  }
0x2c: {  	s7 =	sld [smem:$0x3FAE]  }
0x2d: {  	s3 =	simm.s32 $0x108;
	s8 =	sld [smem:$0x3FAF]  }
0x2e: {  	s3 =	simm.s32 @!p0 $0x1082;
	s9 =	sld [smem:$0x3FB0]  }
0x2f: {  	lr =	sadd.s32 s0, s3;
	s0 =	sld [smem:$0x3FA7]  }
0x30: {  	s3 =	sld [smem:$0x3FAA]  }
0x31: {  	[smem:$0x3FB3] =	sst s10  }
0x32: {  	s10 =	sld [smem:$0x3FB1];
	_ =	sdelay $0x3  }
0x33: {  	p0 =	seq.s32 s10, $0x1;
	s10 =	sld [smem:$0x3FB3];
	_ =	sdelay $0x3  }
0x34: {  	[smem:$0x3FB3] =	sst s10  }
0x35: {  	s10 =	sld [smem:$0x3FB2];
	_ =	sdelay $0x3  }
0x36: {  	p1 =	seq.s32 s10, $0x1;
	s10 =	sld [smem:$0x3FB3];
	_ =	sdelay $0x3  }
0x37: {  	[smem:$0x3FB3] =	sst s10  }
0x38: {  	s10 =	sld [smem:$0x3FB4]  }
0x39: {  	_ = 	snop;
	(pc) =	sbr.ind lr, $3  }
0x3a: {  	_ = 	snop  }
0x3b: {  	_ = 	snop  }
0x3c: {  	p2 =	seq.s32 s10, $0x1;
	s10 =	sld [smem:$0x3FB3]  }
0x3d: {  	_ =	shalt  }
0x3e: {  	_ =	shalt  }
0x3f: {  	_ =	shalt  }
0x40: {  	_ =	shalt  }
0x41: {  	_ =	shalt  }
0x42: {  	_ =	shalt  }
0x43: {  	_ =	shalt  }
0x44: {  	_ =	shalt  }
0x45: {  	_ =	shalt  }
0x46: {  	_ =	shalt  }
0x47: {  	_ =	shalt  }
0x48: {  	_ =	shalt  }
0x49: {  	_ =	shalt  }
0x4a: {  	_ =	shalt  }
0x4b: {  	_ =	shalt  }
0x4c: {  	_ =	shalt  }
0x4d: {  	_ =	shalt  }
0x4e: {  	_ =	shalt  }
0x4f: {  	_ =	shalt  }
0x50: {  	_ =	shalt  }
0x51: {  	_ =	shalt  }
0x52: {  	_ =	shalt  }
0x53: {  	_ =	shalt  }
0x54: {  	_ =	shalt  }
0x55: {  	_ =	shalt  }
0x56: {  	_ =	shalt  }
0x57: {  	_ =	shalt  }
0x58: {  	_ =	shalt  }
0x59: {  	_ =	shalt  }
0x5a: {  	_ =	shalt  }
0x5b: {  	_ =	shalt  }
0x5c: {  	_ =	shalt  }
0x5d: {  	_ =	shalt  }
0x5e: {  	_ =	shalt  }
0x5f: {  	_ =	shalt  }
0x60: {  	_ =	shalt  }
0x61: {  	_ =	shalt  }
0x62: {  	_ =	shalt  }
0x63: {  	_ =	shalt  }
0x64: {  	_ =	shalt  }
0x65: {  	_ =	shalt  }
0x66: {  	_ =	shalt  }
0x67: {  	_ =	shalt  }
0x68: {  	_ =	shalt  }
0x69: {  	_ =	shalt  }
0x6a: {  	_ =	shalt  }
0x6b: {  	_ =	shalt  }
0x6c: {  	_ =	shalt  }
0x6d: {  	_ =	shalt  }
0x6e: {  	_ =	shalt  }
0x6f: {  	_ =	shalt  }
0x70: {  	_ =	shalt  }
0x71: {  	_ =	shalt  }
0x72: {  	_ =	shalt  }
0x73: {  	_ =	shalt  }
0x74: {  	_ =	shalt  }
0x75: {  	_ =	shalt  }
0x76: {  	_ =	shalt  }
0x77: {  	_ =	shalt  }
0x78: {  	_ =	shalt  }
0x79: {  	_ =	shalt  }
0x7a: {  	_ =	shalt  }
0x7b: {  	_ =	shalt  }
0x7c: {  	_ =	shalt  }
0x7d: {  	_ =	shalt  }
0x7e: {  	_ =	shalt  }
0x7f: {  	_ =	shalt  }
0x80: {  	_ =	shalt  }
0x81: {  	_ =	shalt  }
0x82: {  	_ =	shalt  }
0x83: {  	_ =	shalt  }
0x84: {  	_ =	shalt  }
0x85: {  	_ =	shalt  }
0x86: {  	_ =	shalt  }
0x87: {  	_ =	shalt  }
.Lfunc_end0:
.L_simem_size_0:
called_computation.2_lowered:
.L_overlay_start_0:
0x88: {  	s2 =	sld [smem:$0x3FD9]  }
0x89: {  	s3 =	sld [smem:$0x3FFE];
	_ =	sdelay $0x1  }
0x8a: {  	s1 =	srdreg.scid  }
0x8b: {  	s0 =	sand.u32 $0x1, s1  }
0x8c: {  	s16 =	sshll.u32 s0, $0xA;
	s2 =	sadd.s32 s3, s2  }
0x8d: {  	s2 =	sadd.s32 s2, s16  }
0x8e: {  	[smem:$0x3FBF] =	sst s2  }
0x8f: {  	_ = 	snop  }
0x90: {  	(tm) =	ssettm $0x1  }
0x91: {  	s17 =	sld [smem:$0x3FFB];
	_ =	sdelay $0x3  }
0x92: {  	_ =	strace s17  }
0x93: {  	s2 =	sld [smem:$0x3FFC];
	_ =	sdelay $0x3  }
0x94: {  	_ =	strace s2  }
0x95: {  	s2 =	sld [smem:$0x3FFD];
	_ =	sdelay $0x3  }
0x96: {  	_ =	strace s2  }
0x97: {  	_ =	strace $0x8FFFFFFF  }
0x98: {  	s18 =	sld [smem:$0x3FDB];
	_ =	sdelay $0x1  }
0x99: {  	s19 =	simm.s32 $_scs_section_size  }
0x9a: {  	s4 =	simm.s32 $_size__tile_overlayer_lowered;
	s5 =	simm.s32 $_tile_overlayer_lowered  }
0x9b: {  	s22 =	simm.s32 $0x1BFF;
	s21 =	sshll.u32 s5, $0x1;
	s2 =	sadd.s32 s19, s18  }
0x9c: {  	s6 =	simm.s32 $0x0;
	s20 =	sshll.u32 s4, $0x1;
	s4 =	sadd.s32 s21, s2  }
0x9d: {  	[timem:s6], [sflag:s22] =	dma.local [hbm:s4], s20  }
0x9e: {  	_ =	swait.ge [sflag:s22], s20  }
0x9f: {  	s3 =	ssub.s32 $0x0, s20;
	[sflag:s22] =	ssyncset.done $0x0  }
0xa0: {  	[sflag:s22] =	ssyncadd.s32 s3;
	_ =	sdelay $0x1  }
0xa1: {  	s23 =	simm.s32 $0x1B8B  }
0xa2: {  	_ =	swait.ge [sflag:s23], $0x1  }
0xa3: {  	[sflag:s23] =	ssyncset.done $0x0  }
0xa4: {  	s25 =	simm.s32 $0x1B8E;
	s24 =	sld [smem:$0x3FFE];
	[sflag:s23] =	ssyncadd.s32 $0xFFFFFFFF  }
0xa5: {  	s26 =	simm.s32 $execute0_lowered;
	[smem:$0x3FD2] =	sst s25  }
0xa6: {  	s4 =	sshll.u32 s26, $0x1;
	_ =	strace $0x8000004C;
	[dreg:$0x1] =	wrdreg $0xFFFFFFFF  }
0xa7: {  	s28 =	simm.s32 $_size_execute0_lowered;
	s2 =	sadd.s32 s2, s4;
	[dreg:$0x0] =	wrdreg $0x0  }
0xa8: {  	s4 =	sshll.u32 s28, $0x1;
	[dreg:$0x2] =	wrdreg s2  }
0xa9: {  	[dreg:$0x3] =	wrdreg s4  }
0xaa: {  	[dreg:$0x4] =	wrdreg $0xC0  }
0xab: {  	_ =	task [dreg:s6], $0x5FFFF  }
0xac: {  	[dreg:$0x1] =	wrdreg $0xFFFFFFFF  }
0xad: {  	[dreg:$0x0] =	wrdreg $0x60  }
0xae: {  	[dreg:$0x2] =	wrdreg s24  }
0xaf: {  	[dreg:$0x3] =	wrdreg $0x100400  }
0xb0: {  	[dreg:$0x4] =	wrdreg $0x14E600  }
0xb1: {  	[dreg:$0x5] =	wrdreg $0x9  }
0xb2: {  	_ =	task.clear_ibuf [dreg:s6], $0x6FFFF;
	_ =	strace $0x9000004C  }
0xb3: {  	s29 =	simm.s32 $0x9;
	_ =	strace $0x8000004E  }
0xb4: {  	_ =	swait.ge [sflag:s29], $0x1  }
0xb5: {  	[sflag:s29] =	ssyncadd.s32 $0xFFFFFFFF  }
0xb6: {  	_ =	strace $0x9000004E  }
0xb7: {  	_ =	sfence  }
0xb8: {  	s30 =	sld [smem:$0x0];
	_ =	sdelay $0x2  }
0xb9: {  	s31 =	sshll.u32 s1, $0xD;
	s1 =	sshrl.u32 s1, $0x2  }
0xba: {  	s3 =	sand.u32 $0x4000, s31;
	s1 =	sadd.s32 s1, s30  }
0xbb: {  	s0 =	sor.u32 s3, s0;
	s1 =	sshll.u32 s1, $0x11  }
0xbc: {  	s0 =	sor.u32 s1, s0  }
0xbd: {  	s0 =	sadd.s32 $0x8F2B, s0  }
0xbe: {  	[sflag:s0] =	ssyncadd.remote.s32 $0x1  }
0xbf: {  	_ =	sfence.sel $0xFFFF  }
0xc0: {  	[dreg:$0x0] =	wrdreg $0xFFFFFFFF;
	(pc) =	sbr.abs _section_cstart, $3  }
0xc1: {  	[dreg:$0x1] =	wrdreg $0xFFFFFFFF  }
0xc2: {  	_ =	task.clear_ibuf [dreg:s6], $0x2FFFF;
	_ =	strace $0x9FFFFFFF  }
0xc3: {  	(tm) =	ssettm $0x7FFFFFFF  }
tec
execute0_lowered:
.L_overlay_start_1:
0x0: {  	(tag) =	ssettag $0x1  }
0x1: {  	s0 =	rddreg [dreg:$0x0]  }
0x2: {  	s2 =	rddreg [dreg:$0x1]  }
0x3: {  	s3 =	rddreg [dreg:$0x2];
	s8 =	stileid.u32;
	s5 =	simm.s32 $0x0  }
0x4: {  	s4 =	srdreg.scid;
	s14 =	simm.s32 $0x1;
	s12 =	simm.s32 $0x10  }
0x5: {  	s16 =	simm.s32 $0x9C40;
	s17 =	simm.s32 $0xA640;
	s18 =	simm.s32 $0xB040  }
0x6: {  	s28 =	simm.s32 $0xCE40;
	s20 =	simm.s32 $0xE240;
	s19 =	simm.s32 $0x5  }
0x7: {  	s11 =	simm.s32 $0x0;
	s15 =	simm.s32 $0xF640;
	s1 =	smul.u32 $0x9C4, s8  }
0x8: {  	[smem:$0x7FF] =	sst s5;
	s21 =	smul.u32 $0x13880, s8;
	s4 =	sand.u32 $0x1, s4  }
0x9: {  	s22 =	smul.u32 $0x4E20, s8;
	s8 =	sshll.u32 s8, $0x6;
	_ =	strace $0x8000004D  }
0xa: {  	s6 =	sshll.u32 s4, $0x5;
	s4 =	ssub.s32 $0x2, s4;
	s25 =	sor.u32 $0x1C01, s8  }
0xb: {  	[dreg:$0x4] =	wrdreg s8;
	s31 =	sor.u32 $0x1C02, s8;
	s8 =	simm.s32 $0x9  }
0xc: {  	s1 =	sadd.s32 s1, s0;
	s7 =	sshrl.u32 s21, $0x3;
	s5 =	sor.u32 s6, s21  }
0xd: {  	s23 =	sshrl.u32 s4, $0x1;
	s24 =	sadd.s32 s22, s2;
	[dreg:$0x6] =	wrdreg s25  }
0xe: {  	s6 =	sadd.s32 s22, s3;
	[dreg:$0xd] =	wrdreg s31;
	s25 =	simm.s32 $0xBA40  }
0xf: {  	s21 =	simm.s32 $0xEC40;
	s5 =	sshrl.u32 s5, $0x3;
	s7 =	sadd.s32 s7, s0  }
0x10: {  	s4 =	ssub.s32 s4, s23;
	s26 =	sadd.s32 $0x2A00, s1;
	s1 =	sadd.s32 $0xC800, s1  }
0x11: {  	s30 =	sshrl.u32 s24, $0x3;
	s24 =	simm.s32 $0x4;
	[dreg:$0x8] =	wrdreg s26  }
0x12: {  	s13 =	sshrl.u32 s6, $0x3;
	s6 =	simm.s32 $0x7;
	[dreg:$0x9] =	wrdreg s1  }
0x13: {  	s0 =	sadd.s32 s5, s0;
	s7 =	sadd.s32 $0x16600, s7;
	[dreg:$0xc] =	wrdreg s30  }
.Ltmp0:
0x14: {  	s29 =	smax.u32 s4, $0x1;
	[dreg:$0xe] =	wrdreg s13;
	(pc) =	sbr.rel .LBB2_1-.Ltmp0, $4  }
0x15: {  	s26 =	simm.s32 $0xC440;
	s1 =	simm.s32 $0xD840;
	[dreg:$0x7] =	wrdreg s7  }
0x16: {  	s4 =	simm.s32 $0x6;
	s9 =	sadd.s32 $0x3D800, s0;
	[dreg:$0xb] =	wrdreg s29  }
0x17: {  	s0 =	sadd.s32 $0x64A00, s0;
	s7 =	simm.s32 $0x8;
	[dreg:$0x5] =	wrdreg s9  }
0x18: {  	[dreg:$0xa] =	wrdreg s0;
	s0 =	simm.s32 $0x50;
	s9 =	simm.s32 $0xA  }
.LBB2_6:
0x19: {  	s5 =	simm.s32 $0xB  }
0x1a: {  	_ =	swait.ge [sflag:s5], $0xA00  }
0x1b: {  	[sflag:s5] =	ssyncset.done $0x0  }
0x1c: {  	s31 =	simm.s32 $0xC;
	[sflag:s5] =	ssyncadd.s32 $0xFFFFF600  }
0x1d: {  	_ =	swait.ge [sflag:s31], $0xA00  }
0x1e: {  	[sflag:s31] =	ssyncset.done $0x0  }
0x1f: {  	s10 =	simm.s32 $0xD;
	[sflag:s31] =	ssyncadd.s32 $0xFFFFF600  }
0x20: {  	_ =	swait.ge [sflag:s10], $0xA00  }
0x21: {  	[sflag:s10] =	ssyncset.done $0x0  }
0x22: {  	s11 =	simm.s32 $0xE;
	[sflag:s10] =	ssyncadd.s32 $0xFFFFF600  }
0x23: {  	_ =	swait.ge [sflag:s11], $0xA00  }
0x24: {  	[sflag:s11] =	ssyncset.done $0x0  }
0x25: {  	s12 =	simm.s32 $0xF;
	[sflag:s11] =	ssyncadd.s32 $0xFFFFF600  }
0x26: {  	_ =	swait.ge [sflag:s12], $0xA00  }
0x27: {  	[sflag:s12] =	ssyncset.done $0x0  }
0x28: {  	[sflag:s12] =	ssyncadd.s32 $0xFFFFF600;
	s12 =	simm.s32 $0x10  }
0x29: {  	_ =	swait.ge [sflag:s12], $0xA00  }
0x2a: {  	[sflag:s12] =	ssyncset.done $0x0  }
0x2b: {  	s13 =	simm.s32 $0x11;
	[sflag:s12] =	ssyncadd.s32 $0xFFFFF600  }
0x2c: {  	_ =	swait.ge [sflag:s13], $0xA00  }
0x2d: {  	[sflag:s13] =	ssyncset.done $0x0  }
0x2e: {  	s14 =	simm.s32 $0x12;
	[sflag:s13] =	ssyncadd.s32 $0xFFFFF600  }
0x2f: {  	_ =	swait.ge [sflag:s14], $0xA00  }
0x30: {  	[sflag:s14] =	ssyncset.done $0x0  }
0x31: {  	s22 =	simm.s32 $0x13;
	[sflag:s14] =	ssyncadd.s32 $0xFFFFF600  }
0x32: {  	_ =	swait.ge [sflag:s22], $0xA00  }
0x33: {  	[sflag:s22] =	ssyncset.done $0x0  }
0x34: {  	s23 =	simm.s32 $0x14;
	[sflag:s22] =	ssyncadd.s32 $0xFFFFF600  }
0x35: {  	_ =	swait.ge [sflag:s23], $0xA00  }
0x36: {  	[sflag:s23] =	ssyncset.done $0x0  }
0x37: {  	[sflag:s23] =	ssyncadd.s32 $0xFFFFF600  }
0x38: {  	[bflag:$0x0] =	sbarrier.arrive $0xFFFF  }
0x39: {  	s29 =	rddreg [dreg:$0x4]  }
0x3a: {  	s30 =	simm.s32 $0x15;
	s10 =	rddreg [dreg:$0xa]  }
0x3b: {  	s14 =	simm.s32 $0x1;
	s13 =	rddreg [dreg:$0xe];
	s5 =	sor.u32 $0x1C15, s29  }
0x3c: {  	[hbm:s10@s12], [sflag:s5] =	dma.strided [spmem:s13@s24], $0x9C4, s14, $0x4   }
0x3d: {  	_ =	swait.ge [sflag:s30], $0x9C4  }
0x3e: {  	s11 =	rddreg [dreg:$0xf]  }
0x3f: {  	s31 =	rddreg [dreg:$0xb];
	s11 =	sadd.s32 $0x1, s11  }
0x40: {  	p0 =	sne.s32 s11, s31  }
.Ltmp1:
0x41: {  	_ = 	snop;
	(pc) =	sbr.rel @!p0 .LBB2_7-.Ltmp1, $3  }
0x42: {  	_ =	sdelay $0x1  }
0x43: {  	[sflag:s30] =	ssyncset.done $0x0  }
0x44: {  	[sflag:s30] =	ssyncadd.s32 $0xFFFFF63C  }
.LBB2_1:
0x45: {  	[dreg:$0xf] =	wrdreg s11  }
0x46: {  	s5 =	rddreg [dreg:$0x5]  }
0x47: {  	s10 =	rddreg [dreg:$0x6]  }
0x48: {  	s31 =	rddreg [dreg:$0xc]  }
0x49: {  	[spmem:s31@s24], [sflag:s10] =	dma.strided [hbm:s5@s12], $0x9C4, s14, $0x4   }
0x4a: {  	s5 =	rddreg [dreg:$0x7]  }
0x4b: {  	s10 =	rddreg [dreg:$0xd]  }
0x4c: {  	[spmem:s13@s24], [sflag:s10] =	dma.strided [hbm:s5@s12], $0x9C4, s14, $0x4   }
0x4d: {  	s22 =	simm.s32 $0x0;
	s10 =	rddreg [dreg:$0x8]  }
0x4e: {  	[tilespmem:s22], [sflag:$0x3] =	stream.linear.gather [hbm4b:s10+s22], $0x4E20, $0x38;
	[tilespmem:$0x19C80] =	vst v63  }
0x4f: {  	s29 =	simm.s32 $0x4E20;
	s23 =	rddreg [dreg:$0x9]  }
0x50: {  	[tilespmem:s29], [sflag:$0x4] =	stream.linear.gather [hbm4b:s23+s22], $0x4E20, $0x38;
	[tilespmem:$0x19C80] =	vst v63  }
0x51: {  	_ =	swait.ge [sflag:s14], $0x9C4  }
0x52: {  	[sflag:s14] =	ssyncset.done $0x0  }
0x53: {  	s30 =	simm.s32 $0x2;
	[sflag:s14] =	ssyncadd.s32 $0xFFFFF63C  }
0x54: {  	_ =	swait.ge [sflag:s30], $0x9C4  }
0x55: {  	[sflag:s30] =	ssyncset.done $0x0  }
0x56: {  	s31 =	simm.s32 $0x3;
	[sflag:s30] =	ssyncadd.s32 $0xFFFFF63C  }
0x57: {  	_ =	swait.ge [sflag:s31], $0x4E20  }
0x58: {  	[sflag:s31] =	ssyncset.done $0x0  }
0x59: {  	[sflag:s31] =	ssyncadd.s32 $0xFFFFB1E0  }
.Ltmp2:
0x5a: {  	_ =	swait.ge [sflag:s24], $0x4E20;
	(pc) =	sbr.rel .LBB2_2-.Ltmp2, $4  }
0x5b: {  	[sflag:s24] =	ssyncset.done $0x0  }
0x5c: {  	[sflag:s24] =	ssyncadd.s32 $0xFFFFB1E0  }
0x5d: {  	[bflag:$0x0] =	sbarrier.arrive $0xFFFF  }
0x5e: {  	s11 =	simm.s32 $0x280;
	s12 =	simm.s32 $0x280  }
.LBB2_4:
0x5f: {  	s5 =	simm.s32 $0xB  }
0x60: {  	_ =	swait.ge [sflag:s5], $0xA00  }
0x61: {  	[sflag:s5] =	ssyncset.done $0x0  }
0x62: {  	s13 =	sadd.s32 $0xFFFFFD80, s12;
	s14 =	simm.s32 $0xC;
	[sflag:s5] =	ssyncadd.s32 $0xFFFFF600  }
0x63: {  	[tilespmem:s16], [sflag:$0x1] =	stream.indirect.gather [spmem:s2], $0x20, s13, s0, $0xb8;
	[tilespmem:$0x19C80] =	vst v63  }
0x64: {  	_ =	swait.ge [sflag:s14], $0xA00  }
0x65: {  	[sflag:s14] =	ssyncset.done $0x0  }
0x66: {  	s22 =	simm.s32 $0xD;
	s16 =	sadd.s32 $0xFFFFFDD0, s12;
	[sflag:s14] =	ssyncadd.s32 $0xFFFFF600  }
0x67: {  	[tilespmem:s17], [sflag:$0x2] =	stream.indirect.gather [spmem:s2], $0x20, s16, s0, $0xb8;
	[tilespmem:$0x19C80] =	vst v63  }
0x68: {  	_ =	swait.ge [sflag:s22], $0xA00  }
0x69: {  	[sflag:s22] =	ssyncset.done $0x0  }
0x6a: {  	s23 =	sadd.s32 $0xFFFFFE20, s12;
	s24 =	simm.s32 $0xE;
	[sflag:s22] =	ssyncadd.s32 $0xFFFFF600  }
0x6b: {  	[tilespmem:s18], [sflag:$0x3] =	stream.indirect.gather [spmem:s2], $0x20, s23, s0, $0xb8;
	[tilespmem:$0x19C80] =	vst v63  }
0x6c: {  	_ =	swait.ge [sflag:s24], $0xA00  }
0x6d: {  	[sflag:s24] =	ssyncset.done $0x0  }
0x6e: {  	s10 =	sadd.s32 $0xFFFFFE70, s12;
	s13 =	simm.s32 $0xF;
	[sflag:s24] =	ssyncadd.s32 $0xFFFFF600  }
0x6f: {  	[tilespmem:s25], [sflag:$0x4] =	stream.indirect.gather [spmem:s2], $0x20, s10, s0, $0xb8;
	[tilespmem:$0x19C80] =	vst v63  }
0x70: {  	_ =	swait.ge [sflag:s13], $0xA00  }
0x71: {  	[sflag:s13] =	ssyncset.done $0x0  }
0x72: {  	s14 =	sadd.s32 $0xFFFFFEC0, s12;
	s16 =	simm.s32 $0x10;
	[sflag:s13] =	ssyncadd.s32 $0xFFFFF600  }
0x73: {  	[tilespmem:s26], [sflag:$0x5] =	stream.indirect.gather [spmem:s2], $0x20, s14, s0, $0xb8;
	[tilespmem:$0x19C80] =	vst v63  }
0x74: {  	_ =	swait.ge [sflag:s16], $0xA00  }
0x75: {  	[sflag:s16] =	ssyncset.done $0x0  }
0x76: {  	s17 =	sadd.s32 $0xFFFFFF10, s12;
	s18 =	simm.s32 $0x11;
	[sflag:s16] =	ssyncadd.s32 $0xFFFFF600  }
0x77: {  	[tilespmem:s28], [sflag:$0x6] =	stream.indirect.gather [spmem:s2], $0x20, s17, s0, $0xb8;
	[tilespmem:$0x19C80] =	vst v63  }
0x78: {  	s31 =	simm.s32 $0xC440;
	_ =	swait.ge [sflag:s18], $0xA00  }
0x79: {  	s29 =	simm.s32 $0xB040;
	s30 =	simm.s32 $0xBA40;
	[sflag:s18] =	ssyncset.done $0x0  }
0x7a: {  	s22 =	sadd.s32 $0xFFFFFF60, s12;
	s23 =	simm.s32 $0x12;
	[sflag:s18] =	ssyncadd.s32 $0xFFFFF600  }
0x7b: {  	[tilespmem:s1], [sflag:$0x7] =	stream.indirect.gather [spmem:s2], $0x20, s22, s0, $0xb8;
	[tilespmem:$0x19C80] =	vst v63  }
0x7c: {  	s5 =	sadd.s32 $0xFFFFFFB0, s11;
	s24 =	sadd.s32 $0xFFFFFFB0, s12;
	_ =	swait.ge [sflag:s23], $0xA00  }
0x7d: {  	s25 =	simm.s32 $0x13;
	s10 =	sadd.s32 $0xFFFFFEC0, s11;
	[sflag:s23] =	ssyncset.done $0x0  }
0x7e: {  	s13 =	sadd.s32 $0xFFFFFD80, s11;
	s26 =	simm.s32 $0x14;
	[sflag:s23] =	ssyncadd.s32 $0xFFFFF600  }
0x7f: {  	[tilespmem:s20], [sflag:$0x8] =	stream.indirect.gather [spmem:s2], $0x20, s24, s0, $0xb8;
	[tilespmem:$0x19C80] =	vst v63  }
0x80: {  	s14 =	simm.s32 $0xEC40;
	s16 =	sadd.s32 $0xFFFFFF10, s11;
	_ =	swait.ge [sflag:s25], $0xA00  }
0x81: {  	s17 =	smov.u32 s11;
	s28 =	simm.s32 $0xA640;
	[sflag:s25] =	ssyncset.done $0x0  }
0x82: {  	s18 =	sadd.s32 $0xFFFFFF60, s11;
	s22 =	sadd.s32 $0xFFFFFDD0, s11;
	[sflag:s25] =	ssyncadd.s32 $0xFFFFF600  }
0x83: {  	[tilespmem:s21], [sflag:$0x9] =	stream.indirect.gather [spmem:s2], $0x20, s12, s0, $0xb8;
	[tilespmem:$0x19C80] =	vst v63  }
0x84: {  	s1 =	simm.s32 $0xCE40;
	s23 =	sadd.s32 $0xFFFFFE70, s11;
	_ =	swait.ge [sflag:s26], $0xA00  }
0x85: {  	s24 =	sadd.s32 $0xFFFFFE20, s11;
	s20 =	simm.s32 $0xD840;
	[sflag:s26] =	ssyncset.done $0x0  }
0x86: {  	s21 =	simm.s32 $0xE240;
	[sflag:s26] =	ssyncadd.s32 $0xFFFFF600;
	s26 =	simm.s32 $0x9C40  }
.LBB2_5:
0x87: {  	s25 =	sadd.s32 $0x2D0, s13  }
0x88: {  	[tilespmem:s15], [sflag:$0xA] =	stream.indirect.gather [spmem:s2], $0x20, s25, s0, $0xb8;
	[tilespmem:$0x19C80] =	vst v63  }
0x89: {  	s25 =	simm.s32 $0x1  }
0x8a: {  	_ =	swait.ge [sflag:s25], $0xA00  }
0x8b: {  	[sflag:s25] =	ssyncset.done $0x0  }
0x8c: {  	[sflag:s25] =	ssyncadd.s32 $0xFFFFF600;
	s25 =	sadd.s32 $0x4E20, s13  }
0x8d: {  	[spmem:s3] =	stream.indirect.scatter.add.f32 [tilespmem:s26], [sflag:$0xB], $0x20, s25, s0, $0xb8;
	[tilespmem:$0x19C80] =	vst v63  }
0x8e: {  	s26 =	simm.s32 $0x2  }
0x8f: {  	_ =	swait.ge [sflag:s26], $0xA00  }
0x90: {  	[sflag:s26] =	ssyncset.done $0x0  }
0x91: {  	s22 =	sadd.s32 $0x4E20, s22;
	[sflag:s26] =	ssyncadd.s32 $0xFFFFF600;
	s26 =	simm.s32 $0x3  }
0x92: {  	[spmem:s3] =	stream.indirect.scatter.add.f32 [tilespmem:s28], [sflag:$0xC], $0x20, s22, s0, $0xb8;
	[tilespmem:$0x19C80] =	vst v63  }
0x93: {  	_ =	swait.ge [sflag:s26], $0xA00  }
0x94: {  	[sflag:s26] =	ssyncset.done $0x0  }
0x95: {  	s24 =	sadd.s32 $0x4E20, s24;
	[sflag:s26] =	ssyncadd.s32 $0xFFFFF600  }
0x96: {  	[spmem:s3] =	stream.indirect.scatter.add.f32 [tilespmem:s29], [sflag:$0xD], $0x20, s24, s0, $0xb8;
	[tilespmem:$0x19C80] =	vst v63  }
0x97: {  	s24 =	simm.s32 $0x4  }
0x98: {  	_ =	swait.ge [sflag:s24], $0xA00  }
0x99: {  	[sflag:s24] =	ssyncset.done $0x0  }
0x9a: {  	s25 =	sadd.s32 $0x4E20, s23;
	[sflag:s24] =	ssyncadd.s32 $0xFFFFF600  }
0x9b: {  	[spmem:s3] =	stream.indirect.scatter.add.f32 [tilespmem:s30], [sflag:$0xE], $0x20, s25, s0, $0xb8;
	[tilespmem:$0x19C80] =	vst v63  }
0x9c: {  	_ =	swait.ge [sflag:s19], $0xA00  }
0x9d: {  	[sflag:s19] =	ssyncset.done $0x0  }
0x9e: {  	s10 =	sadd.s32 $0x4E20, s10;
	[sflag:s19] =	ssyncadd.s32 $0xFFFFF600  }
0x9f: {  	[spmem:s3] =	stream.indirect.scatter.add.f32 [tilespmem:s31], [sflag:$0xF], $0x20, s10, s0, $0xb8;
	[tilespmem:$0x19C80] =	vst v63  }
0xa0: {  	_ =	swait.ge [sflag:s4], $0xA00  }
0xa1: {  	[sflag:s4] =	ssyncset.done $0x0  }
0xa2: {  	s26 =	sadd.s32 $0x4E20, s16;
	[sflag:s4] =	ssyncadd.s32 $0xFFFFF600  }
0xa3: {  	[spmem:s3] =	stream.indirect.scatter.add.f32 [tilespmem:s1], [sflag:$0x10], $0x20, s26, s0, $0xb8;
	[tilespmem:$0x19C80] =	vst v63  }
0xa4: {  	_ =	swait.ge [sflag:s6], $0xA00  }
0xa5: {  	[sflag:s6] =	ssyncset.done $0x0  }
0xa6: {  	s29 =	sadd.s32 $0x4E20, s18;
	[sflag:s6] =	ssyncadd.s32 $0xFFFFF600  }
0xa7: {  	[spmem:s3] =	stream.indirect.scatter.add.f32 [tilespmem:s20], [sflag:$0x11], $0x20, s29, s0, $0xb8;
	[tilespmem:$0x19C80] =	vst v63  }
0xa8: {  	_ =	swait.ge [sflag:s7], $0xA00  }
0xa9: {  	[sflag:s7] =	ssyncset.done $0x0  }
0xaa: {  	s5 =	sadd.s32 $0x4E20, s5;
	[sflag:s7] =	ssyncadd.s32 $0xFFFFF600  }
0xab: {  	[spmem:s3] =	stream.indirect.scatter.add.f32 [tilespmem:s21], [sflag:$0x12], $0x20, s5, s0, $0xb8;
	[tilespmem:$0x19C80] =	vst v63  }
0xac: {  	s11 =	sadd.s32 $0x320, s11;
	s12 =	sadd.s32 $0x320, s12;
	_ =	swait.ge [sflag:s8], $0xA00  }
0xad: {  	p0 =	sne.s32 s11, $0x50A0;
	s28 =	simm.s32 $0xCE40;
	[sflag:s8] =	ssyncset.done $0x0  }
0xae: {  	s16 =	simm.s32 $0x9C40;
	s30 =	sadd.s32 $0x4E20, s17;
	[sflag:s8] =	ssyncadd.s32 $0xFFFFF600  }
0xaf: {  	[spmem:s3] =	stream.indirect.scatter.add.f32 [tilespmem:s14], [sflag:$0x13], $0x20, s30, s0, $0xb8;
	[tilespmem:$0x19C80] =	vst v63  }
.Ltmp3:
0xb0: {  	s18 =	simm.s32 $0xB040;
	s17 =	simm.s32 $0xA640;
	(pc) =	sbr.rel @!p0 .LBB2_6-.Ltmp3, $4  }
0xb1: {  	s25 =	simm.s32 $0xBA40;
	s31 =	sadd.s32 $0x50F0, s13;
	_ =	swait.ge [sflag:s9], $0xA00  }
0xb2: {  	s26 =	simm.s32 $0xC440;
	s1 =	simm.s32 $0xD840;
	[sflag:s9] =	ssyncset.done $0x0  }
0xb3: {  	s20 =	simm.s32 $0xE240;
	s21 =	simm.s32 $0xEC40;
	[sflag:s9] =	ssyncadd.s32 $0xFFFFF600  }
0xb4: {  	[spmem:s3] =	stream.indirect.scatter.add.f32 [tilespmem:s15], [sflag:$0x14], $0x20, s31, s0, $0xb8;
	[tilespmem:$0x19C80] =	vst v63  }
.LBB2_2:
0xb5: {  	p0 =	sne.s32 s11, $0x280  }
.Ltmp4:
0xb6: {  	_ = 	snop;
	(pc) =	sbr.rel @p0 .LBB2_4-.Ltmp4, $1  }
0xb7: {  	_ =	sdelay $0x3  }
0xb8: {  	s22 =	simm.s32 $0x50;
	s13 =	simm.s32 $0x0  }
0xb9: {  	[tilespmem:s16], [sflag:$0x1] =	stream.indirect.gather [spmem:s2], $0x20, s13, s22, $0xb8;
	[tilespmem:$0x19C80] =	vst v63  }
0xba: {  	_ = 	snop  }
0xbb: {  	[tilespmem:s17], [sflag:$0x2] =	stream.indirect.gather [spmem:s2], $0x20, s22, s22, $0xb8;
	[tilespmem:$0x19C80] =	vst v63  }
0xbc: {  	s24 =	simm.s32 $0xA0  }
0xbd: {  	[tilespmem:s18], [sflag:$0x3] =	stream.indirect.gather [spmem:s2], $0x20, s24, s22, $0xb8;
	[tilespmem:$0x19C80] =	vst v63  }
0xbe: {  	s23 =	simm.s32 $0xF0  }
0xbf: {  	[tilespmem:s25], [sflag:$0x4] =	stream.indirect.gather [spmem:s2], $0x20, s23, s22, $0xb8;
	[tilespmem:$0x19C80] =	vst v63  }
0xc0: {  	s10 =	simm.s32 $0x140  }
0xc1: {  	[tilespmem:s26], [sflag:$0x5] =	stream.indirect.gather [spmem:s2], $0x20, s10, s22, $0xb8;
	[tilespmem:$0x19C80] =	vst v63  }
0xc2: {  	s5 =	simm.s32 $0x230;
	s16 =	simm.s32 $0x190  }
0xc3: {  	[tilespmem:s28], [sflag:$0x6] =	stream.indirect.gather [spmem:s2], $0x20, s16, s22, $0xb8;
	[tilespmem:$0x19C80] =	vst v63  }
0xc4: {  	s31 =	simm.s32 $0xC440;
	s14 =	simm.s32 $0xEC40;
	s18 =	simm.s32 $0x1E0  }
0xc5: {  	[tilespmem:s1], [sflag:$0x7] =	stream.indirect.gather [spmem:s2], $0x20, s18, s22, $0xb8;
	[tilespmem:$0x19C80] =	vst v63  }
.Ltmp5:
0xc6: {  	s29 =	simm.s32 $0xB040;
	s30 =	simm.s32 $0xBA40;
	(pc) =	sbr.rel .LBB2_5-.Ltmp5, $4  }
0xc7: {  	[tilespmem:s20], [sflag:$0x8] =	stream.indirect.gather [spmem:s2], $0x20, s5, s22, $0xb8;
	[tilespmem:$0x19C80] =	vst v63  }
0xc8: {  	s17 =	simm.s32 $0x280;
	s26 =	simm.s32 $0x9C40;
	s28 =	simm.s32 $0xA640  }
0xc9: {  	[tilespmem:s21], [sflag:$0x9] =	stream.indirect.gather [spmem:s2], $0x20, s17, s22, $0xb8;
	[tilespmem:$0x19C80] =	vst v63  }
0xca: {  	s1 =	simm.s32 $0xCE40;
	s20 =	simm.s32 $0xD840;
	s21 =	simm.s32 $0xE240  }
.LBB2_7:
0xcb: {  	_ =	sfence.sel $0x180000  }
0xcc: {  	[bflag:$0x0] =	sbarrier.arrive $0xFFFF  }
0xcd: {  	_ =	strace $0x9000004D  }
0xce: {  	s0 =	stileid.u32;
	[bflag:$0x2] =	sbarrier.arrive $0xFFFF  }
0xcf: {  	p0 =	sne.s32 s0, $0x0;
	s0 =	rddreg [dreg:$0x3]  }
0xd0: {  	s0 =	sadd.s32 @!p0 $0x100000, s0  }
0xd1: {  	[sflag:s0] =	ssyncadd.tile.s32 @!p0 $0x1;
	_ =	shalt  }
.Lfunc_end2:
_tile_overlayer_lowered:
.L_overlay_start_2:
0xd2: {  	(tag) =	ssettag $0x2  }
0xd3: {  	s0 =	rddreg [dreg:$0x0];
	s2 =	stileid.u32  }
0xd4: {  	s1 =	rddreg [dreg:$0x1];
	p0 =	sne.s32 s2, $0x0  }
0xd5: {  	s3 =	rddreg [dreg:$0x2];
	[bflag:$0x3] =	sbarrier.arrive $0xFFFF;
	s2 =	simm.s32 @!p0 $0x1C15  }
0xd6: {  	[timem:s3], [sflag:s2] =	dma.local @!p0 [hbm:s0], s1  }
0xd7: {  	s0 =	simm.s32 @!p0 $0x15  }
0xd8: {  	_ =	swait.ge @!p0 [sflag:s0], s1  }
0xd9: {  	s1 =	ssub.s32 @!p0 $0x0, s1;
	[sflag:s0] =	ssyncset.done @!p0 $0x0  }
0xda: {  	[sflag:s0] =	ssyncadd.s32 @!p0 s1  }
0xdb: {  	[bflag:$0x3] =	sbarrier.arrive $0xFFFF  }
0xdc: {  	_ =	shalt  }

// kernel: kernel.9.cloned.1.call-start
scs
__scs_entry_jumppad:
0x0: {  	(pc) =	sbr.rel $0x88, $3  }
0x1: {  	(tag) =	ssettag $0x0;
	lr =	simm.s32 $0x1  }
0x2: {  	[smem:$0x3F98] =	sst lr;
	_ =	strace $0xD0000000  }
0x3: {  	_ = 	snop  }
0x4: {  	_ = 	snop  }
0x5: {  	_ = 	snop  }
0x6: {  	_ = 	snop  }
0x7: {  	_ = 	snop  }
__scs_overlays_trampoline_lowered:
0x8: {  	[smem:$0x3FA7] =	sst s0  }
0x9: {  	[smem:$0x3FA8] =	sst s1  }
0xa: {  	[smem:$0x3FA9] =	sst s2  }
0xb: {  	[smem:$0x3FAA] =	sst s3  }
0xc: {  	[smem:$0x3FAB] =	sst s4  }
0xd: {  	[smem:$0x3FAC] =	sst s5  }
0xe: {  	[smem:$0x3FAD] =	sst s6  }
0xf: {  	[smem:$0x3FAE] =	sst s7  }
0x10: {  	[smem:$0x3FAF] =	sst s8  }
0x11: {  	[smem:$0x3FB0] =	sst s9;
	s0 =	simm.s32 @!p0 $0x0  }
0x12: {  	s1 =	sld [smem:$0x3F96];
	s0 =	simm.s32 @p0 $0x1  }
0x13: {  	[smem:$0x3FB1] =	sst s0;
	s0 =	simm.s32 @!p1 $0x0  }
0x14: {  	s2 =	sld [smem:$0x3F95];
	s0 =	simm.s32 @p1 $0x1  }
0x15: {  	[smem:$0x3FB2] =	sst s0;
	s0 =	simm.s32 @!p2 $0x0  }
0x16: {  	s3 =	sld [smem:$0x3FDB];
	s0 =	simm.s32 @p2 $0x1  }
0x17: {  	s4 =	simm.s32 $0x1BF5;
	[smem:$0x3FB4] =	sst s0  }
0x18: {  	s0 =	sld [smem:$0x3F97];
	_ =	swait.ge [sflag:s4], $0x0  }
0x19: {  	s7 =	sld [smem:$0x3F98]  }
0x1a: {  	s8 =	sadd.s32 $0xFFFFE003, lr  }
0x1b: {  	s9 =	sadd.s32 $0xFFFFFEF7, lr;
	s5 =	simm.s32 $0xFFFFFFFF;
	p2 =	slt.u32 s8, $0xFFFFF086  }
0x1c: {  	p1 =	slt.u32 s9, $0xF7A;
	s5 =	simm.s32 @!p2 $0x0  }
0x1d: {  	s5 =	simm.s32 @p1 $0x1;
	p0 =	seq.s32 s7, s2  }
0x1e: {  	s7 =	smul.u32 @!p0 $0xF7A, s2;
	p2 =	seq.s32 @!p0 s5, $0x0  }
0x1f: {  	s9 =	smul.u32 $0xF7A, s1;
	s8 =	simm.s32 @!p0 $0x1BF5;
	p2 =	por !p2, p0  }
0x20: {  	[sflag:s8] =	ssyncset.s32 @!p0 $0xFFFFF086;
	s6 =	sadd.s32 @!p0 s3, s7;
	s7 =	simm.s32 @!p0 $0x108  }
0x21: {  	s3 =	sadd.s32 s3, s9;
	s6 =	sadd.s32 @!p0 $0x88, s6;
	s7 =	simm.s32 @p2 $0x1082  }
0x22: {  	[simem:s7], [sflag:s8] =	dma.local @!p0 [hbm:s6], $0xF7A  }
0x23: {  	s9 =	sor.u32 $0xD0000000, s2;
	s6 =	simm.s32 $0x108;
	_ =	swait.ge @!p0 [sflag:s8], $0x0  }
0x24: {  	s3 =	sadd.s32 $0x88, s3;
	s6 =	simm.s32 @!p1 $0x1082;
	[sflag:s4] =	ssyncset.s32 $0xFFFFF086  }
0x25: {  	[simem:s6], [sflag:s4] =	dma.local [hbm:s3], $0xF7A  }
0x26: {  	[smem:$0x3F98] =	sst s1;
	(tag) =	ssettag s2;
	_ =	strace s9  }
0x27: {  	s1 =	sld [smem:$0x3FA8]  }
0x28: {  	s2 =	sld [smem:$0x3FA9]  }
0x29: {  	s4 =	sld [smem:$0x3FAB]  }
0x2a: {  	p0 =	seq.s32 s5, $0x0;
	s5 =	sld [smem:$0x3FAC]  }
0x2b: {  	s6 =	sld [smem:$0x3FAD]  }
0x2c: {  	s7 =	sld [smem:$0x3FAE]  }
0x2d: {  	s3 =	simm.s32 $0x108;
	s8 =	sld [smem:$0x3FAF]  }
0x2e: {  	s3 =	simm.s32 @!p0 $0x1082;
	s9 =	sld [smem:$0x3FB0]  }
0x2f: {  	lr =	sadd.s32 s0, s3;
	s0 =	sld [smem:$0x3FA7]  }
0x30: {  	s3 =	sld [smem:$0x3FAA]  }
0x31: {  	[smem:$0x3FB3] =	sst s10  }
0x32: {  	s10 =	sld [smem:$0x3FB1];
	_ =	sdelay $0x3  }
0x33: {  	p0 =	seq.s32 s10, $0x1;
	s10 =	sld [smem:$0x3FB3];
	_ =	sdelay $0x3  }
0x34: {  	[smem:$0x3FB3] =	sst s10  }
0x35: {  	s10 =	sld [smem:$0x3FB2];
	_ =	sdelay $0x3  }
0x36: {  	p1 =	seq.s32 s10, $0x1;
	s10 =	sld [smem:$0x3FB3];
	_ =	sdelay $0x3  }
0x37: {  	[smem:$0x3FB3] =	sst s10  }
0x38: {  	s10 =	sld [smem:$0x3FB4]  }
0x39: {  	_ = 	snop;
	(pc) =	sbr.ind lr, $3  }
0x3a: {  	_ = 	snop  }
0x3b: {  	_ = 	snop  }
0x3c: {  	p2 =	seq.s32 s10, $0x1;
	s10 =	sld [smem:$0x3FB3]  }
0x3d: {  	_ =	shalt  }
0x3e: {  	_ =	shalt  }
0x3f: {  	_ =	shalt  }
0x40: {  	_ =	shalt  }
0x41: {  	_ =	shalt  }
0x42: {  	_ =	shalt  }
0x43: {  	_ =	shalt  }
0x44: {  	_ =	shalt  }
0x45: {  	_ =	shalt  }
0x46: {  	_ =	shalt  }
0x47: {  	_ =	shalt  }
0x48: {  	_ =	shalt  }
0x49: {  	_ =	shalt  }
0x4a: {  	_ =	shalt  }
0x4b: {  	_ =	shalt  }
0x4c: {  	_ =	shalt  }
0x4d: {  	_ =	shalt  }
0x4e: {  	_ =	shalt  }
0x4f: {  	_ =	shalt  }
0x50: {  	_ =	shalt  }
0x51: {  	_ =	shalt  }
0x52: {  	_ =	shalt  }
0x53: {  	_ =	shalt  }
0x54: {  	_ =	shalt  }
0x55: {  	_ =	shalt  }
0x56: {  	_ =	shalt  }
0x57: {  	_ =	shalt  }
0x58: {  	_ =	shalt  }
0x59: {  	_ =	shalt  }
0x5a: {  	_ =	shalt  }
0x5b: {  	_ =	shalt  }
0x5c: {  	_ =	shalt  }
0x5d: {  	_ =	shalt  }
0x5e: {  	_ =	shalt  }
0x5f: {  	_ =	shalt  }
0x60: {  	_ =	shalt  }
0x61: {  	_ =	shalt  }
0x62: {  	_ =	shalt  }
0x63: {  	_ =	shalt  }
0x64: {  	_ =	shalt  }
0x65: {  	_ =	shalt  }
0x66: {  	_ =	shalt  }
0x67: {  	_ =	shalt  }
0x68: {  	_ =	shalt  }
0x69: {  	_ =	shalt  }
0x6a: {  	_ =	shalt  }
0x6b: {  	_ =	shalt  }
0x6c: {  	_ =	shalt  }
0x6d: {  	_ =	shalt  }
0x6e: {  	_ =	shalt  }
0x6f: {  	_ =	shalt  }
0x70: {  	_ =	shalt  }
0x71: {  	_ =	shalt  }
0x72: {  	_ =	shalt  }
0x73: {  	_ =	shalt  }
0x74: {  	_ =	shalt  }
0x75: {  	_ =	shalt  }
0x76: {  	_ =	shalt  }
0x77: {  	_ =	shalt  }
0x78: {  	_ =	shalt  }
0x79: {  	_ =	shalt  }
0x7a: {  	_ =	shalt  }
0x7b: {  	_ =	shalt  }
0x7c: {  	_ =	shalt  }
0x7d: {  	_ =	shalt  }
0x7e: {  	_ =	shalt  }
0x7f: {  	_ =	shalt  }
0x80: {  	_ =	shalt  }
0x81: {  	_ =	shalt  }
0x82: {  	_ =	shalt  }
0x83: {  	_ =	shalt  }
0x84: {  	_ =	shalt  }
0x85: {  	_ =	shalt  }
0x86: {  	_ =	shalt  }
0x87: {  	_ =	shalt  }
.Lfunc_end0:
.L_simem_size_0:
called_computation_lowered:
.L_overlay_start_0:
0x88: {  	s2 =	sld [smem:$0x3FD9]  }
0x89: {  	s3 =	sld [smem:$0x3FFE];
	_ =	sdelay $0x1  }
0x8a: {  	s1 =	srdreg.scid  }
0x8b: {  	s0 =	sand.u32 $0x1, s1  }
0x8c: {  	s17 =	sshll.u32 s0, $0xA;
	s2 =	sadd.s32 s3, s2  }
0x8d: {  	s2 =	sadd.s32 s2, s17  }
0x8e: {  	[smem:$0x3FBF] =	sst s2  }
0x8f: {  	_ = 	snop  }
0x90: {  	s2 =	sld [smem:$0x3FD0];
	(tm) =	ssettm $0x1  }
0x91: {  	s18 =	sld [smem:$0x3FFB];
	_ =	sdelay $0x3  }
0x92: {  	_ =	strace s18  }
0x93: {  	s3 =	sld [smem:$0x3FFC];
	_ =	sdelay $0x3  }
0x94: {  	_ =	strace s3  }
0x95: {  	s3 =	sld [smem:$0x3FFD];
	_ =	sdelay $0x3  }
0x96: {  	_ =	strace s3  }
0x97: {  	_ =	strace $0x8FFFFFFF  }
0x98: {  	s19 =	sld [smem:$0x3FDB];
	_ =	sdelay $0x1  }
0x99: {  	s4 =	simm.s32 $_scs_section_size  }
0x9a: {  	s5 =	simm.s32 $_size__tile_overlayer_lowered;
	s6 =	simm.s32 $_tile_overlayer_lowered  }
0x9b: {  	s22 =	simm.s32 $0x1BFF;
	s21 =	sshll.u32 s6, $0x1;
	s3 =	sadd.s32 s4, s19  }
0x9c: {  	s7 =	simm.s32 $0x0;
	s20 =	sshll.u32 s5, $0x1;
	s5 =	sadd.s32 s21, s3  }
0x9d: {  	[timem:s7], [sflag:s22] =	dma.local [hbm:s5], s20  }
0x9e: {  	_ =	swait.ge [sflag:s22], s20  }
0x9f: {  	s4 =	ssub.s32 $0x0, s20;
	[sflag:s22] =	ssyncset.done $0x0  }
0xa0: {  	[sflag:s22] =	ssyncadd.s32 s4;
	_ =	sdelay $0x1  }
0xa1: {  	s23 =	simm.s32 $0x1B8B  }
0xa2: {  	_ =	swait.ge [sflag:s23], $0x1  }
0xa3: {  	[sflag:s23] =	ssyncset.done $0x0  }
0xa4: {  	s25 =	simm.s32 $0x1B8E;
	s24 =	sld [smem:$0x3FFE];
	[sflag:s23] =	ssyncadd.s32 $0xFFFFFFFF  }
0xa5: {  	s26 =	simm.s32 $execute0_lowered;
	[smem:$0x3FD2] =	sst s25  }
0xa6: {  	s5 =	sshll.u32 s26, $0x1;
	_ =	strace $0x80000046;
	[dreg:$0x1] =	wrdreg $0xFFFFFFFF  }
0xa7: {  	s28 =	simm.s32 $_size_execute0_lowered;
	s3 =	sadd.s32 s3, s5;
	[dreg:$0x0] =	wrdreg $0x0  }
0xa8: {  	s5 =	sshll.u32 s28, $0x1;
	[dreg:$0x2] =	wrdreg s3  }
0xa9: {  	[dreg:$0x3] =	wrdreg s5  }
0xaa: {  	[dreg:$0x4] =	wrdreg $0xC0  }
0xab: {  	_ =	task [dreg:s7], $0x5FFFF  }
0xac: {  	[dreg:$0x1] =	wrdreg $0xFFFFFFFF  }
0xad: {  	[dreg:$0x0] =	wrdreg $0x60  }
0xae: {  	[dreg:$0x2] =	wrdreg s24  }
0xaf: {  	[dreg:$0x3] =	wrdreg s2  }
0xb0: {  	[dreg:$0x4] =	wrdreg $0x2C100  }
0xb1: {  	[dreg:$0x5] =	wrdreg $0x9  }
0xb2: {  	_ =	task.clear_ibuf [dreg:s7], $0x6FFFF;
	_ =	strace $0x90000046  }
0xb3: {  	s29 =	simm.s32 $0x9;
	_ =	strace $0x80000048  }
0xb4: {  	_ =	swait.ge [sflag:s29], $0x1  }
0xb5: {  	[sflag:s29] =	ssyncadd.s32 $0xFFFFFFFF  }
0xb6: {  	_ =	strace $0x90000048  }
0xb7: {  	_ =	sfence  }
0xb8: {  	s30 =	sld [smem:$0x0];
	_ =	sdelay $0x2  }
0xb9: {  	s31 =	sshll.u32 s1, $0xD;
	s1 =	sshrl.u32 s1, $0x2  }
0xba: {  	s3 =	sand.u32 $0x4000, s31;
	s1 =	sadd.s32 s1, s30  }
0xbb: {  	s0 =	sor.u32 s3, s0;
	s1 =	sshll.u32 s1, $0x11  }
0xbc: {  	s0 =	sor.u32 s1, s0  }
0xbd: {  	s0 =	sadd.s32 $0x8F2B, s0  }
0xbe: {  	[sflag:s0] =	ssyncadd.remote.s32 $0x1  }
0xbf: {  	_ =	sfence.sel $0xFFFF  }
0xc0: {  	[dreg:$0x0] =	wrdreg $0xFFFFFFFF;
	(pc) =	sbr.abs _section_cstart, $3  }
0xc1: {  	[dreg:$0x1] =	wrdreg $0xFFFFFFFF  }
0xc2: {  	_ =	task.clear_ibuf [dreg:s7], $0x2FFFF;
	_ =	strace $0x9FFFFFFF  }
0xc3: {  	(tm) =	ssettm $0x7FFFFFFF  }
tec
execute0_lowered:
.L_overlay_start_1:
0x0: {  	(tag) =	ssettag $0x1  }
0x1: {  	s5 =	rddreg [dreg:$0x0]  }
0x2: {  	s1 =	srdreg.scid;
	s2 =	rddreg [dreg:$0x1]  }
0x3: {  	s0 =	stileid.u32;
	s3 =	rddreg [dreg:$0x2];
	s4 =	simm.s32 $0x0  }
0x4: {  	s13 =	simm.s32 $0x10;
	s14 =	simm.s32 $0x2710;
	s15 =	simm.s32 $0x50  }
0x5: {  	s17 =	simm.s32 $0x3;
	s18 =	simm.s32 $0x0;
	s6 =	sand.u32 $0x1, s1  }
0x6: {  	s28 =	sshll.u32 s0, $0x1;
	s1 =	rddreg [dreg:$0x3];
	s8 =	smul.u32 $0x13880, s0  }
0x7: {  	[smem:$0x7FF] =	sst s4;
	s29 =	smul.u32 $0x9C40, s0;
	s16 =	sshll.u32 s0, $0x6  }
0x8: {  	s7 =	sor.u32 s6, s28;
	_ =	strace $0x80000047;
	s9 =	sshll.u32 s6, $0x4  }
0x9: {  	s6 =	ssub.s32 $0x2, s6;
	s7 =	smul.u32 $0x4E2, s7;
	s10 =	sshrl.u32 s8, $0x3  }
0xa: {  	s8 =	sor.u32 s9, s8;
	s30 =	sshrl.u32 s6, $0x1;
	s31 =	sshrl.u32 s29, $0x2  }
0xb: {  	s8 =	sshrl.u32 s8, $0x3;
	s10 =	sadd.s32 s10, s5;
	s11 =	ssub.s32 s6, s30  }
0xc: {  	s12 =	sadd.s32 s31, s3;
	s6 =	sor.u32 $0x1C02, s16;
	s16 =	sor.u32 $0x1C03, s16  }
0xd: {  	s7 =	sadd.s32 s7, s5;
	s8 =	sadd.s32 s8, s5;
	s5 =	sadd.s32 $0x16600, s10  }
0xe: {  	s9 =	smax.u32 s11, $0x1;
	s10 =	sshrl.u32 s12, $0x3;
	s11 =	simm.s32 $0x1  }
0xf: {  	s12 =	simm.s32 $0x2;
	s7 =	sadd.s32 $0xC800, s7;
	s8 =	sadd.s32 $0x3D800, s8  }
.LBB2_1:
0x10: {  	[spmem:s10@s12], [sflag:s6] =	dma.strided [hbm:s5@s13], $0x4E2, s11, $0x2   }
0x11: {  	[tilespmem:s14], [sflag:$0x2] =	stream.linear.gather [hbm4b:s2+s4], $0x500, $0x38;
	[tilespmem:$0x5320] =	vst v63  }
0x12: {  	_ = 	snop  }
0x13: {  	[tilespmem:s4], [sflag:$0x1] =	stream.linear.gather [hbm4b:s7+s4], $0x2710, $0x38;
	[tilespmem:$0x5320] =	vst v63  }
0x14: {  	_ =	swait.ge [sflag:s12], $0x4E2  }
0x15: {  	[sflag:s12] =	ssyncset.done $0x0  }
0x16: {  	[sflag:s12] =	ssyncadd.s32 $0xFFFFFB1E  }
0x17: {  	_ =	swait.ge [sflag:s12], $0x500  }
0x18: {  	[sflag:s12] =	ssyncset.done $0x0  }
0x19: {  	[sflag:s12] =	ssyncadd.s32 $0xFFFFFB00  }
0x1a: {  	_ =	swait.ge [sflag:s11], $0x2710  }
0x1b: {  	[sflag:s11] =	ssyncset.done $0x0  }
0x1c: {  	[sflag:s11] =	ssyncadd.s32 $0xFFFFD8F0  }
0x1d: {  	s19 =	simm.s32 $0x0;
	[bflag:$0x0] =	sbarrier.arrive $0xFFFF  }
0x1e: {  	[spmem:s3] =	stream.indirect.scatter.add.f32 [tilespmem:s14], [sflag:$0x1], $0x10, s19, s15, $0xb8;
	[tilespmem:$0x5320] =	vst v63  }
0x1f: {  	s30 =	simm.s32 $0x50  }
0x20: {  	[spmem:s3] =	stream.indirect.scatter.add.f32 [tilespmem:s14], [sflag:$0x1], $0x10, s30, s15, $0xb8;
	[tilespmem:$0x5320] =	vst v63  }
0x21: {  	s31 =	simm.s32 $0xA0  }
0x22: {  	[spmem:s3] =	stream.indirect.scatter.add.f32 [tilespmem:s14], [sflag:$0x1], $0x10, s31, s15, $0xb8;
	[tilespmem:$0x5320] =	vst v63  }
0x23: {  	s20 =	simm.s32 $0xF0  }
0x24: {  	[spmem:s3] =	stream.indirect.scatter.add.f32 [tilespmem:s14], [sflag:$0x1], $0x10, s20, s15, $0xb8;
	[tilespmem:$0x5320] =	vst v63  }
0x25: {  	s21 =	simm.s32 $0x140  }
0x26: {  	[spmem:s3] =	stream.indirect.scatter.add.f32 [tilespmem:s14], [sflag:$0x1], $0x10, s21, s15, $0xb8;
	[tilespmem:$0x5320] =	vst v63  }
0x27: {  	s22 =	simm.s32 $0x190  }
0x28: {  	[spmem:s3] =	stream.indirect.scatter.add.f32 [tilespmem:s14], [sflag:$0x1], $0x10, s22, s15, $0xb8;
	[tilespmem:$0x5320] =	vst v63  }
0x29: {  	s23 =	simm.s32 $0x1E0  }
0x2a: {  	[spmem:s3] =	stream.indirect.scatter.add.f32 [tilespmem:s14], [sflag:$0x1], $0x10, s23, s15, $0xb8;
	[tilespmem:$0x5320] =	vst v63  }
0x2b: {  	s24 =	simm.s32 $0x230  }
0x2c: {  	[spmem:s3] =	stream.indirect.scatter.add.f32 [tilespmem:s14], [sflag:$0x1], $0x10, s24, s15, $0xb8;
	[tilespmem:$0x5320] =	vst v63  }
0x2d: {  	s25 =	simm.s32 $0x280  }
0x2e: {  	[spmem:s3] =	stream.indirect.scatter.add.f32 [tilespmem:s14], [sflag:$0x1], $0x10, s25, s15, $0xb8;
	[tilespmem:$0x5320] =	vst v63  }
0x2f: {  	s26 =	simm.s32 $0x2D0  }
0x30: {  	[spmem:s3] =	stream.indirect.scatter.add.f32 [tilespmem:s14], [sflag:$0x1], $0x10, s26, s15, $0xb8;
	[tilespmem:$0x5320] =	vst v63  }
0x31: {  	s28 =	simm.s32 $0x320  }
0x32: {  	[spmem:s3] =	stream.indirect.scatter.add.f32 [tilespmem:s14], [sflag:$0x1], $0x10, s28, s15, $0xb8;
	[tilespmem:$0x5320] =	vst v63  }
0x33: {  	s29 =	simm.s32 $0x370  }
0x34: {  	[spmem:s3] =	stream.indirect.scatter.add.f32 [tilespmem:s14], [sflag:$0x1], $0x10, s29, s15, $0xb8;
	[tilespmem:$0x5320] =	vst v63  }
0x35: {  	s30 =	simm.s32 $0x3C0  }
0x36: {  	[spmem:s3] =	stream.indirect.scatter.add.f32 [tilespmem:s14], [sflag:$0x1], $0x10, s30, s15, $0xb8;
	[tilespmem:$0x5320] =	vst v63  }
0x37: {  	s31 =	simm.s32 $0x410  }
0x38: {  	[spmem:s3] =	stream.indirect.scatter.add.f32 [tilespmem:s14], [sflag:$0x1], $0x10, s31, s15, $0xb8;
	[tilespmem:$0x5320] =	vst v63  }
0x39: {  	s20 =	simm.s32 $0x460  }
0x3a: {  	[spmem:s3] =	stream.indirect.scatter.add.f32 [tilespmem:s14], [sflag:$0x1], $0x10, s20, s15, $0xb8;
	[tilespmem:$0x5320] =	vst v63  }
0x3b: {  	s21 =	simm.s32 $0x4B0  }
0x3c: {  	[spmem:s3] =	stream.indirect.scatter.add.f32 [tilespmem:s14], [sflag:$0x1], $0x10, s21, s15, $0xb8;
	[tilespmem:$0x5320] =	vst v63  }
0x3d: {  	s22 =	simm.s32 $0x500  }
0x3e: {  	[spmem:s3] =	stream.indirect.scatter.add.f32 [tilespmem:s14], [sflag:$0x1], $0x10, s22, s15, $0xb8;
	[tilespmem:$0x5320] =	vst v63  }
0x3f: {  	s23 =	simm.s32 $0x550  }
0x40: {  	[spmem:s3] =	stream.indirect.scatter.add.f32 [tilespmem:s14], [sflag:$0x1], $0x10, s23, s15, $0xb8;
	[tilespmem:$0x5320] =	vst v63  }
0x41: {  	s24 =	simm.s32 $0x5A0  }
0x42: {  	[spmem:s3] =	stream.indirect.scatter.add.f32 [tilespmem:s14], [sflag:$0x1], $0x10, s24, s15, $0xb8;
	[tilespmem:$0x5320] =	vst v63  }
0x43: {  	s25 =	simm.s32 $0x5F0  }
0x44: {  	[spmem:s3] =	stream.indirect.scatter.add.f32 [tilespmem:s14], [sflag:$0x1], $0x10, s25, s15, $0xb8;
	[tilespmem:$0x5320] =	vst v63  }
0x45: {  	s26 =	simm.s32 $0x640  }
0x46: {  	[spmem:s3] =	stream.indirect.scatter.add.f32 [tilespmem:s14], [sflag:$0x1], $0x10, s26, s15, $0xb8;
	[tilespmem:$0x5320] =	vst v63  }
0x47: {  	s28 =	simm.s32 $0x690  }
0x48: {  	[spmem:s3] =	stream.indirect.scatter.add.f32 [tilespmem:s14], [sflag:$0x1], $0x10, s28, s15, $0xb8;
	[tilespmem:$0x5320] =	vst v63  }
0x49: {  	s29 =	simm.s32 $0x6E0  }
0x4a: {  	[spmem:s3] =	stream.indirect.scatter.add.f32 [tilespmem:s14], [sflag:$0x1], $0x10, s29, s15, $0xb8;
	[tilespmem:$0x5320] =	vst v63  }
0x4b: {  	s30 =	simm.s32 $0x730  }
0x4c: {  	[spmem:s3] =	stream.indirect.scatter.add.f32 [tilespmem:s14], [sflag:$0x1], $0x10, s30, s15, $0xb8;
	[tilespmem:$0x5320] =	vst v63  }
0x4d: {  	s31 =	simm.s32 $0x780  }
0x4e: {  	[spmem:s3] =	stream.indirect.scatter.add.f32 [tilespmem:s14], [sflag:$0x1], $0x10, s31, s15, $0xb8;
	[tilespmem:$0x5320] =	vst v63  }
0x4f: {  	_ =	swait.ge [sflag:s11], $0x500  }
0x50: {  	[sflag:s11] =	ssyncset.done $0x0  }
0x51: {  	[sflag:s11] =	ssyncadd.s32 $0xFFFFFB00  }
0x52: {  	_ =	swait.ge [sflag:s11], $0x500  }
0x53: {  	[sflag:s11] =	ssyncset.done $0x0  }
0x54: {  	[sflag:s11] =	ssyncadd.s32 $0xFFFFFB00  }
0x55: {  	_ =	swait.ge [sflag:s11], $0x500  }
0x56: {  	[sflag:s11] =	ssyncset.done $0x0  }
0x57: {  	[sflag:s11] =	ssyncadd.s32 $0xFFFFFB00  }
0x58: {  	_ =	swait.ge [sflag:s11], $0x500  }
0x59: {  	[sflag:s11] =	ssyncset.done $0x0  }
0x5a: {  	[sflag:s11] =	ssyncadd.s32 $0xFFFFFB00  }
0x5b: {  	_ =	swait.ge [sflag:s11], $0x500  }
0x5c: {  	[sflag:s11] =	ssyncset.done $0x0  }
0x5d: {  	[sflag:s11] =	ssyncadd.s32 $0xFFFFFB00  }
0x5e: {  	_ =	swait.ge [sflag:s11], $0x500  }
0x5f: {  	[sflag:s11] =	ssyncset.done $0x0  }
0x60: {  	[sflag:s11] =	ssyncadd.s32 $0xFFFFFB00  }
0x61: {  	_ =	swait.ge [sflag:s11], $0x500  }
0x62: {  	[sflag:s11] =	ssyncset.done $0x0  }
0x63: {  	[sflag:s11] =	ssyncadd.s32 $0xFFFFFB00  }
0x64: {  	_ =	swait.ge [sflag:s11], $0x500  }
0x65: {  	[sflag:s11] =	ssyncset.done $0x0  }
0x66: {  	[sflag:s11] =	ssyncadd.s32 $0xFFFFFB00  }
0x67: {  	_ =	swait.ge [sflag:s11], $0x500  }
0x68: {  	[sflag:s11] =	ssyncset.done $0x0  }
0x69: {  	[sflag:s11] =	ssyncadd.s32 $0xFFFFFB00  }
0x6a: {  	_ =	swait.ge [sflag:s11], $0x500  }
0x6b: {  	[sflag:s11] =	ssyncset.done $0x0  }
0x6c: {  	[sflag:s11] =	ssyncadd.s32 $0xFFFFFB00  }
0x6d: {  	_ =	swait.ge [sflag:s11], $0x500  }
0x6e: {  	[sflag:s11] =	ssyncset.done $0x0  }
0x6f: {  	[sflag:s11] =	ssyncadd.s32 $0xFFFFFB00  }
0x70: {  	_ =	swait.ge [sflag:s11], $0x500  }
0x71: {  	[sflag:s11] =	ssyncset.done $0x0  }
0x72: {  	[sflag:s11] =	ssyncadd.s32 $0xFFFFFB00  }
0x73: {  	_ =	swait.ge [sflag:s11], $0x500  }
0x74: {  	[sflag:s11] =	ssyncset.done $0x0  }
0x75: {  	[sflag:s11] =	ssyncadd.s32 $0xFFFFFB00  }
0x76: {  	_ =	swait.ge [sflag:s11], $0x500  }
0x77: {  	[sflag:s11] =	ssyncset.done $0x0  }
0x78: {  	[sflag:s11] =	ssyncadd.s32 $0xFFFFFB00  }
0x79: {  	_ =	swait.ge [sflag:s11], $0x500  }
0x7a: {  	[sflag:s11] =	ssyncset.done $0x0  }
0x7b: {  	[sflag:s11] =	ssyncadd.s32 $0xFFFFFB00  }
0x7c: {  	_ =	swait.ge [sflag:s11], $0x500  }
0x7d: {  	[sflag:s11] =	ssyncset.done $0x0  }
0x7e: {  	[sflag:s11] =	ssyncadd.s32 $0xFFFFFB00  }
0x7f: {  	_ =	swait.ge [sflag:s11], $0x500  }
0x80: {  	[sflag:s11] =	ssyncset.done $0x0  }
0x81: {  	[sflag:s11] =	ssyncadd.s32 $0xFFFFFB00  }
0x82: {  	_ =	swait.ge [sflag:s11], $0x500  }
0x83: {  	[sflag:s11] =	ssyncset.done $0x0  }
0x84: {  	[sflag:s11] =	ssyncadd.s32 $0xFFFFFB00  }
0x85: {  	_ =	swait.ge [sflag:s11], $0x500  }
0x86: {  	[sflag:s11] =	ssyncset.done $0x0  }
0x87: {  	[sflag:s11] =	ssyncadd.s32 $0xFFFFFB00  }
0x88: {  	_ =	swait.ge [sflag:s11], $0x500  }
0x89: {  	[sflag:s11] =	ssyncset.done $0x0  }
0x8a: {  	[sflag:s11] =	ssyncadd.s32 $0xFFFFFB00  }
0x8b: {  	_ =	swait.ge [sflag:s11], $0x500  }
0x8c: {  	[sflag:s11] =	ssyncset.done $0x0  }
0x8d: {  	[sflag:s11] =	ssyncadd.s32 $0xFFFFFB00  }
0x8e: {  	_ =	swait.ge [sflag:s11], $0x500  }
0x8f: {  	[sflag:s11] =	ssyncset.done $0x0  }
0x90: {  	[sflag:s11] =	ssyncadd.s32 $0xFFFFFB00  }
0x91: {  	_ =	swait.ge [sflag:s11], $0x500  }
0x92: {  	[sflag:s11] =	ssyncset.done $0x0  }
0x93: {  	[sflag:s11] =	ssyncadd.s32 $0xFFFFFB00  }
0x94: {  	_ =	swait.ge [sflag:s11], $0x500  }
0x95: {  	[sflag:s11] =	ssyncset.done $0x0  }
0x96: {  	[sflag:s11] =	ssyncadd.s32 $0xFFFFFB00  }
0x97: {  	_ =	swait.ge [sflag:s11], $0x500  }
0x98: {  	s19 =	simm.s32 $0x1F40;
	s22 =	simm.s32 $0x3E80;
	[sflag:s11] =	ssyncset.done $0x0  }
.LBB2_2:
0x99: {  	s21 =	sshra.s32 s19, $0x2  }
0x9a: {  	[sflag:s11] =	ssyncadd.s32 $0xFFFFFB00;
	s19 =	smov.u32 s22;
	s20 =	sadd.s32 $0x1F40, s22  }
0x9b: {  	[spmem:s3] =	stream.indirect.scatter.add.f32 [tilespmem:s14], [sflag:$0x1], $0x10, s21, s15, $0xb8;
	[tilespmem:$0x5320] =	vst v63  }
0x9c: {  	p0 =	sne.s32 s22, $0x7D00;
	s22 =	sadd.s32 $0x50, s21  }
0x9d: {  	[spmem:s3] =	stream.indirect.scatter.add.f32 [tilespmem:s14], [sflag:$0x1], $0x10, s22, s15, $0xb8;
	[tilespmem:$0x5320] =	vst v63  }
0x9e: {  	s22 =	sadd.s32 $0xA0, s21  }
0x9f: {  	[spmem:s3] =	stream.indirect.scatter.add.f32 [tilespmem:s14], [sflag:$0x1], $0x10, s22, s15, $0xb8;
	[tilespmem:$0x5320] =	vst v63  }
0xa0: {  	s22 =	sadd.s32 $0xF0, s21  }
0xa1: {  	[spmem:s3] =	stream.indirect.scatter.add.f32 [tilespmem:s14], [sflag:$0x1], $0x10, s22, s15, $0xb8;
	[tilespmem:$0x5320] =	vst v63  }
0xa2: {  	s22 =	sadd.s32 $0x140, s21  }
0xa3: {  	[spmem:s3] =	stream.indirect.scatter.add.f32 [tilespmem:s14], [sflag:$0x1], $0x10, s22, s15, $0xb8;
	[tilespmem:$0x5320] =	vst v63  }
0xa4: {  	s22 =	sadd.s32 $0x190, s21  }
0xa5: {  	[spmem:s3] =	stream.indirect.scatter.add.f32 [tilespmem:s14], [sflag:$0x1], $0x10, s22, s15, $0xb8;
	[tilespmem:$0x5320] =	vst v63  }
0xa6: {  	s22 =	sadd.s32 $0x1E0, s21  }
0xa7: {  	[spmem:s3] =	stream.indirect.scatter.add.f32 [tilespmem:s14], [sflag:$0x1], $0x10, s22, s15, $0xb8;
	[tilespmem:$0x5320] =	vst v63  }
0xa8: {  	s22 =	sadd.s32 $0x230, s21  }
0xa9: {  	[spmem:s3] =	stream.indirect.scatter.add.f32 [tilespmem:s14], [sflag:$0x1], $0x10, s22, s15, $0xb8;
	[tilespmem:$0x5320] =	vst v63  }
0xaa: {  	s22 =	sadd.s32 $0x280, s21  }
0xab: {  	[spmem:s3] =	stream.indirect.scatter.add.f32 [tilespmem:s14], [sflag:$0x1], $0x10, s22, s15, $0xb8;
	[tilespmem:$0x5320] =	vst v63  }
0xac: {  	s22 =	sadd.s32 $0x2D0, s21  }
0xad: {  	[spmem:s3] =	stream.indirect.scatter.add.f32 [tilespmem:s14], [sflag:$0x1], $0x10, s22, s15, $0xb8;
	[tilespmem:$0x5320] =	vst v63  }
0xae: {  	s22 =	sadd.s32 $0x320, s21  }
0xaf: {  	[spmem:s3] =	stream.indirect.scatter.add.f32 [tilespmem:s14], [sflag:$0x1], $0x10, s22, s15, $0xb8;
	[tilespmem:$0x5320] =	vst v63  }
0xb0: {  	s22 =	sadd.s32 $0x370, s21  }
0xb1: {  	[spmem:s3] =	stream.indirect.scatter.add.f32 [tilespmem:s14], [sflag:$0x1], $0x10, s22, s15, $0xb8;
	[tilespmem:$0x5320] =	vst v63  }
0xb2: {  	s22 =	sadd.s32 $0x3C0, s21  }
0xb3: {  	[spmem:s3] =	stream.indirect.scatter.add.f32 [tilespmem:s14], [sflag:$0x1], $0x10, s22, s15, $0xb8;
	[tilespmem:$0x5320] =	vst v63  }
0xb4: {  	s22 =	sadd.s32 $0x410, s21  }
0xb5: {  	[spmem:s3] =	stream.indirect.scatter.add.f32 [tilespmem:s14], [sflag:$0x1], $0x10, s22, s15, $0xb8;
	[tilespmem:$0x5320] =	vst v63  }
0xb6: {  	s22 =	sadd.s32 $0x460, s21  }
0xb7: {  	[spmem:s3] =	stream.indirect.scatter.add.f32 [tilespmem:s14], [sflag:$0x1], $0x10, s22, s15, $0xb8;
	[tilespmem:$0x5320] =	vst v63  }
0xb8: {  	s22 =	sadd.s32 $0x4B0, s21  }
0xb9: {  	[spmem:s3] =	stream.indirect.scatter.add.f32 [tilespmem:s14], [sflag:$0x1], $0x10, s22, s15, $0xb8;
	[tilespmem:$0x5320] =	vst v63  }
0xba: {  	s22 =	sadd.s32 $0x500, s21  }
0xbb: {  	[spmem:s3] =	stream.indirect.scatter.add.f32 [tilespmem:s14], [sflag:$0x1], $0x10, s22, s15, $0xb8;
	[tilespmem:$0x5320] =	vst v63  }
0xbc: {  	s22 =	sadd.s32 $0x550, s21  }
0xbd: {  	[spmem:s3] =	stream.indirect.scatter.add.f32 [tilespmem:s14], [sflag:$0x1], $0x10, s22, s15, $0xb8;
	[tilespmem:$0x5320] =	vst v63  }
0xbe: {  	s22 =	sadd.s32 $0x5A0, s21  }
0xbf: {  	[spmem:s3] =	stream.indirect.scatter.add.f32 [tilespmem:s14], [sflag:$0x1], $0x10, s22, s15, $0xb8;
	[tilespmem:$0x5320] =	vst v63  }
0xc0: {  	s22 =	sadd.s32 $0x5F0, s21  }
0xc1: {  	[spmem:s3] =	stream.indirect.scatter.add.f32 [tilespmem:s14], [sflag:$0x1], $0x10, s22, s15, $0xb8;
	[tilespmem:$0x5320] =	vst v63  }
0xc2: {  	s22 =	sadd.s32 $0x640, s21  }
0xc3: {  	[spmem:s3] =	stream.indirect.scatter.add.f32 [tilespmem:s14], [sflag:$0x1], $0x10, s22, s15, $0xb8;
	[tilespmem:$0x5320] =	vst v63  }
0xc4: {  	s22 =	sadd.s32 $0x690, s21  }
0xc5: {  	[spmem:s3] =	stream.indirect.scatter.add.f32 [tilespmem:s14], [sflag:$0x1], $0x10, s22, s15, $0xb8;
	[tilespmem:$0x5320] =	vst v63  }
0xc6: {  	s22 =	sadd.s32 $0x6E0, s21  }
0xc7: {  	[spmem:s3] =	stream.indirect.scatter.add.f32 [tilespmem:s14], [sflag:$0x1], $0x10, s22, s15, $0xb8;
	[tilespmem:$0x5320] =	vst v63  }
0xc8: {  	s22 =	sadd.s32 $0x730, s21  }
0xc9: {  	[spmem:s3] =	stream.indirect.scatter.add.f32 [tilespmem:s14], [sflag:$0x1], $0x10, s22, s15, $0xb8;
	[tilespmem:$0x5320] =	vst v63  }
0xca: {  	s21 =	sadd.s32 $0x780, s21  }
0xcb: {  	[spmem:s3] =	stream.indirect.scatter.add.f32 [tilespmem:s14], [sflag:$0x1], $0x10, s21, s15, $0xb8;
	[tilespmem:$0x5320] =	vst v63  }
0xcc: {  	_ =	swait.ge [sflag:s11], $0x500  }
0xcd: {  	[sflag:s11] =	ssyncset.done $0x0  }
0xce: {  	[sflag:s11] =	ssyncadd.s32 $0xFFFFFB00  }
0xcf: {  	_ =	swait.ge [sflag:s11], $0x500  }
0xd0: {  	[sflag:s11] =	ssyncset.done $0x0  }
0xd1: {  	[sflag:s11] =	ssyncadd.s32 $0xFFFFFB00  }
0xd2: {  	_ =	swait.ge [sflag:s11], $0x500  }
0xd3: {  	[sflag:s11] =	ssyncset.done $0x0  }
0xd4: {  	[sflag:s11] =	ssyncadd.s32 $0xFFFFFB00  }
0xd5: {  	_ =	swait.ge [sflag:s11], $0x500  }
0xd6: {  	[sflag:s11] =	ssyncset.done $0x0  }
0xd7: {  	[sflag:s11] =	ssyncadd.s32 $0xFFFFFB00  }
0xd8: {  	_ =	swait.ge [sflag:s11], $0x500  }
0xd9: {  	[sflag:s11] =	ssyncset.done $0x0  }
0xda: {  	[sflag:s11] =	ssyncadd.s32 $0xFFFFFB00  }
0xdb: {  	_ =	swait.ge [sflag:s11], $0x500  }
0xdc: {  	[sflag:s11] =	ssyncset.done $0x0  }
0xdd: {  	[sflag:s11] =	ssyncadd.s32 $0xFFFFFB00  }
0xde: {  	_ =	swait.ge [sflag:s11], $0x500  }
0xdf: {  	[sflag:s11] =	ssyncset.done $0x0  }
0xe0: {  	[sflag:s11] =	ssyncadd.s32 $0xFFFFFB00  }
0xe1: {  	_ =	swait.ge [sflag:s11], $0x500  }
0xe2: {  	[sflag:s11] =	ssyncset.done $0x0  }
0xe3: {  	[sflag:s11] =	ssyncadd.s32 $0xFFFFFB00  }
0xe4: {  	_ =	swait.ge [sflag:s11], $0x500  }
0xe5: {  	[sflag:s11] =	ssyncset.done $0x0  }
0xe6: {  	[sflag:s11] =	ssyncadd.s32 $0xFFFFFB00  }
0xe7: {  	_ =	swait.ge [sflag:s11], $0x500  }
0xe8: {  	[sflag:s11] =	ssyncset.done $0x0  }
0xe9: {  	[sflag:s11] =	ssyncadd.s32 $0xFFFFFB00  }
0xea: {  	_ =	swait.ge [sflag:s11], $0x500  }
0xeb: {  	[sflag:s11] =	ssyncset.done $0x0  }
0xec: {  	[sflag:s11] =	ssyncadd.s32 $0xFFFFFB00  }
0xed: {  	_ =	swait.ge [sflag:s11], $0x500  }
0xee: {  	[sflag:s11] =	ssyncset.done $0x0  }
0xef: {  	[sflag:s11] =	ssyncadd.s32 $0xFFFFFB00  }
0xf0: {  	_ =	swait.ge [sflag:s11], $0x500  }
0xf1: {  	[sflag:s11] =	ssyncset.done $0x0  }
0xf2: {  	[sflag:s11] =	ssyncadd.s32 $0xFFFFFB00  }
0xf3: {  	_ =	swait.ge [sflag:s11], $0x500  }
0xf4: {  	[sflag:s11] =	ssyncset.done $0x0  }
0xf5: {  	[sflag:s11] =	ssyncadd.s32 $0xFFFFFB00  }
0xf6: {  	_ =	swait.ge [sflag:s11], $0x500  }
0xf7: {  	[sflag:s11] =	ssyncset.done $0x0  }
0xf8: {  	[sflag:s11] =	ssyncadd.s32 $0xFFFFFB00  }
0xf9: {  	_ =	swait.ge [sflag:s11], $0x500  }
0xfa: {  	[sflag:s11] =	ssyncset.done $0x0  }
0xfb: {  	[sflag:s11] =	ssyncadd.s32 $0xFFFFFB00  }
0xfc: {  	_ =	swait.ge [sflag:s11], $0x500  }
0xfd: {  	[sflag:s11] =	ssyncset.done $0x0  }
0xfe: {  	[sflag:s11] =	ssyncadd.s32 $0xFFFFFB00  }
0xff: {  	_ =	swait.ge [sflag:s11], $0x500  }
0x100: {  	[sflag:s11] =	ssyncset.done $0x0  }
0x101: {  	[sflag:s11] =	ssyncadd.s32 $0xFFFFFB00  }
0x102: {  	_ =	swait.ge [sflag:s11], $0x500  }
0x103: {  	[sflag:s11] =	ssyncset.done $0x0  }
0x104: {  	[sflag:s11] =	ssyncadd.s32 $0xFFFFFB00  }
0x105: {  	_ =	swait.ge [sflag:s11], $0x500  }
0x106: {  	[sflag:s11] =	ssyncset.done $0x0  }
0x107: {  	[sflag:s11] =	ssyncadd.s32 $0xFFFFFB00  }
0x108: {  	_ =	swait.ge [sflag:s11], $0x500  }
0x109: {  	[sflag:s11] =	ssyncset.done $0x0  }
0x10a: {  	[sflag:s11] =	ssyncadd.s32 $0xFFFFFB00  }
0x10b: {  	_ =	swait.ge [sflag:s11], $0x500  }
0x10c: {  	[sflag:s11] =	ssyncset.done $0x0  }
0x10d: {  	[sflag:s11] =	ssyncadd.s32 $0xFFFFFB00  }
0x10e: {  	_ =	swait.ge [sflag:s11], $0x500  }
0x10f: {  	[sflag:s11] =	ssyncset.done $0x0  }
0x110: {  	[sflag:s11] =	ssyncadd.s32 $0xFFFFFB00  }
.Ltmp0:
0x111: {  	_ =	swait.ge [sflag:s11], $0x500;
	(pc) =	sbr.rel @p0 .LBB2_2-.Ltmp0, $4  }
0x112: {  	[sflag:s11] =	ssyncset.done $0x0  }
0x113: {  	[sflag:s11] =	ssyncadd.s32 $0xFFFFFB00  }
0x114: {  	_ =	swait.ge [sflag:s11], $0x500  }
0x115: {  	s22 =	smov.u32 s20;
	[sflag:s11] =	ssyncset.done $0x0  }
0x116: {  	s19 =	sshra.s32 s19, $0x2;
	[sflag:s11] =	ssyncadd.s32 $0xFFFFFB00  }
0x117: {  	[spmem:s3] =	stream.indirect.scatter.add.f32 [tilespmem:s14], [sflag:$0x1], $0x10, s19, s15, $0xb8;
	[tilespmem:$0x5320] =	vst v63  }
0x118: {  	s20 =	sadd.s32 $0x50, s19  }
0x119: {  	[spmem:s3] =	stream.indirect.scatter.add.f32 [tilespmem:s14], [sflag:$0x1], $0x10, s20, s15, $0xb8;
	[tilespmem:$0x5320] =	vst v63  }
0x11a: {  	s30 =	sadd.s32 $0xA0, s19  }
0x11b: {  	[spmem:s3] =	stream.indirect.scatter.add.f32 [tilespmem:s14], [sflag:$0x1], $0x10, s30, s15, $0xb8;
	[tilespmem:$0x5320] =	vst v63  }
0x11c: {  	s31 =	sadd.s32 $0xF0, s19  }
0x11d: {  	[spmem:s3] =	stream.indirect.scatter.add.f32 [tilespmem:s14], [sflag:$0x1], $0x10, s31, s15, $0xb8;
	[tilespmem:$0x5320] =	vst v63  }
0x11e: {  	s21 =	sadd.s32 $0x140, s19  }
0x11f: {  	[spmem:s3] =	stream.indirect.scatter.add.f32 [tilespmem:s14], [sflag:$0x1], $0x10, s21, s15, $0xb8;
	[tilespmem:$0x5320] =	vst v63  }
0x120: {  	s22 =	sadd.s32 $0x190, s19  }
0x121: {  	[spmem:s3] =	stream.indirect.scatter.add.f32 [tilespmem:s14], [sflag:$0x1], $0x10, s22, s15, $0xb8;
	[tilespmem:$0x5320] =	vst v63  }
0x122: {  	s23 =	sadd.s32 $0x1E0, s19  }
0x123: {  	[spmem:s3] =	stream.indirect.scatter.add.f32 [tilespmem:s14], [sflag:$0x1], $0x10, s23, s15, $0xb8;
	[tilespmem:$0x5320] =	vst v63  }
0x124: {  	s24 =	sadd.s32 $0x230, s19  }
0x125: {  	[spmem:s3] =	stream.indirect.scatter.add.f32 [tilespmem:s14], [sflag:$0x1], $0x10, s24, s15, $0xb8;
	[tilespmem:$0x5320] =	vst v63  }
0x126: {  	s25 =	sadd.s32 $0x280, s19  }
0x127: {  	[spmem:s3] =	stream.indirect.scatter.add.f32 [tilespmem:s14], [sflag:$0x1], $0x10, s25, s15, $0xb8;
	[tilespmem:$0x5320] =	vst v63  }
0x128: {  	s26 =	sadd.s32 $0x2D0, s19  }
0x129: {  	[spmem:s3] =	stream.indirect.scatter.add.f32 [tilespmem:s14], [sflag:$0x1], $0x10, s26, s15, $0xb8;
	[tilespmem:$0x5320] =	vst v63  }
0x12a: {  	s28 =	sadd.s32 $0x320, s19  }
0x12b: {  	[spmem:s3] =	stream.indirect.scatter.add.f32 [tilespmem:s14], [sflag:$0x1], $0x10, s28, s15, $0xb8;
	[tilespmem:$0x5320] =	vst v63  }
0x12c: {  	s29 =	sadd.s32 $0x370, s19  }
0x12d: {  	[spmem:s3] =	stream.indirect.scatter.add.f32 [tilespmem:s14], [sflag:$0x1], $0x10, s29, s15, $0xb8;
	[tilespmem:$0x5320] =	vst v63  }
0x12e: {  	s30 =	sadd.s32 $0x3C0, s19  }
0x12f: {  	[spmem:s3] =	stream.indirect.scatter.add.f32 [tilespmem:s14], [sflag:$0x1], $0x10, s30, s15, $0xb8;
	[tilespmem:$0x5320] =	vst v63  }
0x130: {  	s31 =	sadd.s32 $0x410, s19  }
0x131: {  	[spmem:s3] =	stream.indirect.scatter.add.f32 [tilespmem:s14], [sflag:$0x1], $0x10, s31, s15, $0xb8;
	[tilespmem:$0x5320] =	vst v63  }
0x132: {  	s21 =	sadd.s32 $0x460, s19  }
0x133: {  	[spmem:s3] =	stream.indirect.scatter.add.f32 [tilespmem:s14], [sflag:$0x1], $0x10, s21, s15, $0xb8;
	[tilespmem:$0x5320] =	vst v63  }
0x134: {  	s22 =	sadd.s32 $0x4B0, s19  }
0x135: {  	[spmem:s3] =	stream.indirect.scatter.add.f32 [tilespmem:s14], [sflag:$0x1], $0x10, s22, s15, $0xb8;
	[tilespmem:$0x5320] =	vst v63  }
0x136: {  	s23 =	sadd.s32 $0x500, s19  }
0x137: {  	[spmem:s3] =	stream.indirect.scatter.add.f32 [tilespmem:s14], [sflag:$0x1], $0x10, s23, s15, $0xb8;
	[tilespmem:$0x5320] =	vst v63  }
0x138: {  	s24 =	sadd.s32 $0x550, s19  }
0x139: {  	[spmem:s3] =	stream.indirect.scatter.add.f32 [tilespmem:s14], [sflag:$0x1], $0x10, s24, s15, $0xb8;
	[tilespmem:$0x5320] =	vst v63  }
0x13a: {  	s25 =	sadd.s32 $0x5A0, s19  }
0x13b: {  	[spmem:s3] =	stream.indirect.scatter.add.f32 [tilespmem:s14], [sflag:$0x1], $0x10, s25, s15, $0xb8;
	[tilespmem:$0x5320] =	vst v63  }
0x13c: {  	s26 =	sadd.s32 $0x5F0, s19  }
0x13d: {  	[spmem:s3] =	stream.indirect.scatter.add.f32 [tilespmem:s14], [sflag:$0x1], $0x10, s26, s15, $0xb8;
	[tilespmem:$0x5320] =	vst v63  }
0x13e: {  	s28 =	sadd.s32 $0x640, s19  }
0x13f: {  	[spmem:s3] =	stream.indirect.scatter.add.f32 [tilespmem:s14], [sflag:$0x1], $0x10, s28, s15, $0xb8;
	[tilespmem:$0x5320] =	vst v63  }
0x140: {  	s29 =	sadd.s32 $0x690, s19  }
0x141: {  	[spmem:s3] =	stream.indirect.scatter.add.f32 [tilespmem:s14], [sflag:$0x1], $0x10, s29, s15, $0xb8;
	[tilespmem:$0x5320] =	vst v63  }
0x142: {  	s30 =	sadd.s32 $0x6E0, s19  }
0x143: {  	[spmem:s3] =	stream.indirect.scatter.add.f32 [tilespmem:s14], [sflag:$0x1], $0x10, s30, s15, $0xb8;
	[tilespmem:$0x5320] =	vst v63  }
0x144: {  	s31 =	sadd.s32 $0x730, s19  }
0x145: {  	[spmem:s3] =	stream.indirect.scatter.add.f32 [tilespmem:s14], [sflag:$0x1], $0x10, s31, s15, $0xb8;
	[tilespmem:$0x5320] =	vst v63  }
0x146: {  	s19 =	sadd.s32 $0x780, s19  }
0x147: {  	[spmem:s3] =	stream.indirect.scatter.add.f32 [tilespmem:s14], [sflag:$0x1], $0x10, s19, s15, $0xb8;
	[tilespmem:$0x5320] =	vst v63  }
0x148: {  	_ =	swait.ge [sflag:s11], $0x500  }
0x149: {  	[sflag:s11] =	ssyncset.done $0x0  }
0x14a: {  	[sflag:s11] =	ssyncadd.s32 $0xFFFFFB00  }
0x14b: {  	_ =	swait.ge [sflag:s11], $0x500  }
0x14c: {  	[sflag:s11] =	ssyncset.done $0x0  }
0x14d: {  	[sflag:s11] =	ssyncadd.s32 $0xFFFFFB00  }
0x14e: {  	_ =	swait.ge [sflag:s11], $0x500  }
0x14f: {  	[sflag:s11] =	ssyncset.done $0x0  }
0x150: {  	[sflag:s11] =	ssyncadd.s32 $0xFFFFFB00  }
0x151: {  	_ =	swait.ge [sflag:s11], $0x500  }
0x152: {  	[sflag:s11] =	ssyncset.done $0x0  }
0x153: {  	[sflag:s11] =	ssyncadd.s32 $0xFFFFFB00  }
0x154: {  	_ =	swait.ge [sflag:s11], $0x500  }
0x155: {  	[sflag:s11] =	ssyncset.done $0x0  }
0x156: {  	[sflag:s11] =	ssyncadd.s32 $0xFFFFFB00  }
0x157: {  	_ =	swait.ge [sflag:s11], $0x500  }
0x158: {  	[sflag:s11] =	ssyncset.done $0x0  }
0x159: {  	[sflag:s11] =	ssyncadd.s32 $0xFFFFFB00  }
0x15a: {  	_ =	swait.ge [sflag:s11], $0x500  }
0x15b: {  	[sflag:s11] =	ssyncset.done $0x0  }
0x15c: {  	[sflag:s11] =	ssyncadd.s32 $0xFFFFFB00  }
0x15d: {  	_ =	swait.ge [sflag:s11], $0x500  }
0x15e: {  	[sflag:s11] =	ssyncset.done $0x0  }
0x15f: {  	[sflag:s11] =	ssyncadd.s32 $0xFFFFFB00  }
0x160: {  	_ =	swait.ge [sflag:s11], $0x500  }
0x161: {  	[sflag:s11] =	ssyncset.done $0x0  }
0x162: {  	[sflag:s11] =	ssyncadd.s32 $0xFFFFFB00  }
0x163: {  	_ =	swait.ge [sflag:s11], $0x500  }
0x164: {  	[sflag:s11] =	ssyncset.done $0x0  }
0x165: {  	[sflag:s11] =	ssyncadd.s32 $0xFFFFFB00  }
0x166: {  	_ =	swait.ge [sflag:s11], $0x500  }
0x167: {  	[sflag:s11] =	ssyncset.done $0x0  }
0x168: {  	[sflag:s11] =	ssyncadd.s32 $0xFFFFFB00  }
0x169: {  	_ =	swait.ge [sflag:s11], $0x500  }
0x16a: {  	[sflag:s11] =	ssyncset.done $0x0  }
0x16b: {  	[sflag:s11] =	ssyncadd.s32 $0xFFFFFB00  }
0x16c: {  	_ =	swait.ge [sflag:s11], $0x500  }
0x16d: {  	[sflag:s11] =	ssyncset.done $0x0  }
0x16e: {  	[sflag:s11] =	ssyncadd.s32 $0xFFFFFB00  }
0x16f: {  	_ =	swait.ge [sflag:s11], $0x500  }
0x170: {  	[sflag:s11] =	ssyncset.done $0x0  }
0x171: {  	[sflag:s11] =	ssyncadd.s32 $0xFFFFFB00  }
0x172: {  	_ =	swait.ge [sflag:s11], $0x500  }
0x173: {  	[sflag:s11] =	ssyncset.done $0x0  }
0x174: {  	[sflag:s11] =	ssyncadd.s32 $0xFFFFFB00  }
0x175: {  	_ =	swait.ge [sflag:s11], $0x500  }
0x176: {  	[sflag:s11] =	ssyncset.done $0x0  }
0x177: {  	[sflag:s11] =	ssyncadd.s32 $0xFFFFFB00  }
0x178: {  	_ =	swait.ge [sflag:s11], $0x500  }
0x179: {  	[sflag:s11] =	ssyncset.done $0x0  }
0x17a: {  	[sflag:s11] =	ssyncadd.s32 $0xFFFFFB00  }
0x17b: {  	_ =	swait.ge [sflag:s11], $0x500  }
0x17c: {  	[sflag:s11] =	ssyncset.done $0x0  }
0x17d: {  	[sflag:s11] =	ssyncadd.s32 $0xFFFFFB00  }
0x17e: {  	_ =	swait.ge [sflag:s11], $0x500  }
0x17f: {  	[sflag:s11] =	ssyncset.done $0x0  }
0x180: {  	[sflag:s11] =	ssyncadd.s32 $0xFFFFFB00  }
0x181: {  	_ =	swait.ge [sflag:s11], $0x500  }
0x182: {  	[sflag:s11] =	ssyncset.done $0x0  }
0x183: {  	[sflag:s11] =	ssyncadd.s32 $0xFFFFFB00  }
0x184: {  	_ =	swait.ge [sflag:s11], $0x500  }
0x185: {  	[sflag:s11] =	ssyncset.done $0x0  }
0x186: {  	[sflag:s11] =	ssyncadd.s32 $0xFFFFFB00  }
0x187: {  	_ =	swait.ge [sflag:s11], $0x500  }
0x188: {  	[sflag:s11] =	ssyncset.done $0x0  }
0x189: {  	[sflag:s11] =	ssyncadd.s32 $0xFFFFFB00  }
0x18a: {  	_ =	swait.ge [sflag:s11], $0x500  }
0x18b: {  	[sflag:s11] =	ssyncset.done $0x0  }
0x18c: {  	[sflag:s11] =	ssyncadd.s32 $0xFFFFFB00  }
0x18d: {  	_ =	swait.ge [sflag:s11], $0x500  }
0x18e: {  	[sflag:s11] =	ssyncset.done $0x0  }
0x18f: {  	[sflag:s11] =	ssyncadd.s32 $0xFFFFFB00  }
0x190: {  	_ =	swait.ge [sflag:s11], $0x500  }
0x191: {  	s18 =	sadd.s32 $0x1, s18;
	[sflag:s11] =	ssyncset.done $0x0  }
0x192: {  	p0 =	sne.s32 s18, s9;
	[sflag:s11] =	ssyncadd.s32 $0xFFFFFB00  }
.Ltmp1:
0x193: {  	[bflag:$0x0] =	sbarrier.arrive $0xFFFF;
	(pc) =	sbr.rel @p0 .LBB2_1-.Ltmp1, $4  }
0x194: {  	[hbm:s8@s13], [sflag:s16] =	dma.strided [spmem:s10@s12], $0x4E2, s11, $0x2   }
0x195: {  	_ =	swait.ge [sflag:s17], $0x4E2  }
0x196: {  	[sflag:s17] =	ssyncset.done $0x0  }
0x197: {  	[sflag:s17] =	ssyncadd.s32 $0xFFFFFB1E  }
0x198: {  	_ =	sfence.sel $0x180000  }
0x199: {  	[bflag:$0x0] =	sbarrier.arrive $0xFFFF  }
0x19a: {  	p0 =	sne.s32 s0, $0x0;
	_ =	strace $0x90000047  }
0x19b: {  	s0 =	sadd.s32 @!p0 $0x100000, s1;
	[bflag:$0x2] =	sbarrier.arrive $0xFFFF  }
0x19c: {  	[sflag:s0] =	ssyncadd.tile.s32 @!p0 $0x1;
	_ =	shalt  }
.Lfunc_end2:
_tile_overlayer_lowered:
.L_overlay_start_2:
0x19d: {  	(tag) =	ssettag $0x2  }
0x19e: {  	s0 =	rddreg [dreg:$0x0];
	s2 =	stileid.u32  }
0x19f: {  	s1 =	rddreg [dreg:$0x1];
	p0 =	sne.s32 s2, $0x0  }
0x1a0: {  	s3 =	rddreg [dreg:$0x2];
	[bflag:$0x3] =	sbarrier.arrive $0xFFFF;
	s2 =	simm.s32 @!p0 $0x1C03  }
0x1a1: {  	[timem:s3], [sflag:s2] =	dma.local @!p0 [hbm:s0], s1  }
0x1a2: {  	s0 =	simm.s32 @!p0 $0x3  }
0x1a3: {  	_ =	swait.ge @!p0 [sflag:s0], s1  }
0x1a4: {  	s1 =	ssub.s32 @!p0 $0x0, s1;
	[sflag:s0] =	ssyncset.done @!p0 $0x0  }
0x1a5: {  	[sflag:s0] =	ssyncadd.s32 @!p0 s1  }
0x1a6: {  	[bflag:$0x3] =	sbarrier.arrive $0xFFFF  }
0x1a7: {  	_ =	shalt  }

</sc_bundles>
